<compile_context>
chip_gen: v7x
topology: tpu7x:2x2x1
jax: 0.10.2.dev20260603
libtpu: 0.0.44.dev20260713+nightly
codegen_flags: <defaults>
</compile_context>

<pallas_src>
import functools

import jax
import jax.numpy as jnp
from jax import lax
from jax.experimental import pallas as pl
from jax.experimental.pallas import tpu as pltpu
from jax.experimental.pallas import tpu_sc as plsc

N = 10000
D = 128
E = 320000

NC = 2
NS = 16
NW = NC * NS
CHUNK = 128
N_PAD = 10240
ROWS_PER_TILE = N_PAD // NS
PAD_IDX = N_PAD - 1
CH_PER_TILE = 80
N_CHUNKS = 2560
E_PAD = N_CHUNKS * CHUNK
NBUF = 2
CH0 = 80
CH1 = 80
CH_PHASE = 40
NPHASE0 = CH0 // CH_PHASE
NPHASE1 = CH1 // CH_PHASE

_mesh = plsc.VectorSubcoreMesh(core_axis_name="c", subcore_axis_name="s")



@functools.partial(
    pl.kernel,
    mesh=_mesh,
    out_type=jax.ShapeDtypeStruct((NC, N_PAD), jnp.float32),
    scratch_types=[
        pltpu.VMEM((CH_PER_TILE, 1, CHUNK), jnp.int32),
        pltpu.VMEM((CHUNK,), jnp.float32),
        pltpu.VMEM_SHARED((N_PAD,), jnp.float32),
    ],
)
def _sc_degree(dst_hbm, ones_hbm, zeros_hbm, out_hbm, dst_v, ones_v, acc_sh):
    c = lax.axis_index("c")
    s = lax.axis_index("s")
    pltpu.sync_copy(zeros_hbm, acc_sh.at[pl.ds(s * ROWS_PER_TILE, ROWS_PER_TILE)])
    pltpu.sync_copy(ones_hbm, ones_v)
    base = (c * NS + s) * CH_PER_TILE
    pltpu.sync_copy(dst_hbm.at[pl.ds(base, CH_PER_TILE)], dst_v)
    plsc.subcore_barrier()

    def body(j, carry):
        pltpu.sync_copy(ones_v, acc_sh.at[dst_v.at[j, 0]], add=True)
        return carry

    lax.fori_loop(0, CH_PER_TILE, body, 0)
    plsc.subcore_barrier()
    sl = pl.ds(s * ROWS_PER_TILE, ROWS_PER_TILE)
    pltpu.sync_copy(acc_sh.at[sl], out_hbm.at[c].at[sl])


@functools.partial(
    pl.kernel,
    mesh=_mesh,
    out_type=jax.ShapeDtypeStruct((NC, N_PAD, D), jnp.float32),
    scratch_types=[
        pltpu.VMEM((CH_PHASE, CHUNK), jnp.int32),
        pltpu.VMEM((CH_PHASE, 1, CHUNK), jnp.int32),
        pltpu.VMEM((CHUNK, D), jnp.float32),
        pltpu.VMEM((CHUNK, D), jnp.float32),
        pltpu.VMEM_SHARED((N_PAD, D), jnp.float32),
        pltpu.SemaphoreType.DMA((NBUF,)),
        pltpu.SemaphoreType.DMA((NBUF,)),
    ],
)
def _sc_accum(table_hbm, src_hbm, dst_hbm, out_hbm,
              src_v, dst_v, rb0, rb1, acc_sh, gsem, ssem):
    rows_v = (rb0, rb1)
    c = lax.axis_index("c")
    s = lax.axis_index("s")
    sl = pl.ds(s * ROWS_PER_TILE, ROWS_PER_TILE)

    zv = jnp.zeros((16,), jnp.float32)

    def zrow(i, carry):
        for k in range(D // 16):
            rb0[i, pl.ds(k * 16, 16)] = zv
        return carry

    lax.fori_loop(0, CHUNK, zrow, 0)
    for r in range(ROWS_PER_TILE // CHUNK):
        pltpu.sync_copy(rb0, acc_sh.at[pl.ds(s * ROWS_PER_TILE + r * CHUNK, CHUNK)])

    base = jnp.where(c == 0, s * CH0, NS * CH0 + s * CH1)
    nphase = jnp.where(c == 0, NPHASE0, NPHASE1)
    plsc.subcore_barrier()

    def run_phase(ph, carry):
        pbase = pl.multiple_of(base + ph * CH_PHASE, CH_PHASE)
        pltpu.sync_copy(src_hbm.at[pl.ds(pbase, CH_PHASE)], src_v)
        pltpu.sync_copy(dst_hbm.at[pl.ds(pbase, CH_PHASE)], dst_v)

        for b in range(NBUF):
            pltpu.async_copy(table_hbm.at[src_v.at[b]], rows_v[b], gsem.at[b])

        def outer(j0, carry2):
            for b in range(NBUF):
                j = j0 * NBUF + b
                pltpu.make_async_copy(table_hbm.at[src_v.at[j]], rows_v[b],
                                      gsem.at[b]).wait()
                pltpu.async_copy(rows_v[b], acc_sh.at[dst_v.at[j, 0]],
                                 ssem.at[b], add=True)
                pltpu.make_async_copy(rows_v[b], acc_sh.at[dst_v.at[j, 0]],
                                      ssem.at[b]).wait()

                @pl.when(j + NBUF < CH_PHASE)
                def _():
                    pltpu.async_copy(table_hbm.at[src_v.at[j + NBUF]],
                                     rows_v[b], gsem.at[b])
            return carry2

        lax.fori_loop(0, CH_PHASE // NBUF, outer, 0)
        return carry

    lax.fori_loop(0, nphase, run_phase, 0)
    plsc.subcore_barrier()
    pltpu.sync_copy(acc_sh.at[sl], out_hbm.at[c].at[sl])



def _tc_a0_body(x_ref, w_ref, h_ref):
    h_ref[...] = jnp.dot(x_ref[...], w_ref[...],
                         preferred_element_type=jnp.float32)


def _tc_a1_body(h_ref, degp_ref, hs_ref, dinv_ref):
    deg = degp_ref[0] + degp_ref[1] + 1.0
    dinv = lax.rsqrt(deg)
    hs_ref[...] = h_ref[...] * dinv
    dinv_ref[...] = dinv


def _tc_b_body(acc_ref, h1_ref, dinv_ref, w_ref, b_ref, a_ref, h2_ref, hs2_ref):
    dinv = dinv_ref[...]
    z = dinv * (acc_ref[0] + acc_ref[1]) + (dinv * dinv) * h1_ref[...] + b_ref[...]
    g = jnp.maximum(z, 0.0) + a_ref[0] * jnp.minimum(z, 0.0)
    h2 = jnp.dot(g, w_ref[...], preferred_element_type=jnp.float32)
    h2_ref[...] = h2
    hs2_ref[...] = h2 * dinv


def _tc_c_body(acc_ref, h2_ref, dinv_ref, b_ref, out_ref):
    dinv = dinv_ref[...]
    out_ref[...] = (dinv * (acc_ref[0] + acc_ref[1])
                    + (dinv * dinv) * h2_ref[...] + b_ref[...])


_f32 = jnp.float32
_SDS = jax.ShapeDtypeStruct

_tc_a0 = pl.pallas_call(_tc_a0_body, out_shape=_SDS((N_PAD, D), _f32))

_tc_a1 = pl.pallas_call(
    _tc_a1_body,
    out_shape=(_SDS((N_PAD, D), _f32), _SDS((N_PAD, 1), _f32)),
)

_tc_b = pl.pallas_call(
    _tc_b_body,
    out_shape=(_SDS((N_PAD, D), _f32), _SDS((N_PAD, D), _f32)),
)

_tc_c = pl.pallas_call(
    _tc_c_body,
    out_shape=_SDS((N_PAD, D), _f32),
)



def kernel(x, edge_index, W1, b1, W2, b2, a):
    ei = edge_index.astype(jnp.int32)
    pad = N + (jnp.arange(E_PAD - E, dtype=jnp.int32) % (N_PAD - N))
    src_p = jnp.concatenate([ei[0], pad]).reshape(N_CHUNKS, CHUNK)
    dst_p = jnp.concatenate([ei[1], pad]).reshape(N_CHUNKS, 1, CHUNK)
    x_pad = jnp.pad(x, ((0, N_PAD - N), (0, 0)))
    ones_c = jnp.ones((CHUNK,), _f32)
    zeros_r1 = jnp.zeros((ROWS_PER_TILE,), _f32)
    b1r = b1.reshape(1, D)
    b2r = b2.reshape(1, D)
    ar = a.reshape(1)

    degp = _sc_degree(dst_p, ones_c, zeros_r1)
    h1 = _tc_a0(x_pad, W1)
    hs1, dinv = _tc_a1(h1, degp.reshape(NC, N_PAD, 1))
    acc1 = _sc_accum(hs1, src_p, dst_p)
    h2, hs2 = _tc_b(acc1, h1, dinv, W2, b1r, ar)
    acc2 = _sc_accum(hs2, src_p, dst_p)
    out = _tc_c(acc2, h2, dinv, b2r)
    return out[:N]

# --- scband reference (transcript-rebuilt; emitter-appended) ---
"""Pipeline reference for scband-tig-encoder-3813930959233 (READ-ONLY COPY).

The authoritative reference and input builder live on the scoring server;
editing this copy changes nothing except your own understanding.
"""

import jax, jax.numpy as jnp
import numpy as np

N_NODES = 10000
N_EDGES = 320000
D = 128


def gcn_conv(x, edge_index, W, b):
    n = x.shape[0]
    src = edge_index[0]
    dst = edge_index[1]
    # add self-loops (PyG GCNConv default add_self_loops=True)
    loop = jnp.arange(n, dtype=src.dtype)
    src = jnp.concatenate([src, loop])
    dst = jnp.concatenate([dst, loop])
    # symmetric normalization: deg computed on dst (col)
    ones = jnp.ones(src.shape[0], dtype=x.dtype)
    deg = jax.ops.segment_sum(ones, dst, num_segments=n)
    deg_inv_sqrt = jnp.where(deg > 0, 1.0 / jnp.sqrt(deg), 0.0)
    norm = deg_inv_sqrt[src] * deg_inv_sqrt[dst]
    h = x @ W
    msg = h[src] * norm[:, None]
    out = jax.ops.segment_sum(msg, dst, num_segments=n)
    return out + b


def prelu(x, a):
    return jnp.maximum(x, 0.0) + a * jnp.minimum(x, 0.0)


def setup_inputs(seed: int = 0) -> dict:
    key = jax.random.key(seed)
    k1, k2, k3, k4, k5 = jax.random.split(key, 5)
    x = jax.random.normal(k1, (N_NODES, D), dtype=jnp.float32)
    edge_index = jax.random.randint(k2, (2, N_EDGES), 0, N_NODES, dtype=jnp.int64)
    W1 = jax.random.normal(k3, (D, D), dtype=jnp.float32) * (1.0 / np.sqrt(D))
    b1 = jnp.zeros((D,), dtype=jnp.float32)
    W2 = jax.random.normal(k4, (D, D), dtype=jnp.float32) * (1.0 / np.sqrt(D))
    b2 = jnp.zeros((D,), dtype=jnp.float32)
    a = jnp.array(0.25, dtype=jnp.float32)  # PReLU single-param default init
    return {"x": x, "edge_index": edge_index, "W1": W1, "b1": b1, "W2": W2, "b2": b2, "a": a}


def reference(x, edge_index, W1, b1, W2, b2, a):
    # k = 2: first GCN layer + PReLU, then final GCN layer (no activation)
    h = gcn_conv(x, edge_index, W1, b1)
    h = prelu(h, a)
    out = gcn_conv(h, edge_index, W2, b2)
    return out

if __name__ == "__main__":
    import jax
    _d = setup_inputs()
    print(jax.jit(kernel)(*tuple(_d.values())))

</pallas_src>

<mosaic_0001>
#map = affine_map<(d0, d1) -> (0, 0)>
#map1 = affine_map<(d0, d1) -> (0, 0, 0)>
module attributes {stable_mosaic.version = 14 : i64} {
  func.func @_sc_accum(%arg0: i32, %arg1: i32, %arg2: memref<10240x128xf32, #tpu.memory_space<hbm>>, %arg3: memref<2560x128xi32, #tpu.memory_space<hbm>>, %arg4: memref<2560x1x128xi32, #tpu.memory_space<hbm>>, %arg5: memref<2x10240x128xf32, #tpu.memory_space<hbm>>, %arg6: memref<40x128xi32, #tpu.memory_space<vmem>>, %arg7: memref<40x1x128xi32, #tpu.memory_space<vmem>>, %arg8: memref<128x128xf32, #tpu.memory_space<vmem>>, %arg9: memref<128x128xf32, #tpu.memory_space<vmem>>, %arg10: memref<10240x128xf32, #tpu.memory_space<vmem_shared>>, %arg11: memref<2x!tpu.dma_semaphore, #tpu.memory_space<semaphore_mem>>, %arg12: memref<2x!tpu.dma_semaphore, #tpu.memory_space<semaphore_mem>>) attributes {dimension_semantics = [#tpu.dimension_semantics<core_parallel>, #tpu.dimension_semantics<subcore_parallel>], iteration_bounds = array<i64: 2, 16>, scalar_prefetch = 0 : i64, scratch_operands = 7 : i64, tpu.core_type = #tpu.core_type<sc_vector_subcore>, window_params = [{transform_indices = #map}, {transform_indices = #map}, {transform_indices = #map1}, {transform_indices = #map1}]} {
    %mul3A = arith.constant 640 : i32
    %mul3A_0 = arith.muli %arg1, %mul3A : i32
    %broadcast_in_dim3A = arith.constant 0.000000e+00 : f32
    %broadcast_in_dim3A_1 = vector.broadcast %broadcast_in_dim3A : f32 to vector<16xf32>
    %scan3A = arith.constant 0 : i32
    %scan3A_2 = arith.constant 0 : i32
    %scan3A_3 = arith.constant 128 : i32
    %scan3A_4 = arith.addi %scan3A_2, %scan3A_3 : i32
    %scan3A_5 = arith.constant 1 : i32
    scf.for %scan3A_47 = %scan3A_2 to %scan3A_4 step %scan3A_5  : i32 {
      %swap3A = arith.index_cast %scan3A_47 : i32 to index
      %swap3A_48 = arith.constant 0 : index
      %swap3A_49 = tpu.vector_load %arg8[%swap3A, %swap3A_48] {strides = array<i32>} : memref<128x128xf32, #tpu.memory_space<vmem>>, vector<1x16xf32>,
      %swap3A_50 = vector.shape_cast %swap3A_49 : vector<1x16xf32> to vector<16xf32>
      %swap3A_51 = vector.shape_cast %broadcast_in_dim3A_1 : vector<16xf32> to vector<1x16xf32>
      tpu.vector_store %arg8[%swap3A, %swap3A_48], %swap3A_51 {strides = array<i32>} : memref<128x128xf32, #tpu.memory_space<vmem>>, vector<1x16xf32>,
      %swap3A_52 = arith.index_cast %scan3A_47 : i32 to index
      %swap3A_53 = arith.constant 16 : index
      %swap3A_54 = tpu.vector_load %arg8[%swap3A_52, %swap3A_53] {strides = array<i32>} : memref<128x128xf32, #tpu.memory_space<vmem>>, vector<1x16xf32>,
      %swap3A_55 = vector.shape_cast %swap3A_54 : vector<1x16xf32> to vector<16xf32>
      %swap3A_56 = vector.shape_cast %broadcast_in_dim3A_1 : vector<16xf32> to vector<1x16xf32>
      tpu.vector_store %arg8[%swap3A_52, %swap3A_53], %swap3A_56 {strides = array<i32>} : memref<128x128xf32, #tpu.memory_space<vmem>>, vector<1x16xf32>,
      %swap3A_57 = arith.index_cast %scan3A_47 : i32 to index
      %swap3A_58 = arith.constant 32 : index
      %swap3A_59 = tpu.vector_load %arg8[%swap3A_57, %swap3A_58] {strides = array<i32>} : memref<128x128xf32, #tpu.memory_space<vmem>>, vector<1x16xf32>,
      %swap3A_60 = vector.shape_cast %swap3A_59 : vector<1x16xf32> to vector<16xf32>
      %swap3A_61 = vector.shape_cast %broadcast_in_dim3A_1 : vector<16xf32> to vector<1x16xf32>
      tpu.vector_store %arg8[%swap3A_57, %swap3A_58], %swap3A_61 {strides = array<i32>} : memref<128x128xf32, #tpu.memory_space<vmem>>, vector<1x16xf32>,
      %swap3A_62 = arith.index_cast %scan3A_47 : i32 to index
      %swap3A_63 = arith.constant 48 : index
      %swap3A_64 = tpu.vector_load %arg8[%swap3A_62, %swap3A_63] {strides = array<i32>} : memref<128x128xf32, #tpu.memory_space<vmem>>, vector<1x16xf32>,
      %swap3A_65 = vector.shape_cast %swap3A_64 : vector<1x16xf32> to vector<16xf32>
      %swap3A_66 = vector.shape_cast %broadcast_in_dim3A_1 : vector<16xf32> to vector<1x16xf32>
      tpu.vector_store %arg8[%swap3A_62, %swap3A_63], %swap3A_66 {strides = array<i32>} : memref<128x128xf32, #tpu.memory_space<vmem>>, vector<1x16xf32>,
      %swap3A_67 = arith.index_cast %scan3A_47 : i32 to index
      %swap3A_68 = arith.constant 64 : index
      %swap3A_69 = tpu.vector_load %arg8[%swap3A_67, %swap3A_68] {strides = array<i32>} : memref<128x128xf32, #tpu.memory_space<vmem>>, vector<1x16xf32>,
      %swap3A_70 = vector.shape_cast %swap3A_69 : vector<1x16xf32> to vector<16xf32>
      %swap3A_71 = vector.shape_cast %broadcast_in_dim3A_1 : vector<16xf32> to vector<1x16xf32>
      tpu.vector_store %arg8[%swap3A_67, %swap3A_68], %swap3A_71 {strides = array<i32>} : memref<128x128xf32, #tpu.memory_space<vmem>>, vector<1x16xf32>,
      %swap3A_72 = arith.index_cast %scan3A_47 : i32 to index
      %swap3A_73 = arith.constant 80 : index
      %swap3A_74 = tpu.vector_load %arg8[%swap3A_72, %swap3A_73] {strides = array<i32>} : memref<128x128xf32, #tpu.memory_space<vmem>>, vector<1x16xf32>,
      %swap3A_75 = vector.shape_cast %swap3A_74 : vector<1x16xf32> to vector<16xf32>
      %swap3A_76 = vector.shape_cast %broadcast_in_dim3A_1 : vector<16xf32> to vector<1x16xf32>
      tpu.vector_store %arg8[%swap3A_72, %swap3A_73], %swap3A_76 {strides = array<i32>} : memref<128x128xf32, #tpu.memory_space<vmem>>, vector<1x16xf32>,
      %swap3A_77 = arith.index_cast %scan3A_47 : i32 to index
      %swap3A_78 = arith.constant 96 : index
      %swap3A_79 = tpu.vector_load %arg8[%swap3A_77, %swap3A_78] {strides = array<i32>} : memref<128x128xf32, #tpu.memory_space<vmem>>, vector<1x16xf32>,
      %swap3A_80 = vector.shape_cast %swap3A_79 : vector<1x16xf32> to vector<16xf32>
      %swap3A_81 = vector.shape_cast %broadcast_in_dim3A_1 : vector<16xf32> to vector<1x16xf32>
      tpu.vector_store %arg8[%swap3A_77, %swap3A_78], %swap3A_81 {strides = array<i32>} : memref<128x128xf32, #tpu.memory_space<vmem>>, vector<1x16xf32>,
      %swap3A_82 = arith.index_cast %scan3A_47 : i32 to index
      %swap3A_83 = arith.constant 112 : index
      %swap3A_84 = tpu.vector_load %arg8[%swap3A_82, %swap3A_83] {strides = array<i32>} : memref<128x128xf32, #tpu.memory_space<vmem>>, vector<1x16xf32>,
      %swap3A_85 = vector.shape_cast %swap3A_84 : vector<1x16xf32> to vector<16xf32>
      %swap3A_86 = vector.shape_cast %broadcast_in_dim3A_1 : vector<16xf32> to vector<1x16xf32>
      tpu.vector_store %arg8[%swap3A_82, %swap3A_83], %swap3A_86 {strides = array<i32>} : memref<128x128xf32, #tpu.memory_space<vmem>>, vector<1x16xf32>,
    }
    %scan3A_6 = arith.constant 128 : i32
    %mul3A_7 = arith.constant 640 : i32
    %mul3A_8 = arith.muli %arg1, %mul3A_7 : i32
    %add3A = arith.constant 0 : i32
    %add3A_9 = arith.addi %mul3A_8, %add3A : i32
    "tpu.region"() ({
      %run_scoped3A = tpu.sem_alloc : memref<!tpu.dma_semaphore, #tpu.memory_space<semaphore_mem>>
      %dma_start3A = arith.constant 0 : i32
      %dma_start3A_47 = tpu.memref_slice %arg10[%add3A_9, %dma_start3A] : memref<10240x128xf32, #tpu.memory_space<vmem_shared>> -> memref<128x128xf32, #tpu.memory_space<vmem_shared>>
      %dma_start3A_48 = arith.constant 0 : i32
      %dma_start3A_49 = tpu.memref_slice %arg10[%add3A_9, %dma_start3A_48] : memref<10240x128xf32, #tpu.memory_space<vmem_shared>> -> memref<128x128xf32, #tpu.memory_space<vmem_shared>>
      tpu.enqueue_dma source(%arg8 : memref<128x128xf32, #tpu.memory_space<vmem>>) target(%dma_start3A_49 : memref<128x128xf32, #tpu.memory_space<vmem_shared>>) target_semaphore(%run_scoped3A : memref<!tpu.dma_semaphore, #tpu.memory_space<semaphore_mem>>)
      %dma_wait3A = arith.constant 0 : i32
      %dma_wait3A_50 = tpu.memref_slice %arg10[%add3A_9, %dma_wait3A] : memref<10240x128xf32, #tpu.memory_space<vmem_shared>> -> memref<128x128xf32, #tpu.memory_space<vmem_shared>>
      %dma_wait3A_51 = arith.constant 0 : i32
      %dma_wait3A_52 = tpu.memref_slice %arg10[%add3A_9, %dma_wait3A_51] : memref<10240x128xf32, #tpu.memory_space<vmem_shared>> -> memref<128x128xf32, #tpu.memory_space<vmem_shared>>
      tpu.wait_dma2 semaphore(%run_scoped3A : memref<!tpu.dma_semaphore, #tpu.memory_space<semaphore_mem>>) src(%arg8 : memref<128x128xf32, #tpu.memory_space<vmem>>) dst(%dma_wait3A_52 : memref<128x128xf32, #tpu.memory_space<vmem_shared>>)
      tpu.yield
    }) : () -> ()
    %mul3A_10 = arith.constant 640 : i32
    %mul3A_11 = arith.muli %arg1, %mul3A_10 : i32
    %add3A_12 = arith.constant 128 : i32
    %add3A_13 = arith.addi %mul3A_11, %add3A_12 : i32
    "tpu.region"() ({
      %run_scoped3A = tpu.sem_alloc : memref<!tpu.dma_semaphore, #tpu.memory_space<semaphore_mem>>
      %dma_start3A = arith.constant 0 : i32
      %dma_start3A_47 = tpu.memref_slice %arg10[%add3A_13, %dma_start3A] : memref<10240x128xf32, #tpu.memory_space<vmem_shared>> -> memref<128x128xf32, #tpu.memory_space<vmem_shared>>
      %dma_start3A_48 = arith.constant 0 : i32
      %dma_start3A_49 = tpu.memref_slice %arg10[%add3A_13, %dma_start3A_48] : memref<10240x128xf32, #tpu.memory_space<vmem_shared>> -> memref<128x128xf32, #tpu.memory_space<vmem_shared>>
      tpu.enqueue_dma source(%arg8 : memref<128x128xf32, #tpu.memory_space<vmem>>) target(%dma_start3A_49 : memref<128x128xf32, #tpu.memory_space<vmem_shared>>) target_semaphore(%run_scoped3A : memref<!tpu.dma_semaphore, #tpu.memory_space<semaphore_mem>>)
      %dma_wait3A = arith.constant 0 : i32
      %dma_wait3A_50 = tpu.memref_slice %arg10[%add3A_13, %dma_wait3A] : memref<10240x128xf32, #tpu.memory_space<vmem_shared>> -> memref<128x128xf32, #tpu.memory_space<vmem_shared>>
      %dma_wait3A_51 = arith.constant 0 : i32
      %dma_wait3A_52 = tpu.memref_slice %arg10[%add3A_13, %dma_wait3A_51] : memref<10240x128xf32, #tpu.memory_space<vmem_shared>> -> memref<128x128xf32, #tpu.memory_space<vmem_shared>>
      tpu.wait_dma2 semaphore(%run_scoped3A : memref<!tpu.dma_semaphore, #tpu.memory_space<semaphore_mem>>) src(%arg8 : memref<128x128xf32, #tpu.memory_space<vmem>>) dst(%dma_wait3A_52 : memref<128x128xf32, #tpu.memory_space<vmem_shared>>)
      tpu.yield
    }) : () -> ()
    %mul3A_14 = arith.constant 640 : i32
    %mul3A_15 = arith.muli %arg1, %mul3A_14 : i32
    %add3A_16 = arith.constant 256 : i32
    %add3A_17 = arith.addi %mul3A_15, %add3A_16 : i32
    "tpu.region"() ({
      %run_scoped3A = tpu.sem_alloc : memref<!tpu.dma_semaphore, #tpu.memory_space<semaphore_mem>>
      %dma_start3A = arith.constant 0 : i32
      %dma_start3A_47 = tpu.memref_slice %arg10[%add3A_17, %dma_start3A] : memref<10240x128xf32, #tpu.memory_space<vmem_shared>> -> memref<128x128xf32, #tpu.memory_space<vmem_shared>>
      %dma_start3A_48 = arith.constant 0 : i32
      %dma_start3A_49 = tpu.memref_slice %arg10[%add3A_17, %dma_start3A_48] : memref<10240x128xf32, #tpu.memory_space<vmem_shared>> -> memref<128x128xf32, #tpu.memory_space<vmem_shared>>
      tpu.enqueue_dma source(%arg8 : memref<128x128xf32, #tpu.memory_space<vmem>>) target(%dma_start3A_49 : memref<128x128xf32, #tpu.memory_space<vmem_shared>>) target_semaphore(%run_scoped3A : memref<!tpu.dma_semaphore, #tpu.memory_space<semaphore_mem>>)
      %dma_wait3A = arith.constant 0 : i32
      %dma_wait3A_50 = tpu.memref_slice %arg10[%add3A_17, %dma_wait3A] : memref<10240x128xf32, #tpu.memory_space<vmem_shared>> -> memref<128x128xf32, #tpu.memory_space<vmem_shared>>
      %dma_wait3A_51 = arith.constant 0 : i32
      %dma_wait3A_52 = tpu.memref_slice %arg10[%add3A_17, %dma_wait3A_51] : memref<10240x128xf32, #tpu.memory_space<vmem_shared>> -> memref<128x128xf32, #tpu.memory_space<vmem_shared>>
      tpu.wait_dma2 semaphore(%run_scoped3A : memref<!tpu.dma_semaphore, #tpu.memory_space<semaphore_mem>>) src(%arg8 : memref<128x128xf32, #tpu.memory_space<vmem>>) dst(%dma_wait3A_52 : memref<128x128xf32, #tpu.memory_space<vmem_shared>>)
      tpu.yield
    }) : () -> ()
    %mul3A_18 = arith.constant 640 : i32
    %mul3A_19 = arith.muli %arg1, %mul3A_18 : i32
    %add3A_20 = arith.constant 384 : i32
    %add3A_21 = arith.addi %mul3A_19, %add3A_20 : i32
    "tpu.region"() ({
      %run_scoped3A = tpu.sem_alloc : memref<!tpu.dma_semaphore, #tpu.memory_space<semaphore_mem>>
      %dma_start3A = arith.constant 0 : i32
      %dma_start3A_47 = tpu.memref_slice %arg10[%add3A_21, %dma_start3A] : memref<10240x128xf32, #tpu.memory_space<vmem_shared>> -> memref<128x128xf32, #tpu.memory_space<vmem_shared>>
      %dma_start3A_48 = arith.constant 0 : i32
      %dma_start3A_49 = tpu.memref_slice %arg10[%add3A_21, %dma_start3A_48] : memref<10240x128xf32, #tpu.memory_space<vmem_shared>> -> memref<128x128xf32, #tpu.memory_space<vmem_shared>>
      tpu.enqueue_dma source(%arg8 : memref<128x128xf32, #tpu.memory_space<vmem>>) target(%dma_start3A_49 : memref<128x128xf32, #tpu.memory_space<vmem_shared>>) target_semaphore(%run_scoped3A : memref<!tpu.dma_semaphore, #tpu.memory_space<semaphore_mem>>)
      %dma_wait3A = arith.constant 0 : i32
      %dma_wait3A_50 = tpu.memref_slice %arg10[%add3A_21, %dma_wait3A] : memref<10240x128xf32, #tpu.memory_space<vmem_shared>> -> memref<128x128xf32, #tpu.memory_space<vmem_shared>>
      %dma_wait3A_51 = arith.constant 0 : i32
      %dma_wait3A_52 = tpu.memref_slice %arg10[%add3A_21, %dma_wait3A_51] : memref<10240x128xf32, #tpu.memory_space<vmem_shared>> -> memref<128x128xf32, #tpu.memory_space<vmem_shared>>
      tpu.wait_dma2 semaphore(%run_scoped3A : memref<!tpu.dma_semaphore, #tpu.memory_space<semaphore_mem>>) src(%arg8 : memref<128x128xf32, #tpu.memory_space<vmem>>) dst(%dma_wait3A_52 : memref<128x128xf32, #tpu.memory_space<vmem_shared>>)
      tpu.yield
    }) : () -> ()
    %mul3A_22 = arith.constant 640 : i32
    %mul3A_23 = arith.muli %arg1, %mul3A_22 : i32
    %add3A_24 = arith.constant 512 : i32
    %add3A_25 = arith.addi %mul3A_23, %add3A_24 : i32
    "tpu.region"() ({
      %run_scoped3A = tpu.sem_alloc : memref<!tpu.dma_semaphore, #tpu.memory_space<semaphore_mem>>
      %dma_start3A = arith.constant 0 : i32
      %dma_start3A_47 = tpu.memref_slice %arg10[%add3A_25, %dma_start3A] : memref<10240x128xf32, #tpu.memory_space<vmem_shared>> -> memref<128x128xf32, #tpu.memory_space<vmem_shared>>
      %dma_start3A_48 = arith.constant 0 : i32
      %dma_start3A_49 = tpu.memref_slice %arg10[%add3A_25, %dma_start3A_48] : memref<10240x128xf32, #tpu.memory_space<vmem_shared>> -> memref<128x128xf32, #tpu.memory_space<vmem_shared>>
      tpu.enqueue_dma source(%arg8 : memref<128x128xf32, #tpu.memory_space<vmem>>) target(%dma_start3A_49 : memref<128x128xf32, #tpu.memory_space<vmem_shared>>) target_semaphore(%run_scoped3A : memref<!tpu.dma_semaphore, #tpu.memory_space<semaphore_mem>>)
      %dma_wait3A = arith.constant 0 : i32
      %dma_wait3A_50 = tpu.memref_slice %arg10[%add3A_25, %dma_wait3A] : memref<10240x128xf32, #tpu.memory_space<vmem_shared>> -> memref<128x128xf32, #tpu.memory_space<vmem_shared>>
      %dma_wait3A_51 = arith.constant 0 : i32
      %dma_wait3A_52 = tpu.memref_slice %arg10[%add3A_25, %dma_wait3A_51] : memref<10240x128xf32, #tpu.memory_space<vmem_shared>> -> memref<128x128xf32, #tpu.memory_space<vmem_shared>>
      tpu.wait_dma2 semaphore(%run_scoped3A : memref<!tpu.dma_semaphore, #tpu.memory_space<semaphore_mem>>) src(%arg8 : memref<128x128xf32, #tpu.memory_space<vmem>>) dst(%dma_wait3A_52 : memref<128x128xf32, #tpu.memory_space<vmem_shared>>)
      tpu.yield
    }) : () -> ()
    %eq3A = arith.constant 0 : i32
    %eq3A_26 = arith.cmpi eq, %arg0, %eq3A : i32
    %mul3A_27 = arith.constant 80 : i32
    %mul3A_28 = arith.muli %arg1, %mul3A_27 : i32
    %mul3A_29 = arith.constant 80 : i32
    %mul3A_30 = arith.muli %arg1, %mul3A_29 : i32
    %add3A_31 = arith.constant 1280 : i32
    %add3A_32 = arith.addi %add3A_31, %mul3A_30 : i32
    %select_n3A = arith.select %eq3A_26, %mul3A_28, %add3A_32 : i32
    %eq3A_33 = arith.constant 0 : i32
    %eq3A_34 = arith.cmpi eq, %arg0, %eq3A_33 : i32
    %jit3A = arith.constant 2 : i32
    %jit3A_35 = arith.constant 2 : i32
    %select_n3A_36 = arith.select %eq3A_34, %jit3A, %jit3A_35 : i32
    %barrier3A = arith.constant 0 : index
    tpu.barrier barrier_id(%barrier3A)
    %while3A = arith.constant 0 : i32
    %while3A_37 = arith.constant 0 : i32
    %while3A_38 = arith.subi %select_n3A_36, %while3A_37 : i32
    %while3A_39 = arith.addi %while3A_37, %while3A_38 : i32
    %while3A_40 = arith.constant 1 : i32
    %while3A_41 = arith.divsi %while3A_38, %while3A_40 : i32
    %while3A_42 = arith.muli %while3A_41, %while3A_40 : i32
    %while3A_43 = arith.addi %while3A_37, %while3A_42 : i32
    %while3A_44 = arith.constant 1 : i32
    scf.for %while3A_47 = %while3A_37 to %while3A_43 step %while3A_44  : i32 {
      %mul3A_48 = arith.constant 40 : i32
      %mul3A_49 = arith.muli %while3A_47, %mul3A_48 : i32
      %add3A_50 = arith.addi %select_n3A, %mul3A_49 : i32
      %multiple_of3A = tpu.assume_multiple %add3A_50, 40 : i32
      "tpu.region"() ({
        %run_scoped3A = tpu.sem_alloc : memref<!tpu.dma_semaphore, #tpu.memory_space<semaphore_mem>>
        %dma_start3A_76 = arith.constant 0 : i32
        %dma_start3A_77 = tpu.memref_slice %arg3[%multiple_of3A, %dma_start3A_76] : memref<2560x128xi32, #tpu.memory_space<hbm>> -> memref<40x128xi32, #tpu.memory_space<hbm>>
        %dma_start3A_78 = arith.constant 0 : i32
        %dma_start3A_79 = tpu.memref_slice %arg3[%multiple_of3A, %dma_start3A_78] : memref<2560x128xi32, #tpu.memory_space<hbm>> -> memref<40x128xi32, #tpu.memory_space<hbm>>
        tpu.enqueue_dma source(%dma_start3A_79 : memref<40x128xi32, #tpu.memory_space<hbm>>) target(%arg6 : memref<40x128xi32, #tpu.memory_space<vmem>>) target_semaphore(%run_scoped3A : memref<!tpu.dma_semaphore, #tpu.memory_space<semaphore_mem>>)
        %dma_wait3A = arith.constant 0 : i32
        %dma_wait3A_80 = tpu.memref_slice %arg3[%multiple_of3A, %dma_wait3A] : memref<2560x128xi32, #tpu.memory_space<hbm>> -> memref<40x128xi32, #tpu.memory_space<hbm>>
        %dma_wait3A_81 = arith.constant 0 : i32
        %dma_wait3A_82 = tpu.memref_slice %arg3[%multiple_of3A, %dma_wait3A_81] : memref<2560x128xi32, #tpu.memory_space<hbm>> -> memref<40x128xi32, #tpu.memory_space<hbm>>
        tpu.wait_dma2 semaphore(%run_scoped3A : memref<!tpu.dma_semaphore, #tpu.memory_space<semaphore_mem>>) src(%dma_wait3A_82 : memref<40x128xi32, #tpu.memory_space<hbm>>) dst(%arg6 : memref<40x128xi32, #tpu.memory_space<vmem>>)
        tpu.yield
      }) : () -> ()
      "tpu.region"() ({
        %run_scoped3A = tpu.sem_alloc : memref<!tpu.dma_semaphore, #tpu.memory_space<semaphore_mem>>
        %dma_start3A_76 = arith.constant 0 : i32
        %dma_start3A_77 = arith.constant 0 : i32
        %dma_start3A_78 = tpu.memref_slice %arg4[%multiple_of3A, %dma_start3A_76, %dma_start3A_77] : memref<2560x1x128xi32, #tpu.memory_space<hbm>> -> memref<40x1x128xi32, #tpu.memory_space<hbm>>
        %dma_start3A_79 = arith.constant 0 : i32
        %dma_start3A_80 = arith.constant 0 : i32
        %dma_start3A_81 = tpu.memref_slice %arg4[%multiple_of3A, %dma_start3A_79, %dma_start3A_80] : memref<2560x1x128xi32, #tpu.memory_space<hbm>> -> memref<40x1x128xi32, #tpu.memory_space<hbm>>
        tpu.enqueue_dma source(%dma_start3A_81 : memref<40x1x128xi32, #tpu.memory_space<hbm>>) target(%arg7 : memref<40x1x128xi32, #tpu.memory_space<vmem>>) target_semaphore(%run_scoped3A : memref<!tpu.dma_semaphore, #tpu.memory_space<semaphore_mem>>)
        %dma_wait3A = arith.constant 0 : i32
        %dma_wait3A_82 = arith.constant 0 : i32
        %dma_wait3A_83 = tpu.memref_slice %arg4[%multiple_of3A, %dma_wait3A, %dma_wait3A_82] : memref<2560x1x128xi32, #tpu.memory_space<hbm>> -> memref<40x1x128xi32, #tpu.memory_space<hbm>>
        %dma_wait3A_84 = arith.constant 0 : i32
        %dma_wait3A_85 = arith.constant 0 : i32
        %dma_wait3A_86 = tpu.memref_slice %arg4[%multiple_of3A, %dma_wait3A_84, %dma_wait3A_85] : memref<2560x1x128xi32, #tpu.memory_space<hbm>> -> memref<40x1x128xi32, #tpu.memory_space<hbm>>
        tpu.wait_dma2 semaphore(%run_scoped3A : memref<!tpu.dma_semaphore, #tpu.memory_space<semaphore_mem>>) src(%dma_wait3A_86 : memref<40x1x128xi32, #tpu.memory_space<hbm>>) dst(%arg7 : memref<40x1x128xi32, #tpu.memory_space<vmem>>)
        tpu.yield
      }) : () -> ()
      %dma_start3A = arith.constant 0 : i32
      %dma_start3A_51 = arith.constant 0 : i32
      %dma_start3A_52 = arith.constant 0 : i32
      %dma_start3A_53 = tpu.memref_slice %arg6[%dma_start3A, %dma_start3A_52] : memref<40x128xi32, #tpu.memory_space<vmem>> -> memref<1x128xi32, #tpu.memory_space<vmem>>
      %dma_start3A_54 = tpu.memref_squeeze %dma_start3A_53 : memref<1x128xi32, #tpu.memory_space<vmem>> -> memref<128xi32, #tpu.memory_space<vmem>>
      %dma_start3A_55 = arith.constant 0 : i32
      %dma_start3A_56 = arith.constant 0 : i32
      %dma_start3A_57 = tpu.memref_slice %arg2[%dma_start3A_55, %dma_start3A_56] : memref<10240x128xf32, #tpu.memory_space<hbm>> -> memref<10240x128xf32, #tpu.memory_space<hbm>>
      %dma_start3A_58 = tpu.memref_slice %arg11[%dma_start3A_51] : memref<2x!tpu.dma_semaphore, #tpu.memory_space<semaphore_mem>> -> memref<1x!tpu.dma_semaphore, #tpu.memory_space<semaphore_mem>>
      %dma_start3A_59 = tpu.memref_squeeze %dma_start3A_58 : memref<1x!tpu.dma_semaphore, #tpu.memory_space<semaphore_mem>> -> memref<!tpu.dma_semaphore, #tpu.memory_space<semaphore_mem>>
      tpu.enqueue_indirect_dma source(%dma_start3A_57 : memref<10240x128xf32, #tpu.memory_space<hbm>>) target(%arg8 : memref<128x128xf32, #tpu.memory_space<vmem>>) offsets(%dma_start3A_54 : memref<128xi32, #tpu.memory_space<vmem>>) semaphore(%dma_start3A_59 : memref<!tpu.dma_semaphore, #tpu.memory_space<semaphore_mem>>)
      %dma_start3A_60 = arith.constant 1 : i32
      %dma_start3A_61 = arith.constant 1 : i32
      %dma_start3A_62 = arith.constant 0 : i32
      %dma_start3A_63 = tpu.memref_slice %arg6[%dma_start3A_60, %dma_start3A_62] : memref<40x128xi32, #tpu.memory_space<vmem>> -> memref<1x128xi32, #tpu.memory_space<vmem>>
      %dma_start3A_64 = tpu.memref_squeeze %dma_start3A_63 : memref<1x128xi32, #tpu.memory_space<vmem>> -> memref<128xi32, #tpu.memory_space<vmem>>
      %dma_start3A_65 = arith.constant 0 : i32
      %dma_start3A_66 = arith.constant 0 : i32
      %dma_start3A_67 = tpu.memref_slice %arg2[%dma_start3A_65, %dma_start3A_66] : memref<10240x128xf32, #tpu.memory_space<hbm>> -> memref<10240x128xf32, #tpu.memory_space<hbm>>
      %dma_start3A_68 = tpu.memref_slice %arg11[%dma_start3A_61] : memref<2x!tpu.dma_semaphore, #tpu.memory_space<semaphore_mem>> -> memref<1x!tpu.dma_semaphore, #tpu.memory_space<semaphore_mem>>
      %dma_start3A_69 = tpu.memref_squeeze %dma_start3A_68 : memref<1x!tpu.dma_semaphore, #tpu.memory_space<semaphore_mem>> -> memref<!tpu.dma_semaphore, #tpu.memory_space<semaphore_mem>>
      tpu.enqueue_indirect_dma source(%dma_start3A_67 : memref<10240x128xf32, #tpu.memory_space<hbm>>) target(%arg9 : memref<128x128xf32, #tpu.memory_space<vmem>>) offsets(%dma_start3A_64 : memref<128xi32, #tpu.memory_space<vmem>>) semaphore(%dma_start3A_69 : memref<!tpu.dma_semaphore, #tpu.memory_space<semaphore_mem>>)
      %scan3A_70 = arith.constant 0 : i32
      %scan3A_71 = arith.constant 0 : i32
      %scan3A_72 = arith.constant 20 : i32
      %scan3A_73 = arith.addi %scan3A_71, %scan3A_72 : i32
      %scan3A_74 = arith.constant 1 : i32
      scf.for %scan3A_76 = %scan3A_71 to %scan3A_73 step %scan3A_74  : i32 {
        %mul3A_77 = arith.constant 2 : i32
        %mul3A_78 = arith.muli %scan3A_76, %mul3A_77 : i32
        %add3A_79 = arith.constant 0 : i32
        %add3A_80 = arith.addi %mul3A_78, %add3A_79 : i32
        %dma_wait3A = arith.constant 0 : i32
        %dma_wait3A_81 = arith.constant 0 : i32
        %dma_wait3A_82 = tpu.memref_slice %arg6[%add3A_80, %dma_wait3A_81] : memref<40x128xi32, #tpu.memory_space<vmem>> -> memref<1x128xi32, #tpu.memory_space<vmem>>
        %dma_wait3A_83 = tpu.memref_squeeze %dma_wait3A_82 : memref<1x128xi32, #tpu.memory_space<vmem>> -> memref<128xi32, #tpu.memory_space<vmem>>
        %dma_wait3A_84 = arith.constant 0 : i32
        %dma_wait3A_85 = arith.constant 0 : i32
        %dma_wait3A_86 = tpu.memref_slice %arg2[%dma_wait3A_84, %dma_wait3A_85] : memref<10240x128xf32, #tpu.memory_space<hbm>> -> memref<10240x128xf32, #tpu.memory_space<hbm>>
        %dma_wait3A_87 = tpu.memref_slice %arg11[%dma_wait3A] : memref<2x!tpu.dma_semaphore, #tpu.memory_space<semaphore_mem>> -> memref<1x!tpu.dma_semaphore, #tpu.memory_space<semaphore_mem>>
        %dma_wait3A_88 = tpu.memref_squeeze %dma_wait3A_87 : memref<1x!tpu.dma_semaphore, #tpu.memory_space<semaphore_mem>> -> memref<!tpu.dma_semaphore, #tpu.memory_space<semaphore_mem>>
        tpu.wait_indirect_dma semaphore(%dma_wait3A_88 : memref<!tpu.dma_semaphore, #tpu.memory_space<semaphore_mem>>) src(%dma_wait3A_86 : memref<10240x128xf32, #tpu.memory_space<hbm>>) dst(%arg8 : memref<128x128xf32, #tpu.memory_space<vmem>>)
        %dma_start3A_89 = arith.constant 0 : i32
        %dma_start3A_90 = arith.constant 0 : i32
        %dma_start3A_91 = arith.constant 0 : i32
        %dma_start3A_92 = tpu.memref_slice %arg7[%add3A_80, %dma_start3A_89, %dma_start3A_91] : memref<40x1x128xi32, #tpu.memory_space<vmem>> -> memref<1x1x128xi32, #tpu.memory_space<vmem>>
        %dma_start3A_93 = tpu.memref_squeeze %dma_start3A_92 : memref<1x1x128xi32, #tpu.memory_space<vmem>> -> memref<128xi32, #tpu.memory_space<vmem>>
        %dma_start3A_94 = arith.constant 0 : i32
        %dma_start3A_95 = arith.constant 0 : i32
        %dma_start3A_96 = tpu.memref_slice %arg10[%dma_start3A_94, %dma_start3A_95] : memref<10240x128xf32, #tpu.memory_space<vmem_shared>> -> memref<10240x128xf32, #tpu.memory_space<vmem_shared>>
        %dma_start3A_97 = tpu.memref_slice %arg12[%dma_start3A_90] : memref<2x!tpu.dma_semaphore, #tpu.memory_space<semaphore_mem>> -> memref<1x!tpu.dma_semaphore, #tpu.memory_space<semaphore_mem>>
        %dma_start3A_98 = tpu.memref_squeeze %dma_start3A_97 : memref<1x!tpu.dma_semaphore, #tpu.memory_space<semaphore_mem>> -> memref<!tpu.dma_semaphore, #tpu.memory_space<semaphore_mem>>
        tpu.enqueue_indirect_dma source(%arg8 : memref<128x128xf32, #tpu.memory_space<vmem>>) target(%dma_start3A_96 : memref<10240x128xf32, #tpu.memory_space<vmem_shared>>) offsets(%dma_start3A_93 : memref<128xi32, #tpu.memory_space<vmem>>) semaphore(%dma_start3A_98 : memref<!tpu.dma_semaphore, #tpu.memory_space<semaphore_mem>>) {add = true}
        %dma_wait3A_99 = arith.constant 0 : i32
        %dma_wait3A_100 = arith.constant 0 : i32
        %dma_wait3A_101 = arith.constant 0 : i32
        %dma_wait3A_102 = tpu.memref_slice %arg7[%add3A_80, %dma_wait3A_99, %dma_wait3A_101] : memref<40x1x128xi32, #tpu.memory_space<vmem>> -> memref<1x1x128xi32, #tpu.memory_space<vmem>>
        %dma_wait3A_103 = tpu.memref_squeeze %dma_wait3A_102 : memref<1x1x128xi32, #tpu.memory_space<vmem>> -> memref<128xi32, #tpu.memory_space<vmem>>
        %dma_wait3A_104 = arith.constant 0 : i32
        %dma_wait3A_105 = arith.constant 0 : i32
        %dma_wait3A_106 = tpu.memref_slice %arg10[%dma_wait3A_104, %dma_wait3A_105] : memref<10240x128xf32, #tpu.memory_space<vmem_shared>> -> memref<10240x128xf32, #tpu.memory_space<vmem_shared>>
        %dma_wait3A_107 = tpu.memref_slice %arg12[%dma_wait3A_100] : memref<2x!tpu.dma_semaphore, #tpu.memory_space<semaphore_mem>> -> memref<1x!tpu.dma_semaphore, #tpu.memory_space<semaphore_mem>>
        %dma_wait3A_108 = tpu.memref_squeeze %dma_wait3A_107 : memref<1x!tpu.dma_semaphore, #tpu.memory_space<semaphore_mem>> -> memref<!tpu.dma_semaphore, #tpu.memory_space<semaphore_mem>>
        tpu.wait_indirect_dma semaphore(%dma_wait3A_108 : memref<!tpu.dma_semaphore, #tpu.memory_space<semaphore_mem>>) src(%arg8 : memref<128x128xf32, #tpu.memory_space<vmem>>) dst(%dma_wait3A_106 : memref<10240x128xf32, #tpu.memory_space<vmem_shared>>)
        %add3A_109 = arith.constant 2 : i32
        %add3A_110 = arith.addi %add3A_80, %add3A_109 : i32
        %lt3A = arith.constant 40 : i32
        %lt3A_111 = arith.cmpi slt, %add3A_110, %lt3A : i32
        %convert_element_type3A = arith.extui %lt3A_111 : i1 to i32
        %cond3A = arith.constant 0 : i32
        %cond3A_112 = arith.cmpi ne, %convert_element_type3A, %cond3A : i32
        scf.if %cond3A_112 {
          %add3A_153 = arith.constant 2 : i32
          %add3A_154 = arith.addi %add3A_80, %add3A_153 : i32
          %dma_start3A_155 = arith.constant 0 : i32
          %dma_start3A_156 = arith.constant 0 : i32
          %dma_start3A_157 = tpu.memref_slice %arg6[%add3A_154, %dma_start3A_156] : memref<40x128xi32, #tpu.memory_space<vmem>> -> memref<1x128xi32, #tpu.memory_space<vmem>>
          %dma_start3A_158 = tpu.memref_squeeze %dma_start3A_157 : memref<1x128xi32, #tpu.memory_space<vmem>> -> memref<128xi32, #tpu.memory_space<vmem>>
          %dma_start3A_159 = arith.constant 0 : i32
          %dma_start3A_160 = arith.constant 0 : i32
          %dma_start3A_161 = tpu.memref_slice %arg2[%dma_start3A_159, %dma_start3A_160] : memref<10240x128xf32, #tpu.memory_space<hbm>> -> memref<10240x128xf32, #tpu.memory_space<hbm>>
          %dma_start3A_162 = tpu.memref_slice %arg11[%dma_start3A_155] : memref<2x!tpu.dma_semaphore, #tpu.memory_space<semaphore_mem>> -> memref<1x!tpu.dma_semaphore, #tpu.memory_space<semaphore_mem>>
          %dma_start3A_163 = tpu.memref_squeeze %dma_start3A_162 : memref<1x!tpu.dma_semaphore, #tpu.memory_space<semaphore_mem>> -> memref<!tpu.dma_semaphore, #tpu.memory_space<semaphore_mem>>
          tpu.enqueue_indirect_dma source(%dma_start3A_161 : memref<10240x128xf32, #tpu.memory_space<hbm>>) target(%arg8 : memref<128x128xf32, #tpu.memory_space<vmem>>) offsets(%dma_start3A_158 : memref<128xi32, #tpu.memory_space<vmem>>) semaphore(%dma_start3A_163 : memref<!tpu.dma_semaphore, #tpu.memory_space<semaphore_mem>>)
        } else {
        }
        %mul3A_113 = arith.constant 2 : i32
        %mul3A_114 = arith.muli %scan3A_76, %mul3A_113 : i32
        %add3A_115 = arith.constant 1 : i32
        %add3A_116 = arith.addi %mul3A_114, %add3A_115 : i32
        %dma_wait3A_117 = arith.constant 1 : i32
        %dma_wait3A_118 = arith.constant 0 : i32
        %dma_wait3A_119 = tpu.memref_slice %arg6[%add3A_116, %dma_wait3A_118] : memref<40x128xi32, #tpu.memory_space<vmem>> -> memref<1x128xi32, #tpu.memory_space<vmem>>
        %dma_wait3A_120 = tpu.memref_squeeze %dma_wait3A_119 : memref<1x128xi32, #tpu.memory_space<vmem>> -> memref<128xi32, #tpu.memory_space<vmem>>
        %dma_wait3A_121 = arith.constant 0 : i32
        %dma_wait3A_122 = arith.constant 0 : i32
        %dma_wait3A_123 = tpu.memref_slice %arg2[%dma_wait3A_121, %dma_wait3A_122] : memref<10240x128xf32, #tpu.memory_space<hbm>> -> memref<10240x128xf32, #tpu.memory_space<hbm>>
        %dma_wait3A_124 = tpu.memref_slice %arg11[%dma_wait3A_117] : memref<2x!tpu.dma_semaphore, #tpu.memory_space<semaphore_mem>> -> memref<1x!tpu.dma_semaphore, #tpu.memory_space<semaphore_mem>>
        %dma_wait3A_125 = tpu.memref_squeeze %dma_wait3A_124 : memref<1x!tpu.dma_semaphore, #tpu.memory_space<semaphore_mem>> -> memref<!tpu.dma_semaphore, #tpu.memory_space<semaphore_mem>>
        tpu.wait_indirect_dma semaphore(%dma_wait3A_125 : memref<!tpu.dma_semaphore, #tpu.memory_space<semaphore_mem>>) src(%dma_wait3A_123 : memref<10240x128xf32, #tpu.memory_space<hbm>>) dst(%arg9 : memref<128x128xf32, #tpu.memory_space<vmem>>)
        %dma_start3A_126 = arith.constant 0 : i32
        %dma_start3A_127 = arith.constant 1 : i32
        %dma_start3A_128 = arith.constant 0 : i32
        %dma_start3A_129 = tpu.memref_slice %arg7[%add3A_116, %dma_start3A_126, %dma_start3A_128] : memref<40x1x128xi32, #tpu.memory_space<vmem>> -> memref<1x1x128xi32, #tpu.memory_space<vmem>>
        %dma_start3A_130 = tpu.memref_squeeze %dma_start3A_129 : memref<1x1x128xi32, #tpu.memory_space<vmem>> -> memref<128xi32, #tpu.memory_space<vmem>>
        %dma_start3A_131 = arith.constant 0 : i32
        %dma_start3A_132 = arith.constant 0 : i32
        %dma_start3A_133 = tpu.memref_slice %arg10[%dma_start3A_131, %dma_start3A_132] : memref<10240x128xf32, #tpu.memory_space<vmem_shared>> -> memref<10240x128xf32, #tpu.memory_space<vmem_shared>>
        %dma_start3A_134 = tpu.memref_slice %arg12[%dma_start3A_127] : memref<2x!tpu.dma_semaphore, #tpu.memory_space<semaphore_mem>> -> memref<1x!tpu.dma_semaphore, #tpu.memory_space<semaphore_mem>>
        %dma_start3A_135 = tpu.memref_squeeze %dma_start3A_134 : memref<1x!tpu.dma_semaphore, #tpu.memory_space<semaphore_mem>> -> memref<!tpu.dma_semaphore, #tpu.memory_space<semaphore_mem>>
        tpu.enqueue_indirect_dma source(%arg9 : memref<128x128xf32, #tpu.memory_space<vmem>>) target(%dma_start3A_133 : memref<10240x128xf32, #tpu.memory_space<vmem_shared>>) offsets(%dma_start3A_130 : memref<128xi32, #tpu.memory_space<vmem>>) semaphore(%dma_start3A_135 : memref<!tpu.dma_semaphore, #tpu.memory_space<semaphore_mem>>) {add = true}
        %dma_wait3A_136 = arith.constant 0 : i32
        %dma_wait3A_137 = arith.constant 1 : i32
        %dma_wait3A_138 = arith.constant 0 : i32
        %dma_wait3A_139 = tpu.memref_slice %arg7[%add3A_116, %dma_wait3A_136, %dma_wait3A_138] : memref<40x1x128xi32, #tpu.memory_space<vmem>> -> memref<1x1x128xi32, #tpu.memory_space<vmem>>
        %dma_wait3A_140 = tpu.memref_squeeze %dma_wait3A_139 : memref<1x1x128xi32, #tpu.memory_space<vmem>> -> memref<128xi32, #tpu.memory_space<vmem>>
        %dma_wait3A_141 = arith.constant 0 : i32
        %dma_wait3A_142 = arith.constant 0 : i32
        %dma_wait3A_143 = tpu.memref_slice %arg10[%dma_wait3A_141, %dma_wait3A_142] : memref<10240x128xf32, #tpu.memory_space<vmem_shared>> -> memref<10240x128xf32, #tpu.memory_space<vmem_shared>>
        %dma_wait3A_144 = tpu.memref_slice %arg12[%dma_wait3A_137] : memref<2x!tpu.dma_semaphore, #tpu.memory_space<semaphore_mem>> -> memref<1x!tpu.dma_semaphore, #tpu.memory_space<semaphore_mem>>
        %dma_wait3A_145 = tpu.memref_squeeze %dma_wait3A_144 : memref<1x!tpu.dma_semaphore, #tpu.memory_space<semaphore_mem>> -> memref<!tpu.dma_semaphore, #tpu.memory_space<semaphore_mem>>
        tpu.wait_indirect_dma semaphore(%dma_wait3A_145 : memref<!tpu.dma_semaphore, #tpu.memory_space<semaphore_mem>>) src(%arg9 : memref<128x128xf32, #tpu.memory_space<vmem>>) dst(%dma_wait3A_143 : memref<10240x128xf32, #tpu.memory_space<vmem_shared>>)
        %add3A_146 = arith.constant 2 : i32
        %add3A_147 = arith.addi %add3A_116, %add3A_146 : i32
        %lt3A_148 = arith.constant 40 : i32
        %lt3A_149 = arith.cmpi slt, %add3A_147, %lt3A_148 : i32
        %convert_element_type3A_150 = arith.extui %lt3A_149 : i1 to i32
        %cond3A_151 = arith.constant 0 : i32
        %cond3A_152 = arith.cmpi ne, %convert_element_type3A_150, %cond3A_151 : i32
        scf.if %cond3A_152 {
          %add3A_153 = arith.constant 2 : i32
          %add3A_154 = arith.addi %add3A_116, %add3A_153 : i32
          %dma_start3A_155 = arith.constant 1 : i32
          %dma_start3A_156 = arith.constant 0 : i32
          %dma_start3A_157 = tpu.memref_slice %arg6[%add3A_154, %dma_start3A_156] : memref<40x128xi32, #tpu.memory_space<vmem>> -> memref<1x128xi32, #tpu.memory_space<vmem>>
          %dma_start3A_158 = tpu.memref_squeeze %dma_start3A_157 : memref<1x128xi32, #tpu.memory_space<vmem>> -> memref<128xi32, #tpu.memory_space<vmem>>
          %dma_start3A_159 = arith.constant 0 : i32
          %dma_start3A_160 = arith.constant 0 : i32
          %dma_start3A_161 = tpu.memref_slice %arg2[%dma_start3A_159, %dma_start3A_160] : memref<10240x128xf32, #tpu.memory_space<hbm>> -> memref<10240x128xf32, #tpu.memory_space<hbm>>
          %dma_start3A_162 = tpu.memref_slice %arg11[%dma_start3A_155] : memref<2x!tpu.dma_semaphore, #tpu.memory_space<semaphore_mem>> -> memref<1x!tpu.dma_semaphore, #tpu.memory_space<semaphore_mem>>
          %dma_start3A_163 = tpu.memref_squeeze %dma_start3A_162 : memref<1x!tpu.dma_semaphore, #tpu.memory_space<semaphore_mem>> -> memref<!tpu.dma_semaphore, #tpu.memory_space<semaphore_mem>>
          tpu.enqueue_indirect_dma source(%dma_start3A_161 : memref<10240x128xf32, #tpu.memory_space<hbm>>) target(%arg9 : memref<128x128xf32, #tpu.memory_space<vmem>>) offsets(%dma_start3A_158 : memref<128xi32, #tpu.memory_space<vmem>>) semaphore(%dma_start3A_163 : memref<!tpu.dma_semaphore, #tpu.memory_space<semaphore_mem>>)
        } else {
        }
      }
      %scan3A_75 = arith.constant 20 : i32
    }
    %while3A_45 = arith.constant 1 : i32
    scf.for %while3A_47 = %while3A_43 to %while3A_39 step %while3A_45  : i32 {
      %mul3A_48 = arith.constant 40 : i32
      %mul3A_49 = arith.muli %while3A_47, %mul3A_48 : i32
      %add3A_50 = arith.addi %select_n3A, %mul3A_49 : i32
      %multiple_of3A = tpu.assume_multiple %add3A_50, 40 : i32
      "tpu.region"() ({
        %run_scoped3A = tpu.sem_alloc : memref<!tpu.dma_semaphore, #tpu.memory_space<semaphore_mem>>
        %dma_start3A_76 = arith.constant 0 : i32
        %dma_start3A_77 = tpu.memref_slice %arg3[%multiple_of3A, %dma_start3A_76] : memref<2560x128xi32, #tpu.memory_space<hbm>> -> memref<40x128xi32, #tpu.memory_space<hbm>>
        %dma_start3A_78 = arith.constant 0 : i32
        %dma_start3A_79 = tpu.memref_slice %arg3[%multiple_of3A, %dma_start3A_78] : memref<2560x128xi32, #tpu.memory_space<hbm>> -> memref<40x128xi32, #tpu.memory_space<hbm>>
        tpu.enqueue_dma source(%dma_start3A_79 : memref<40x128xi32, #tpu.memory_space<hbm>>) target(%arg6 : memref<40x128xi32, #tpu.memory_space<vmem>>) target_semaphore(%run_scoped3A : memref<!tpu.dma_semaphore, #tpu.memory_space<semaphore_mem>>)
        %dma_wait3A = arith.constant 0 : i32
        %dma_wait3A_80 = tpu.memref_slice %arg3[%multiple_of3A, %dma_wait3A] : memref<2560x128xi32, #tpu.memory_space<hbm>> -> memref<40x128xi32, #tpu.memory_space<hbm>>
        %dma_wait3A_81 = arith.constant 0 : i32
        %dma_wait3A_82 = tpu.memref_slice %arg3[%multiple_of3A, %dma_wait3A_81] : memref<2560x128xi32, #tpu.memory_space<hbm>> -> memref<40x128xi32, #tpu.memory_space<hbm>>
        tpu.wait_dma2 semaphore(%run_scoped3A : memref<!tpu.dma_semaphore, #tpu.memory_space<semaphore_mem>>) src(%dma_wait3A_82 : memref<40x128xi32, #tpu.memory_space<hbm>>) dst(%arg6 : memref<40x128xi32, #tpu.memory_space<vmem>>)
        tpu.yield
      }) : () -> ()
      "tpu.region"() ({
        %run_scoped3A = tpu.sem_alloc : memref<!tpu.dma_semaphore, #tpu.memory_space<semaphore_mem>>
        %dma_start3A_76 = arith.constant 0 : i32
        %dma_start3A_77 = arith.constant 0 : i32
        %dma_start3A_78 = tpu.memref_slice %arg4[%multiple_of3A, %dma_start3A_76, %dma_start3A_77] : memref<2560x1x128xi32, #tpu.memory_space<hbm>> -> memref<40x1x128xi32, #tpu.memory_space<hbm>>
        %dma_start3A_79 = arith.constant 0 : i32
        %dma_start3A_80 = arith.constant 0 : i32
        %dma_start3A_81 = tpu.memref_slice %arg4[%multiple_of3A, %dma_start3A_79, %dma_start3A_80] : memref<2560x1x128xi32, #tpu.memory_space<hbm>> -> memref<40x1x128xi32, #tpu.memory_space<hbm>>
        tpu.enqueue_dma source(%dma_start3A_81 : memref<40x1x128xi32, #tpu.memory_space<hbm>>) target(%arg7 : memref<40x1x128xi32, #tpu.memory_space<vmem>>) target_semaphore(%run_scoped3A : memref<!tpu.dma_semaphore, #tpu.memory_space<semaphore_mem>>)
        %dma_wait3A = arith.constant 0 : i32
        %dma_wait3A_82 = arith.constant 0 : i32
        %dma_wait3A_83 = tpu.memref_slice %arg4[%multiple_of3A, %dma_wait3A, %dma_wait3A_82] : memref<2560x1x128xi32, #tpu.memory_space<hbm>> -> memref<40x1x128xi32, #tpu.memory_space<hbm>>
        %dma_wait3A_84 = arith.constant 0 : i32
        %dma_wait3A_85 = arith.constant 0 : i32
        %dma_wait3A_86 = tpu.memref_slice %arg4[%multiple_of3A, %dma_wait3A_84, %dma_wait3A_85] : memref<2560x1x128xi32, #tpu.memory_space<hbm>> -> memref<40x1x128xi32, #tpu.memory_space<hbm>>
        tpu.wait_dma2 semaphore(%run_scoped3A : memref<!tpu.dma_semaphore, #tpu.memory_space<semaphore_mem>>) src(%dma_wait3A_86 : memref<40x1x128xi32, #tpu.memory_space<hbm>>) dst(%arg7 : memref<40x1x128xi32, #tpu.memory_space<vmem>>)
        tpu.yield
      }) : () -> ()
      %dma_start3A = arith.constant 0 : i32
      %dma_start3A_51 = arith.constant 0 : i32
      %dma_start3A_52 = arith.constant 0 : i32
      %dma_start3A_53 = tpu.memref_slice %arg6[%dma_start3A, %dma_start3A_52] : memref<40x128xi32, #tpu.memory_space<vmem>> -> memref<1x128xi32, #tpu.memory_space<vmem>>
      %dma_start3A_54 = tpu.memref_squeeze %dma_start3A_53 : memref<1x128xi32, #tpu.memory_space<vmem>> -> memref<128xi32, #tpu.memory_space<vmem>>
      %dma_start3A_55 = arith.constant 0 : i32
      %dma_start3A_56 = arith.constant 0 : i32
      %dma_start3A_57 = tpu.memref_slice %arg2[%dma_start3A_55, %dma_start3A_56] : memref<10240x128xf32, #tpu.memory_space<hbm>> -> memref<10240x128xf32, #tpu.memory_space<hbm>>
      %dma_start3A_58 = tpu.memref_slice %arg11[%dma_start3A_51] : memref<2x!tpu.dma_semaphore, #tpu.memory_space<semaphore_mem>> -> memref<1x!tpu.dma_semaphore, #tpu.memory_space<semaphore_mem>>
      %dma_start3A_59 = tpu.memref_squeeze %dma_start3A_58 : memref<1x!tpu.dma_semaphore, #tpu.memory_space<semaphore_mem>> -> memref<!tpu.dma_semaphore, #tpu.memory_space<semaphore_mem>>
      tpu.enqueue_indirect_dma source(%dma_start3A_57 : memref<10240x128xf32, #tpu.memory_space<hbm>>) target(%arg8 : memref<128x128xf32, #tpu.memory_space<vmem>>) offsets(%dma_start3A_54 : memref<128xi32, #tpu.memory_space<vmem>>) semaphore(%dma_start3A_59 : memref<!tpu.dma_semaphore, #tpu.memory_space<semaphore_mem>>)
      %dma_start3A_60 = arith.constant 1 : i32
      %dma_start3A_61 = arith.constant 1 : i32
      %dma_start3A_62 = arith.constant 0 : i32
      %dma_start3A_63 = tpu.memref_slice %arg6[%dma_start3A_60, %dma_start3A_62] : memref<40x128xi32, #tpu.memory_space<vmem>> -> memref<1x128xi32, #tpu.memory_space<vmem>>
      %dma_start3A_64 = tpu.memref_squeeze %dma_start3A_63 : memref<1x128xi32, #tpu.memory_space<vmem>> -> memref<128xi32, #tpu.memory_space<vmem>>
      %dma_start3A_65 = arith.constant 0 : i32
      %dma_start3A_66 = arith.constant 0 : i32
      %dma_start3A_67 = tpu.memref_slice %arg2[%dma_start3A_65, %dma_start3A_66] : memref<10240x128xf32, #tpu.memory_space<hbm>> -> memref<10240x128xf32, #tpu.memory_space<hbm>>
      %dma_start3A_68 = tpu.memref_slice %arg11[%dma_start3A_61] : memref<2x!tpu.dma_semaphore, #tpu.memory_space<semaphore_mem>> -> memref<1x!tpu.dma_semaphore, #tpu.memory_space<semaphore_mem>>
      %dma_start3A_69 = tpu.memref_squeeze %dma_start3A_68 : memref<1x!tpu.dma_semaphore, #tpu.memory_space<semaphore_mem>> -> memref<!tpu.dma_semaphore, #tpu.memory_space<semaphore_mem>>
      tpu.enqueue_indirect_dma source(%dma_start3A_67 : memref<10240x128xf32, #tpu.memory_space<hbm>>) target(%arg9 : memref<128x128xf32, #tpu.memory_space<vmem>>) offsets(%dma_start3A_64 : memref<128xi32, #tpu.memory_space<vmem>>) semaphore(%dma_start3A_69 : memref<!tpu.dma_semaphore, #tpu.memory_space<semaphore_mem>>)
      %scan3A_70 = arith.constant 0 : i32
      %scan3A_71 = arith.constant 0 : i32
      %scan3A_72 = arith.constant 20 : i32
      %scan3A_73 = arith.addi %scan3A_71, %scan3A_72 : i32
      %scan3A_74 = arith.constant 1 : i32
      scf.for %scan3A_76 = %scan3A_71 to %scan3A_73 step %scan3A_74  : i32 {
        %mul3A_77 = arith.constant 2 : i32
        %mul3A_78 = arith.muli %scan3A_76, %mul3A_77 : i32
        %add3A_79 = arith.constant 0 : i32
        %add3A_80 = arith.addi %mul3A_78, %add3A_79 : i32
        %dma_wait3A = arith.constant 0 : i32
        %dma_wait3A_81 = arith.constant 0 : i32
        %dma_wait3A_82 = tpu.memref_slice %arg6[%add3A_80, %dma_wait3A_81] : memref<40x128xi32, #tpu.memory_space<vmem>> -> memref<1x128xi32, #tpu.memory_space<vmem>>
        %dma_wait3A_83 = tpu.memref_squeeze %dma_wait3A_82 : memref<1x128xi32, #tpu.memory_space<vmem>> -> memref<128xi32, #tpu.memory_space<vmem>>
        %dma_wait3A_84 = arith.constant 0 : i32
        %dma_wait3A_85 = arith.constant 0 : i32
        %dma_wait3A_86 = tpu.memref_slice %arg2[%dma_wait3A_84, %dma_wait3A_85] : memref<10240x128xf32, #tpu.memory_space<hbm>> -> memref<10240x128xf32, #tpu.memory_space<hbm>>
        %dma_wait3A_87 = tpu.memref_slice %arg11[%dma_wait3A] : memref<2x!tpu.dma_semaphore, #tpu.memory_space<semaphore_mem>> -> memref<1x!tpu.dma_semaphore, #tpu.memory_space<semaphore_mem>>
        %dma_wait3A_88 = tpu.memref_squeeze %dma_wait3A_87 : memref<1x!tpu.dma_semaphore, #tpu.memory_space<semaphore_mem>> -> memref<!tpu.dma_semaphore, #tpu.memory_space<semaphore_mem>>
        tpu.wait_indirect_dma semaphore(%dma_wait3A_88 : memref<!tpu.dma_semaphore, #tpu.memory_space<semaphore_mem>>) src(%dma_wait3A_86 : memref<10240x128xf32, #tpu.memory_space<hbm>>) dst(%arg8 : memref<128x128xf32, #tpu.memory_space<vmem>>)
        %dma_start3A_89 = arith.constant 0 : i32
        %dma_start3A_90 = arith.constant 0 : i32
        %dma_start3A_91 = arith.constant 0 : i32
        %dma_start3A_92 = tpu.memref_slice %arg7[%add3A_80, %dma_start3A_89, %dma_start3A_91] : memref<40x1x128xi32, #tpu.memory_space<vmem>> -> memref<1x1x128xi32, #tpu.memory_space<vmem>>
        %dma_start3A_93 = tpu.memref_squeeze %dma_start3A_92 : memref<1x1x128xi32, #tpu.memory_space<vmem>> -> memref<128xi32, #tpu.memory_space<vmem>>
        %dma_start3A_94 = arith.constant 0 : i32
        %dma_start3A_95 = arith.constant 0 : i32
        %dma_start3A_96 = tpu.memref_slice %arg10[%dma_start3A_94, %dma_start3A_95] : memref<10240x128xf32, #tpu.memory_space<vmem_shared>> -> memref<10240x128xf32, #tpu.memory_space<vmem_shared>>
        %dma_start3A_97 = tpu.memref_slice %arg12[%dma_start3A_90] : memref<2x!tpu.dma_semaphore, #tpu.memory_space<semaphore_mem>> -> memref<1x!tpu.dma_semaphore, #tpu.memory_space<semaphore_mem>>
        %dma_start3A_98 = tpu.memref_squeeze %dma_start3A_97 : memref<1x!tpu.dma_semaphore, #tpu.memory_space<semaphore_mem>> -> memref<!tpu.dma_semaphore, #tpu.memory_space<semaphore_mem>>
        tpu.enqueue_indirect_dma source(%arg8 : memref<128x128xf32, #tpu.memory_space<vmem>>) target(%dma_start3A_96 : memref<10240x128xf32, #tpu.memory_space<vmem_shared>>) offsets(%dma_start3A_93 : memref<128xi32, #tpu.memory_space<vmem>>) semaphore(%dma_start3A_98 : memref<!tpu.dma_semaphore, #tpu.memory_space<semaphore_mem>>) {add = true}
        %dma_wait3A_99 = arith.constant 0 : i32
        %dma_wait3A_100 = arith.constant 0 : i32
        %dma_wait3A_101 = arith.constant 0 : i32
        %dma_wait3A_102 = tpu.memref_slice %arg7[%add3A_80, %dma_wait3A_99, %dma_wait3A_101] : memref<40x1x128xi32, #tpu.memory_space<vmem>> -> memref<1x1x128xi32, #tpu.memory_space<vmem>>
        %dma_wait3A_103 = tpu.memref_squeeze %dma_wait3A_102 : memref<1x1x128xi32, #tpu.memory_space<vmem>> -> memref<128xi32, #tpu.memory_space<vmem>>
        %dma_wait3A_104 = arith.constant 0 : i32
        %dma_wait3A_105 = arith.constant 0 : i32
        %dma_wait3A_106 = tpu.memref_slice %arg10[%dma_wait3A_104, %dma_wait3A_105] : memref<10240x128xf32, #tpu.memory_space<vmem_shared>> -> memref<10240x128xf32, #tpu.memory_space<vmem_shared>>
        %dma_wait3A_107 = tpu.memref_slice %arg12[%dma_wait3A_100] : memref<2x!tpu.dma_semaphore, #tpu.memory_space<semaphore_mem>> -> memref<1x!tpu.dma_semaphore, #tpu.memory_space<semaphore_mem>>
        %dma_wait3A_108 = tpu.memref_squeeze %dma_wait3A_107 : memref<1x!tpu.dma_semaphore, #tpu.memory_space<semaphore_mem>> -> memref<!tpu.dma_semaphore, #tpu.memory_space<semaphore_mem>>
        tpu.wait_indirect_dma semaphore(%dma_wait3A_108 : memref<!tpu.dma_semaphore, #tpu.memory_space<semaphore_mem>>) src(%arg8 : memref<128x128xf32, #tpu.memory_space<vmem>>) dst(%dma_wait3A_106 : memref<10240x128xf32, #tpu.memory_space<vmem_shared>>)
        %add3A_109 = arith.constant 2 : i32
        %add3A_110 = arith.addi %add3A_80, %add3A_109 : i32
        %lt3A = arith.constant 40 : i32
        %lt3A_111 = arith.cmpi slt, %add3A_110, %lt3A : i32
        %convert_element_type3A = arith.extui %lt3A_111 : i1 to i32
        %cond3A = arith.constant 0 : i32
        %cond3A_112 = arith.cmpi ne, %convert_element_type3A, %cond3A : i32
        scf.if %cond3A_112 {
          %add3A_153 = arith.constant 2 : i32
          %add3A_154 = arith.addi %add3A_80, %add3A_153 : i32
          %dma_start3A_155 = arith.constant 0 : i32
          %dma_start3A_156 = arith.constant 0 : i32
          %dma_start3A_157 = tpu.memref_slice %arg6[%add3A_154, %dma_start3A_156] : memref<40x128xi32, #tpu.memory_space<vmem>> -> memref<1x128xi32, #tpu.memory_space<vmem>>
          %dma_start3A_158 = tpu.memref_squeeze %dma_start3A_157 : memref<1x128xi32, #tpu.memory_space<vmem>> -> memref<128xi32, #tpu.memory_space<vmem>>
          %dma_start3A_159 = arith.constant 0 : i32
          %dma_start3A_160 = arith.constant 0 : i32
          %dma_start3A_161 = tpu.memref_slice %arg2[%dma_start3A_159, %dma_start3A_160] : memref<10240x128xf32, #tpu.memory_space<hbm>> -> memref<10240x128xf32, #tpu.memory_space<hbm>>
          %dma_start3A_162 = tpu.memref_slice %arg11[%dma_start3A_155] : memref<2x!tpu.dma_semaphore, #tpu.memory_space<semaphore_mem>> -> memref<1x!tpu.dma_semaphore, #tpu.memory_space<semaphore_mem>>
          %dma_start3A_163 = tpu.memref_squeeze %dma_start3A_162 : memref<1x!tpu.dma_semaphore, #tpu.memory_space<semaphore_mem>> -> memref<!tpu.dma_semaphore, #tpu.memory_space<semaphore_mem>>
          tpu.enqueue_indirect_dma source(%dma_start3A_161 : memref<10240x128xf32, #tpu.memory_space<hbm>>) target(%arg8 : memref<128x128xf32, #tpu.memory_space<vmem>>) offsets(%dma_start3A_158 : memref<128xi32, #tpu.memory_space<vmem>>) semaphore(%dma_start3A_163 : memref<!tpu.dma_semaphore, #tpu.memory_space<semaphore_mem>>)
        } else {
        }
        %mul3A_113 = arith.constant 2 : i32
        %mul3A_114 = arith.muli %scan3A_76, %mul3A_113 : i32
        %add3A_115 = arith.constant 1 : i32
        %add3A_116 = arith.addi %mul3A_114, %add3A_115 : i32
        %dma_wait3A_117 = arith.constant 1 : i32
        %dma_wait3A_118 = arith.constant 0 : i32
        %dma_wait3A_119 = tpu.memref_slice %arg6[%add3A_116, %dma_wait3A_118] : memref<40x128xi32, #tpu.memory_space<vmem>> -> memref<1x128xi32, #tpu.memory_space<vmem>>
        %dma_wait3A_120 = tpu.memref_squeeze %dma_wait3A_119 : memref<1x128xi32, #tpu.memory_space<vmem>> -> memref<128xi32, #tpu.memory_space<vmem>>
        %dma_wait3A_121 = arith.constant 0 : i32
        %dma_wait3A_122 = arith.constant 0 : i32
        %dma_wait3A_123 = tpu.memref_slice %arg2[%dma_wait3A_121, %dma_wait3A_122] : memref<10240x128xf32, #tpu.memory_space<hbm>> -> memref<10240x128xf32, #tpu.memory_space<hbm>>
        %dma_wait3A_124 = tpu.memref_slice %arg11[%dma_wait3A_117] : memref<2x!tpu.dma_semaphore, #tpu.memory_space<semaphore_mem>> -> memref<1x!tpu.dma_semaphore, #tpu.memory_space<semaphore_mem>>
        %dma_wait3A_125 = tpu.memref_squeeze %dma_wait3A_124 : memref<1x!tpu.dma_semaphore, #tpu.memory_space<semaphore_mem>> -> memref<!tpu.dma_semaphore, #tpu.memory_space<semaphore_mem>>
        tpu.wait_indirect_dma semaphore(%dma_wait3A_125 : memref<!tpu.dma_semaphore, #tpu.memory_space<semaphore_mem>>) src(%dma_wait3A_123 : memref<10240x128xf32, #tpu.memory_space<hbm>>) dst(%arg9 : memref<128x128xf32, #tpu.memory_space<vmem>>)
        %dma_start3A_126 = arith.constant 0 : i32
        %dma_start3A_127 = arith.constant 1 : i32
        %dma_start3A_128 = arith.constant 0 : i32
        %dma_start3A_129 = tpu.memref_slice %arg7[%add3A_116, %dma_start3A_126, %dma_start3A_128] : memref<40x1x128xi32, #tpu.memory_space<vmem>> -> memref<1x1x128xi32, #tpu.memory_space<vmem>>
        %dma_start3A_130 = tpu.memref_squeeze %dma_start3A_129 : memref<1x1x128xi32, #tpu.memory_space<vmem>> -> memref<128xi32, #tpu.memory_space<vmem>>
        %dma_start3A_131 = arith.constant 0 : i32
        %dma_start3A_132 = arith.constant 0 : i32
        %dma_start3A_133 = tpu.memref_slice %arg10[%dma_start3A_131, %dma_start3A_132] : memref<10240x128xf32, #tpu.memory_space<vmem_shared>> -> memref<10240x128xf32, #tpu.memory_space<vmem_shared>>
        %dma_start3A_134 = tpu.memref_slice %arg12[%dma_start3A_127] : memref<2x!tpu.dma_semaphore, #tpu.memory_space<semaphore_mem>> -> memref<1x!tpu.dma_semaphore, #tpu.memory_space<semaphore_mem>>
        %dma_start3A_135 = tpu.memref_squeeze %dma_start3A_134 : memref<1x!tpu.dma_semaphore, #tpu.memory_space<semaphore_mem>> -> memref<!tpu.dma_semaphore, #tpu.memory_space<semaphore_mem>>
        tpu.enqueue_indirect_dma source(%arg9 : memref<128x128xf32, #tpu.memory_space<vmem>>) target(%dma_start3A_133 : memref<10240x128xf32, #tpu.memory_space<vmem_shared>>) offsets(%dma_start3A_130 : memref<128xi32, #tpu.memory_space<vmem>>) semaphore(%dma_start3A_135 : memref<!tpu.dma_semaphore, #tpu.memory_space<semaphore_mem>>) {add = true}
        %dma_wait3A_136 = arith.constant 0 : i32
        %dma_wait3A_137 = arith.constant 1 : i32
        %dma_wait3A_138 = arith.constant 0 : i32
        %dma_wait3A_139 = tpu.memref_slice %arg7[%add3A_116, %dma_wait3A_136, %dma_wait3A_138] : memref<40x1x128xi32, #tpu.memory_space<vmem>> -> memref<1x1x128xi32, #tpu.memory_space<vmem>>
        %dma_wait3A_140 = tpu.memref_squeeze %dma_wait3A_139 : memref<1x1x128xi32, #tpu.memory_space<vmem>> -> memref<128xi32, #tpu.memory_space<vmem>>
        %dma_wait3A_141 = arith.constant 0 : i32
        %dma_wait3A_142 = arith.constant 0 : i32
        %dma_wait3A_143 = tpu.memref_slice %arg10[%dma_wait3A_141, %dma_wait3A_142] : memref<10240x128xf32, #tpu.memory_space<vmem_shared>> -> memref<10240x128xf32, #tpu.memory_space<vmem_shared>>
        %dma_wait3A_144 = tpu.memref_slice %arg12[%dma_wait3A_137] : memref<2x!tpu.dma_semaphore, #tpu.memory_space<semaphore_mem>> -> memref<1x!tpu.dma_semaphore, #tpu.memory_space<semaphore_mem>>
        %dma_wait3A_145 = tpu.memref_squeeze %dma_wait3A_144 : memref<1x!tpu.dma_semaphore, #tpu.memory_space<semaphore_mem>> -> memref<!tpu.dma_semaphore, #tpu.memory_space<semaphore_mem>>
        tpu.wait_indirect_dma semaphore(%dma_wait3A_145 : memref<!tpu.dma_semaphore, #tpu.memory_space<semaphore_mem>>) src(%arg9 : memref<128x128xf32, #tpu.memory_space<vmem>>) dst(%dma_wait3A_143 : memref<10240x128xf32, #tpu.memory_space<vmem_shared>>)
        %add3A_146 = arith.constant 2 : i32
        %add3A_147 = arith.addi %add3A_116, %add3A_146 : i32
        %lt3A_148 = arith.constant 40 : i32
        %lt3A_149 = arith.cmpi slt, %add3A_147, %lt3A_148 : i32
        %convert_element_type3A_150 = arith.extui %lt3A_149 : i1 to i32
        %cond3A_151 = arith.constant 0 : i32
        %cond3A_152 = arith.cmpi ne, %convert_element_type3A_150, %cond3A_151 : i32
        scf.if %cond3A_152 {
          %add3A_153 = arith.constant 2 : i32
          %add3A_154 = arith.addi %add3A_116, %add3A_153 : i32
          %dma_start3A_155 = arith.constant 1 : i32
          %dma_start3A_156 = arith.constant 0 : i32
          %dma_start3A_157 = tpu.memref_slice %arg6[%add3A_154, %dma_start3A_156] : memref<40x128xi32, #tpu.memory_space<vmem>> -> memref<1x128xi32, #tpu.memory_space<vmem>>
          %dma_start3A_158 = tpu.memref_squeeze %dma_start3A_157 : memref<1x128xi32, #tpu.memory_space<vmem>> -> memref<128xi32, #tpu.memory_space<vmem>>
          %dma_start3A_159 = arith.constant 0 : i32
          %dma_start3A_160 = arith.constant 0 : i32
          %dma_start3A_161 = tpu.memref_slice %arg2[%dma_start3A_159, %dma_start3A_160] : memref<10240x128xf32, #tpu.memory_space<hbm>> -> memref<10240x128xf32, #tpu.memory_space<hbm>>
          %dma_start3A_162 = tpu.memref_slice %arg11[%dma_start3A_155] : memref<2x!tpu.dma_semaphore, #tpu.memory_space<semaphore_mem>> -> memref<1x!tpu.dma_semaphore, #tpu.memory_space<semaphore_mem>>
          %dma_start3A_163 = tpu.memref_squeeze %dma_start3A_162 : memref<1x!tpu.dma_semaphore, #tpu.memory_space<semaphore_mem>> -> memref<!tpu.dma_semaphore, #tpu.memory_space<semaphore_mem>>
          tpu.enqueue_indirect_dma source(%dma_start3A_161 : memref<10240x128xf32, #tpu.memory_space<hbm>>) target(%arg9 : memref<128x128xf32, #tpu.memory_space<vmem>>) offsets(%dma_start3A_158 : memref<128xi32, #tpu.memory_space<vmem>>) semaphore(%dma_start3A_163 : memref<!tpu.dma_semaphore, #tpu.memory_space<semaphore_mem>>)
        } else {
        }
      }
      %scan3A_75 = arith.constant 20 : i32
    }
    %barrier3A_46 = arith.constant 0 : index
    tpu.barrier barrier_id(%barrier3A_46)
    "tpu.region"() ({
      %run_scoped3A = tpu.sem_alloc : memref<!tpu.dma_semaphore, #tpu.memory_space<semaphore_mem>>
      %dma_start3A = arith.constant 0 : i32
      %dma_start3A_47 = arith.constant 0 : i32
      %dma_start3A_48 = tpu.memref_slice %arg5[%arg0, %dma_start3A, %dma_start3A_47] : memref<2x10240x128xf32, #tpu.memory_space<hbm>> -> memref<1x10240x128xf32, #tpu.memory_space<hbm>>
      %dma_start3A_49 = tpu.memref_squeeze %dma_start3A_48 : memref<1x10240x128xf32, #tpu.memory_space<hbm>> -> memref<10240x128xf32, #tpu.memory_space<hbm>>
      %dma_start3A_50 = arith.constant 0 : i32
      %dma_start3A_51 = tpu.memref_slice %dma_start3A_49[%mul3A_0, %dma_start3A_50] : memref<10240x128xf32, #tpu.memory_space<hbm>> -> memref<640x128xf32, #tpu.memory_space<hbm>>
      %dma_start3A_52 = arith.constant 0 : i32
      %dma_start3A_53 = tpu.memref_slice %arg10[%mul3A_0, %dma_start3A_52] : memref<10240x128xf32, #tpu.memory_space<vmem_shared>> -> memref<640x128xf32, #tpu.memory_space<vmem_shared>>
      tpu.enqueue_dma source(%dma_start3A_53 : memref<640x128xf32, #tpu.memory_space<vmem_shared>>) target(%dma_start3A_51 : memref<640x128xf32, #tpu.memory_space<hbm>>) target_semaphore(%run_scoped3A : memref<!tpu.dma_semaphore, #tpu.memory_space<semaphore_mem>>)
      %dma_wait3A = arith.constant 0 : i32
      %dma_wait3A_54 = arith.constant 0 : i32
      %dma_wait3A_55 = tpu.memref_slice %arg5[%arg0, %dma_wait3A, %dma_wait3A_54] : memref<2x10240x128xf32, #tpu.memory_space<hbm>> -> memref<1x10240x128xf32, #tpu.memory_space<hbm>>
      %dma_wait3A_56 = tpu.memref_squeeze %dma_wait3A_55 : memref<1x10240x128xf32, #tpu.memory_space<hbm>> -> memref<10240x128xf32, #tpu.memory_space<hbm>>
      %dma_wait3A_57 = arith.constant 0 : i32
      %dma_wait3A_58 = tpu.memref_slice %dma_wait3A_56[%mul3A_0, %dma_wait3A_57] : memref<10240x128xf32, #tpu.memory_space<hbm>> -> memref<640x128xf32, #tpu.memory_space<hbm>>
      %dma_wait3A_59 = arith.constant 0 : i32
      %dma_wait3A_60 = tpu.memref_slice %arg10[%mul3A_0, %dma_wait3A_59] : memref<10240x128xf32, #tpu.memory_space<vmem_shared>> -> memref<640x128xf32, #tpu.memory_space<vmem_shared>>
      tpu.wait_dma2 semaphore(%run_scoped3A : memref<!tpu.dma_semaphore, #tpu.memory_space<semaphore_mem>>) src(%dma_wait3A_60 : memref<640x128xf32, #tpu.memory_space<vmem_shared>>) dst(%dma_wait3A_58 : memref<640x128xf32, #tpu.memory_space<hbm>>)
      tpu.yield
    }) : () -> ()
    return
  }
}

#map = affine_map<(d0, d1) -> (0, 0)>
#map1 = affine_map<(d0, d1) -> (0, 0, 0)>
module attributes {stable_mosaic.version = 14 : i64} {
  func.func @_sc_accum(%arg0: i32, %arg1: i32, %arg2: memref<10240x128xf32, #tpu.memory_space<hbm>>, %arg3: memref<2560x128xi32, #tpu.memory_space<hbm>>, %arg4: memref<2560x1x128xi32, #tpu.memory_space<hbm>>, %arg5: memref<2x10240x128xf32, #tpu.memory_space<hbm>>, %arg6: memref<40x128xi32, #tpu.memory_space<vmem>>, %arg7: memref<40x1x128xi32, #tpu.memory_space<vmem>>, %arg8: memref<128x128xf32, #tpu.memory_space<vmem>>, %arg9: memref<128x128xf32, #tpu.memory_space<vmem>>, %arg10: memref<10240x128xf32, #tpu.memory_space<vmem_shared>>, %arg11: memref<2x!tpu.dma_semaphore, #tpu.memory_space<semaphore_mem>>, %arg12: memref<2x!tpu.dma_semaphore, #tpu.memory_space<semaphore_mem>>) attributes {dimension_semantics = [#tpu.dimension_semantics<core_parallel>, #tpu.dimension_semantics<subcore_parallel>], iteration_bounds = array<i64: 2, 16>, scalar_prefetch = 0 : i64, scratch_operands = 7 : i64, tpu.core_type = #tpu.core_type<sc_vector_subcore>, window_params = [{transform_indices = #map}, {transform_indices = #map}, {transform_indices = #map1}, {transform_indices = #map1}]} {
    %mul3A = arith.constant 640 : i32
    %mul3A_0 = arith.muli %arg1, %mul3A : i32
    %broadcast_in_dim3A = arith.constant 0.000000e+00 : f32
    %broadcast_in_dim3A_1 = vector.broadcast %broadcast_in_dim3A : f32 to vector<16xf32>
    %scan3A = arith.constant 0 : i32
    %scan3A_2 = arith.constant 0 : i32
    %scan3A_3 = arith.constant 128 : i32
    %scan3A_4 = arith.addi %scan3A_2, %scan3A_3 : i32
    %scan3A_5 = arith.constant 1 : i32
    scf.for %scan3A_47 = %scan3A_2 to %scan3A_4 step %scan3A_5  : i32 {
      %swap3A = arith.index_cast %scan3A_47 : i32 to index
      %swap3A_48 = arith.constant 0 : index
      %swap3A_49 = tpu.vector_load %arg8[%swap3A, %swap3A_48] {strides = array<i32>} : memref<128x128xf32, #tpu.memory_space<vmem>>, vector<1x16xf32>,
      %swap3A_50 = vector.shape_cast %swap3A_49 : vector<1x16xf32> to vector<16xf32>
      %swap3A_51 = vector.shape_cast %broadcast_in_dim3A_1 : vector<16xf32> to vector<1x16xf32>
      tpu.vector_store %arg8[%swap3A, %swap3A_48], %swap3A_51 {strides = array<i32>} : memref<128x128xf32, #tpu.memory_space<vmem>>, vector<1x16xf32>,
      %swap3A_52 = arith.index_cast %scan3A_47 : i32 to index
      %swap3A_53 = arith.constant 16 : index
      %swap3A_54 = tpu.vector_load %arg8[%swap3A_52, %swap3A_53] {strides = array<i32>} : memref<128x128xf32, #tpu.memory_space<vmem>>, vector<1x16xf32>,
      %swap3A_55 = vector.shape_cast %swap3A_54 : vector<1x16xf32> to vector<16xf32>
      %swap3A_56 = vector.shape_cast %broadcast_in_dim3A_1 : vector<16xf32> to vector<1x16xf32>
      tpu.vector_store %arg8[%swap3A_52, %swap3A_53], %swap3A_56 {strides = array<i32>} : memref<128x128xf32, #tpu.memory_space<vmem>>, vector<1x16xf32>,
      %swap3A_57 = arith.index_cast %scan3A_47 : i32 to index
      %swap3A_58 = arith.constant 32 : index
      %swap3A_59 = tpu.vector_load %arg8[%swap3A_57, %swap3A_58] {strides = array<i32>} : memref<128x128xf32, #tpu.memory_space<vmem>>, vector<1x16xf32>,
      %swap3A_60 = vector.shape_cast %swap3A_59 : vector<1x16xf32> to vector<16xf32>
      %swap3A_61 = vector.shape_cast %broadcast_in_dim3A_1 : vector<16xf32> to vector<1x16xf32>
      tpu.vector_store %arg8[%swap3A_57, %swap3A_58], %swap3A_61 {strides = array<i32>} : memref<128x128xf32, #tpu.memory_space<vmem>>, vector<1x16xf32>,
      %swap3A_62 = arith.index_cast %scan3A_47 : i32 to index
      %swap3A_63 = arith.constant 48 : index
      %swap3A_64 = tpu.vector_load %arg8[%swap3A_62, %swap3A_63] {strides = array<i32>} : memref<128x128xf32, #tpu.memory_space<vmem>>, vector<1x16xf32>,
      %swap3A_65 = vector.shape_cast %swap3A_64 : vector<1x16xf32> to vector<16xf32>
      %swap3A_66 = vector.shape_cast %broadcast_in_dim3A_1 : vector<16xf32> to vector<1x16xf32>
      tpu.vector_store %arg8[%swap3A_62, %swap3A_63], %swap3A_66 {strides = array<i32>} : memref<128x128xf32, #tpu.memory_space<vmem>>, vector<1x16xf32>,
      %swap3A_67 = arith.index_cast %scan3A_47 : i32 to index
      %swap3A_68 = arith.constant 64 : index
      %swap3A_69 = tpu.vector_load %arg8[%swap3A_67, %swap3A_68] {strides = array<i32>} : memref<128x128xf32, #tpu.memory_space<vmem>>, vector<1x16xf32>,
      %swap3A_70 = vector.shape_cast %swap3A_69 : vector<1x16xf32> to vector<16xf32>
      %swap3A_71 = vector.shape_cast %broadcast_in_dim3A_1 : vector<16xf32> to vector<1x16xf32>
      tpu.vector_store %arg8[%swap3A_67, %swap3A_68], %swap3A_71 {strides = array<i32>} : memref<128x128xf32, #tpu.memory_space<vmem>>, vector<1x16xf32>,
      %swap3A_72 = arith.index_cast %scan3A_47 : i32 to index
      %swap3A_73 = arith.constant 80 : index
      %swap3A_74 = tpu.vector_load %arg8[%swap3A_72, %swap3A_73] {strides = array<i32>} : memref<128x128xf32, #tpu.memory_space<vmem>>, vector<1x16xf32>,
      %swap3A_75 = vector.shape_cast %swap3A_74 : vector<1x16xf32> to vector<16xf32>
      %swap3A_76 = vector.shape_cast %broadcast_in_dim3A_1 : vector<16xf32> to vector<1x16xf32>
      tpu.vector_store %arg8[%swap3A_72, %swap3A_73], %swap3A_76 {strides = array<i32>} : memref<128x128xf32, #tpu.memory_space<vmem>>, vector<1x16xf32>,
      %swap3A_77 = arith.index_cast %scan3A_47 : i32 to index
      %swap3A_78 = arith.constant 96 : index
      %swap3A_79 = tpu.vector_load %arg8[%swap3A_77, %swap3A_78] {strides = array<i32>} : memref<128x128xf32, #tpu.memory_space<vmem>>, vector<1x16xf32>,
      %swap3A_80 = vector.shape_cast %swap3A_79 : vector<1x16xf32> to vector<16xf32>
      %swap3A_81 = vector.shape_cast %broadcast_in_dim3A_1 : vector<16xf32> to vector<1x16xf32>
      tpu.vector_store %arg8[%swap3A_77, %swap3A_78], %swap3A_81 {strides = array<i32>} : memref<128x128xf32, #tpu.memory_space<vmem>>, vector<1x16xf32>,
      %swap3A_82 = arith.index_cast %scan3A_47 : i32 to index
      %swap3A_83 = arith.constant 112 : index
      %swap3A_84 = tpu.vector_load %arg8[%swap3A_82, %swap3A_83] {strides = array<i32>} : memref<128x128xf32, #tpu.memory_space<vmem>>, vector<1x16xf32>,
      %swap3A_85 = vector.shape_cast %swap3A_84 : vector<1x16xf32> to vector<16xf32>
      %swap3A_86 = vector.shape_cast %broadcast_in_dim3A_1 : vector<16xf32> to vector<1x16xf32>
      tpu.vector_store %arg8[%swap3A_82, %swap3A_83], %swap3A_86 {strides = array<i32>} : memref<128x128xf32, #tpu.memory_space<vmem>>, vector<1x16xf32>,
    }
    %scan3A_6 = arith.constant 128 : i32
    %mul3A_7 = arith.constant 640 : i32
    %mul3A_8 = arith.muli %arg1, %mul3A_7 : i32
    %add3A = arith.constant 0 : i32
    %add3A_9 = arith.addi %mul3A_8, %add3A : i32
    "tpu.region"() ({
      %run_scoped3A = tpu.sem_alloc : memref<!tpu.dma_semaphore, #tpu.memory_space<semaphore_mem>>
      %dma_start3A = arith.constant 0 : i32
      %dma_start3A_47 = tpu.memref_slice %arg10[%add3A_9, %dma_start3A] : memref<10240x128xf32, #tpu.memory_space<vmem_shared>> -> memref<128x128xf32, #tpu.memory_space<vmem_shared>>
      %dma_start3A_48 = arith.constant 0 : i32
      %dma_start3A_49 = tpu.memref_slice %arg10[%add3A_9, %dma_start3A_48] : memref<10240x128xf32, #tpu.memory_space<vmem_shared>> -> memref<128x128xf32, #tpu.memory_space<vmem_shared>>
      tpu.enqueue_dma source(%arg8 : memref<128x128xf32, #tpu.memory_space<vmem>>) target(%dma_start3A_49 : memref<128x128xf32, #tpu.memory_space<vmem_shared>>) target_semaphore(%run_scoped3A : memref<!tpu.dma_semaphore, #tpu.memory_space<semaphore_mem>>)
      %dma_wait3A = arith.constant 0 : i32
      %dma_wait3A_50 = tpu.memref_slice %arg10[%add3A_9, %dma_wait3A] : memref<10240x128xf32, #tpu.memory_space<vmem_shared>> -> memref<128x128xf32, #tpu.memory_space<vmem_shared>>
      %dma_wait3A_51 = arith.constant 0 : i32
      %dma_wait3A_52 = tpu.memref_slice %arg10[%add3A_9, %dma_wait3A_51] : memref<10240x128xf32, #tpu.memory_space<vmem_shared>> -> memref<128x128xf32, #tpu.memory_space<vmem_shared>>
      tpu.wait_dma2 semaphore(%run_scoped3A : memref<!tpu.dma_semaphore, #tpu.memory_space<semaphore_mem>>) src(%arg8 : memref<128x128xf32, #tpu.memory_space<vmem>>) dst(%dma_wait3A_52 : memref<128x128xf32, #tpu.memory_space<vmem_shared>>)
      tpu.yield
    }) : () -> ()
    %mul3A_10 = arith.constant 640 : i32
    %mul3A_11 = arith.muli %arg1, %mul3A_10 : i32
    %add3A_12 = arith.constant 128 : i32
    %add3A_13 = arith.addi %mul3A_11, %add3A_12 : i32
    "tpu.region"() ({
      %run_scoped3A = tpu.sem_alloc : memref<!tpu.dma_semaphore, #tpu.memory_space<semaphore_mem>>
      %dma_start3A = arith.constant 0 : i32
      %dma_start3A_47 = tpu.memref_slice %arg10[%add3A_13, %dma_start3A] : memref<10240x128xf32, #tpu.memory_space<vmem_shared>> -> memref<128x128xf32, #tpu.memory_space<vmem_shared>>
      %dma_start3A_48 = arith.constant 0 : i32
      %dma_start3A_49 = tpu.memref_slice %arg10[%add3A_13, %dma_start3A_48] : memref<10240x128xf32, #tpu.memory_space<vmem_shared>> -> memref<128x128xf32, #tpu.memory_space<vmem_shared>>
      tpu.enqueue_dma source(%arg8 : memref<128x128xf32, #tpu.memory_space<vmem>>) target(%dma_start3A_49 : memref<128x128xf32, #tpu.memory_space<vmem_shared>>) target_semaphore(%run_scoped3A : memref<!tpu.dma_semaphore, #tpu.memory_space<semaphore_mem>>)
      %dma_wait3A = arith.constant 0 : i32
      %dma_wait3A_50 = tpu.memref_slice %arg10[%add3A_13, %dma_wait3A] : memref<10240x128xf32, #tpu.memory_space<vmem_shared>> -> memref<128x128xf32, #tpu.memory_space<vmem_shared>>
      %dma_wait3A_51 = arith.constant 0 : i32
      %dma_wait3A_52 = tpu.memref_slice %arg10[%add3A_13, %dma_wait3A_51] : memref<10240x128xf32, #tpu.memory_space<vmem_shared>> -> memref<128x128xf32, #tpu.memory_space<vmem_shared>>
      tpu.wait_dma2 semaphore(%run_scoped3A : memref<!tpu.dma_semaphore, #tpu.memory_space<semaphore_mem>>) src(%arg8 : memref<128x128xf32, #tpu.memory_space<vmem>>) dst(%dma_wait3A_52 : memref<128x128xf32, #tpu.memory_space<vmem_shared>>)
      tpu.yield
    }) : () -> ()
    %mul3A_14 = arith.constant 640 : i32
    %mul3A_15 = arith.muli %arg1, %mul3A_14 : i32
    %add3A_16 = arith.constant 256 : i32
    %add3A_17 = arith.addi %mul3A_15, %add3A_16 : i32
    "tpu.region"() ({
      %run_scoped3A = tpu.sem_alloc : memref<!tpu.dma_semaphore, #tpu.memory_space<semaphore_mem>>
      %dma_start3A = arith.constant 0 : i32
      %dma_start3A_47 = tpu.memref_slice %arg10[%add3A_17, %dma_start3A] : memref<10240x128xf32, #tpu.memory_space<vmem_shared>> -> memref<128x128xf32, #tpu.memory_space<vmem_shared>>
      %dma_start3A_48 = arith.constant 0 : i32
      %dma_start3A_49 = tpu.memref_slice %arg10[%add3A_17, %dma_start3A_48] : memref<10240x128xf32, #tpu.memory_space<vmem_shared>> -> memref<128x128xf32, #tpu.memory_space<vmem_shared>>
      tpu.enqueue_dma source(%arg8 : memref<128x128xf32, #tpu.memory_space<vmem>>) target(%dma_start3A_49 : memref<128x128xf32, #tpu.memory_space<vmem_shared>>) target_semaphore(%run_scoped3A : memref<!tpu.dma_semaphore, #tpu.memory_space<semaphore_mem>>)
      %dma_wait3A = arith.constant 0 : i32
      %dma_wait3A_50 = tpu.memref_slice %arg10[%add3A_17, %dma_wait3A] : memref<10240x128xf32, #tpu.memory_space<vmem_shared>> -> memref<128x128xf32, #tpu.memory_space<vmem_shared>>
      %dma_wait3A_51 = arith.constant 0 : i32
      %dma_wait3A_52 = tpu.memref_slice %arg10[%add3A_17, %dma_wait3A_51] : memref<10240x128xf32, #tpu.memory_space<vmem_shared>> -> memref<128x128xf32, #tpu.memory_space<vmem_shared>>
      tpu.wait_dma2 semaphore(%run_scoped3A : memref<!tpu.dma_semaphore, #tpu.memory_space<semaphore_mem>>) src(%arg8 : memref<128x128xf32, #tpu.memory_space<vmem>>) dst(%dma_wait3A_52 : memref<128x128xf32, #tpu.memory_space<vmem_shared>>)
      tpu.yield
    }) : () -> ()
    %mul3A_18 = arith.constant 640 : i32
    %mul3A_19 = arith.muli %arg1, %mul3A_18 : i32
    %add3A_20 = arith.constant 384 : i32
    %add3A_21 = arith.addi %mul3A_19, %add3A_20 : i32
    "tpu.region"() ({
      %run_scoped3A = tpu.sem_alloc : memref<!tpu.dma_semaphore, #tpu.memory_space<semaphore_mem>>
      %dma_start3A = arith.constant 0 : i32
      %dma_start3A_47 = tpu.memref_slice %arg10[%add3A_21, %dma_start3A] : memref<10240x128xf32, #tpu.memory_space<vmem_shared>> -> memref<128x128xf32, #tpu.memory_space<vmem_shared>>
      %dma_start3A_48 = arith.constant 0 : i32
      %dma_start3A_49 = tpu.memref_slice %arg10[%add3A_21, %dma_start3A_48] : memref<10240x128xf32, #tpu.memory_space<vmem_shared>> -> memref<128x128xf32, #tpu.memory_space<vmem_shared>>
      tpu.enqueue_dma source(%arg8 : memref<128x128xf32, #tpu.memory_space<vmem>>) target(%dma_start3A_49 : memref<128x128xf32, #tpu.memory_space<vmem_shared>>) target_semaphore(%run_scoped3A : memref<!tpu.dma_semaphore, #tpu.memory_space<semaphore_mem>>)
      %dma_wait3A = arith.constant 0 : i32
      %dma_wait3A_50 = tpu.memref_slice %arg10[%add3A_21, %dma_wait3A] : memref<10240x128xf32, #tpu.memory_space<vmem_shared>> -> memref<128x128xf32, #tpu.memory_space<vmem_shared>>
      %dma_wait3A_51 = arith.constant 0 : i32
      %dma_wait3A_52 = tpu.memref_slice %arg10[%add3A_21, %dma_wait3A_51] : memref<10240x128xf32, #tpu.memory_space<vmem_shared>> -> memref<128x128xf32, #tpu.memory_space<vmem_shared>>
      tpu.wait_dma2 semaphore(%run_scoped3A : memref<!tpu.dma_semaphore, #tpu.memory_space<semaphore_mem>>) src(%arg8 : memref<128x128xf32, #tpu.memory_space<vmem>>) dst(%dma_wait3A_52 : memref<128x128xf32, #tpu.memory_space<vmem_shared>>)
      tpu.yield
    }) : () -> ()
    %mul3A_22 = arith.constant 640 : i32
    %mul3A_23 = arith.muli %arg1, %mul3A_22 : i32
    %add3A_24 = arith.constant 512 : i32
    %add3A_25 = arith.addi %mul3A_23, %add3A_24 : i32
    "tpu.region"() ({
      %run_scoped3A = tpu.sem_alloc : memref<!tpu.dma_semaphore, #tpu.memory_space<semaphore_mem>>
      %dma_start3A = arith.constant 0 : i32
      %dma_start3A_47 = tpu.memref_slice %arg10[%add3A_25, %dma_start3A] : memref<10240x128xf32, #tpu.memory_space<vmem_shared>> -> memref<128x128xf32, #tpu.memory_space<vmem_shared>>
      %dma_start3A_48 = arith.constant 0 : i32
      %dma_start3A_49 = tpu.memref_slice %arg10[%add3A_25, %dma_start3A_48] : memref<10240x128xf32, #tpu.memory_space<vmem_shared>> -> memref<128x128xf32, #tpu.memory_space<vmem_shared>>
      tpu.enqueue_dma source(%arg8 : memref<128x128xf32, #tpu.memory_space<vmem>>) target(%dma_start3A_49 : memref<128x128xf32, #tpu.memory_space<vmem_shared>>) target_semaphore(%run_scoped3A : memref<!tpu.dma_semaphore, #tpu.memory_space<semaphore_mem>>)
      %dma_wait3A = arith.constant 0 : i32
      %dma_wait3A_50 = tpu.memref_slice %arg10[%add3A_25, %dma_wait3A] : memref<10240x128xf32, #tpu.memory_space<vmem_shared>> -> memref<128x128xf32, #tpu.memory_space<vmem_shared>>
      %dma_wait3A_51 = arith.constant 0 : i32
      %dma_wait3A_52 = tpu.memref_slice %arg10[%add3A_25, %dma_wait3A_51] : memref<10240x128xf32, #tpu.memory_space<vmem_shared>> -> memref<128x128xf32, #tpu.memory_space<vmem_shared>>
      tpu.wait_dma2 semaphore(%run_scoped3A : memref<!tpu.dma_semaphore, #tpu.memory_space<semaphore_mem>>) src(%arg8 : memref<128x128xf32, #tpu.memory_space<vmem>>) dst(%dma_wait3A_52 : memref<128x128xf32, #tpu.memory_space<vmem_shared>>)
      tpu.yield
    }) : () -> ()
    %eq3A = arith.constant 0 : i32
    %eq3A_26 = arith.cmpi eq, %arg0, %eq3A : i32
    %mul3A_27 = arith.constant 80 : i32
    %mul3A_28 = arith.muli %arg1, %mul3A_27 : i32
    %mul3A_29 = arith.constant 80 : i32
    %mul3A_30 = arith.muli %arg1, %mul3A_29 : i32
    %add3A_31 = arith.constant 1280 : i32
    %add3A_32 = arith.addi %add3A_31, %mul3A_30 : i32
    %select_n3A = arith.select %eq3A_26, %mul3A_28, %add3A_32 : i32
    %eq3A_33 = arith.constant 0 : i32
    %eq3A_34 = arith.cmpi eq, %arg0, %eq3A_33 : i32
    %jit3A = arith.constant 2 : i32
    %jit3A_35 = arith.constant 2 : i32
    %select_n3A_36 = arith.select %eq3A_34, %jit3A, %jit3A_35 : i32
    %barrier3A = arith.constant 0 : index
    tpu.barrier barrier_id(%barrier3A)
    %while3A = arith.constant 0 : i32
    %while3A_37 = arith.constant 0 : i32
    %while3A_38 = arith.subi %select_n3A_36, %while3A_37 : i32
    %while3A_39 = arith.addi %while3A_37, %while3A_38 : i32
    %while3A_40 = arith.constant 1 : i32
    %while3A_41 = arith.divsi %while3A_38, %while3A_40 : i32
    %while3A_42 = arith.muli %while3A_41, %while3A_40 : i32
    %while3A_43 = arith.addi %while3A_37, %while3A_42 : i32
    %while3A_44 = arith.constant 1 : i32
    scf.for %while3A_47 = %while3A_37 to %while3A_43 step %while3A_44  : i32 {
      %mul3A_48 = arith.constant 40 : i32
      %mul3A_49 = arith.muli %while3A_47, %mul3A_48 : i32
      %add3A_50 = arith.addi %select_n3A, %mul3A_49 : i32
      %multiple_of3A = tpu.assume_multiple %add3A_50, 40 : i32
      "tpu.region"() ({
        %run_scoped3A = tpu.sem_alloc : memref<!tpu.dma_semaphore, #tpu.memory_space<semaphore_mem>>
        %dma_start3A_76 = arith.constant 0 : i32
        %dma_start3A_77 = tpu.memref_slice %arg3[%multiple_of3A, %dma_start3A_76] : memref<2560x128xi32, #tpu.memory_space<hbm>> -> memref<40x128xi32, #tpu.memory_space<hbm>>
        %dma_start3A_78 = arith.constant 0 : i32
        %dma_start3A_79 = tpu.memref_slice %arg3[%multiple_of3A, %dma_start3A_78] : memref<2560x128xi32, #tpu.memory_space<hbm>> -> memref<40x128xi32, #tpu.memory_space<hbm>>
        tpu.enqueue_dma source(%dma_start3A_79 : memref<40x128xi32, #tpu.memory_space<hbm>>) target(%arg6 : memref<40x128xi32, #tpu.memory_space<vmem>>) target_semaphore(%run_scoped3A : memref<!tpu.dma_semaphore, #tpu.memory_space<semaphore_mem>>)
        %dma_wait3A = arith.constant 0 : i32
        %dma_wait3A_80 = tpu.memref_slice %arg3[%multiple_of3A, %dma_wait3A] : memref<2560x128xi32, #tpu.memory_space<hbm>> -> memref<40x128xi32, #tpu.memory_space<hbm>>
        %dma_wait3A_81 = arith.constant 0 : i32
        %dma_wait3A_82 = tpu.memref_slice %arg3[%multiple_of3A, %dma_wait3A_81] : memref<2560x128xi32, #tpu.memory_space<hbm>> -> memref<40x128xi32, #tpu.memory_space<hbm>>
        tpu.wait_dma2 semaphore(%run_scoped3A : memref<!tpu.dma_semaphore, #tpu.memory_space<semaphore_mem>>) src(%dma_wait3A_82 : memref<40x128xi32, #tpu.memory_space<hbm>>) dst(%arg6 : memref<40x128xi32, #tpu.memory_space<vmem>>)
        tpu.yield
      }) : () -> ()
      "tpu.region"() ({
        %run_scoped3A = tpu.sem_alloc : memref<!tpu.dma_semaphore, #tpu.memory_space<semaphore_mem>>
        %dma_start3A_76 = arith.constant 0 : i32
        %dma_start3A_77 = arith.constant 0 : i32
        %dma_start3A_78 = tpu.memref_slice %arg4[%multiple_of3A, %dma_start3A_76, %dma_start3A_77] : memref<2560x1x128xi32, #tpu.memory_space<hbm>> -> memref<40x1x128xi32, #tpu.memory_space<hbm>>
        %dma_start3A_79 = arith.constant 0 : i32
        %dma_start3A_80 = arith.constant 0 : i32
        %dma_start3A_81 = tpu.memref_slice %arg4[%multiple_of3A, %dma_start3A_79, %dma_start3A_80] : memref<2560x1x128xi32, #tpu.memory_space<hbm>> -> memref<40x1x128xi32, #tpu.memory_space<hbm>>
        tpu.enqueue_dma source(%dma_start3A_81 : memref<40x1x128xi32, #tpu.memory_space<hbm>>) target(%arg7 : memref<40x1x128xi32, #tpu.memory_space<vmem>>) target_semaphore(%run_scoped3A : memref<!tpu.dma_semaphore, #tpu.memory_space<semaphore_mem>>)
        %dma_wait3A = arith.constant 0 : i32
        %dma_wait3A_82 = arith.constant 0 : i32
        %dma_wait3A_83 = tpu.memref_slice %arg4[%multiple_of3A, %dma_wait3A, %dma_wait3A_82] : memref<2560x1x128xi32, #tpu.memory_space<hbm>> -> memref<40x1x128xi32, #tpu.memory_space<hbm>>
        %dma_wait3A_84 = arith.constant 0 : i32
        %dma_wait3A_85 = arith.constant 0 : i32
        %dma_wait3A_86 = tpu.memref_slice %arg4[%multiple_of3A, %dma_wait3A_84, %dma_wait3A_85] : memref<2560x1x128xi32, #tpu.memory_space<hbm>> -> memref<40x1x128xi32, #tpu.memory_space<hbm>>
        tpu.wait_dma2 semaphore(%run_scoped3A : memref<!tpu.dma_semaphore, #tpu.memory_space<semaphore_mem>>) src(%dma_wait3A_86 : memref<40x1x128xi32, #tpu.memory_space<hbm>>) dst(%arg7 : memref<40x1x128xi32, #tpu.memory_space<vmem>>)
        tpu.yield
      }) : () -> ()
      %dma_start3A = arith.constant 0 : i32
      %dma_start3A_51 = arith.constant 0 : i32
      %dma_start3A_52 = arith.constant 0 : i32
      %dma_start3A_53 = tpu.memref_slice %arg6[%dma_start3A, %dma_start3A_52] : memref<40x128xi32, #tpu.memory_space<vmem>> -> memref<1x128xi32, #tpu.memory_space<vmem>>
      %dma_start3A_54 = tpu.memref_squeeze %dma_start3A_53 : memref<1x128xi32, #tpu.memory_space<vmem>> -> memref<128xi32, #tpu.memory_space<vmem>>
      %dma_start3A_55 = arith.constant 0 : i32
      %dma_start3A_56 = arith.constant 0 : i32
      %dma_start3A_57 = tpu.memref_slice %arg2[%dma_start3A_55, %dma_start3A_56] : memref<10240x128xf32, #tpu.memory_space<hbm>> -> memref<10240x128xf32, #tpu.memory_space<hbm>>
      %dma_start3A_58 = tpu.memref_slice %arg11[%dma_start3A_51] : memref<2x!tpu.dma_semaphore, #tpu.memory_space<semaphore_mem>> -> memref<1x!tpu.dma_semaphore, #tpu.memory_space<semaphore_mem>>
      %dma_start3A_59 = tpu.memref_squeeze %dma_start3A_58 : memref<1x!tpu.dma_semaphore, #tpu.memory_space<semaphore_mem>> -> memref<!tpu.dma_semaphore, #tpu.memory_space<semaphore_mem>>
      tpu.enqueue_indirect_dma source(%dma_start3A_57 : memref<10240x128xf32, #tpu.memory_space<hbm>>) target(%arg8 : memref<128x128xf32, #tpu.memory_space<vmem>>) offsets(%dma_start3A_54 : memref<128xi32, #tpu.memory_space<vmem>>) semaphore(%dma_start3A_59 : memref<!tpu.dma_semaphore, #tpu.memory_space<semaphore_mem>>)
      %dma_start3A_60 = arith.constant 1 : i32
      %dma_start3A_61 = arith.constant 1 : i32
      %dma_start3A_62 = arith.constant 0 : i32
      %dma_start3A_63 = tpu.memref_slice %arg6[%dma_start3A_60, %dma_start3A_62] : memref<40x128xi32, #tpu.memory_space<vmem>> -> memref<1x128xi32, #tpu.memory_space<vmem>>
      %dma_start3A_64 = tpu.memref_squeeze %dma_start3A_63 : memref<1x128xi32, #tpu.memory_space<vmem>> -> memref<128xi32, #tpu.memory_space<vmem>>
      %dma_start3A_65 = arith.constant 0 : i32
      %dma_start3A_66 = arith.constant 0 : i32
      %dma_start3A_67 = tpu.memref_slice %arg2[%dma_start3A_65, %dma_start3A_66] : memref<10240x128xf32, #tpu.memory_space<hbm>> -> memref<10240x128xf32, #tpu.memory_space<hbm>>
      %dma_start3A_68 = tpu.memref_slice %arg11[%dma_start3A_61] : memref<2x!tpu.dma_semaphore, #tpu.memory_space<semaphore_mem>> -> memref<1x!tpu.dma_semaphore, #tpu.memory_space<semaphore_mem>>
      %dma_start3A_69 = tpu.memref_squeeze %dma_start3A_68 : memref<1x!tpu.dma_semaphore, #tpu.memory_space<semaphore_mem>> -> memref<!tpu.dma_semaphore, #tpu.memory_space<semaphore_mem>>
      tpu.enqueue_indirect_dma source(%dma_start3A_67 : memref<10240x128xf32, #tpu.memory_space<hbm>>) target(%arg9 : memref<128x128xf32, #tpu.memory_space<vmem>>) offsets(%dma_start3A_64 : memref<128xi32, #tpu.memory_space<vmem>>) semaphore(%dma_start3A_69 : memref<!tpu.dma_semaphore, #tpu.memory_space<semaphore_mem>>)
      %scan3A_70 = arith.constant 0 : i32
      %scan3A_71 = arith.constant 0 : i32
      %scan3A_72 = arith.constant 20 : i32
      %scan3A_73 = arith.addi %scan3A_71, %scan3A_72 : i32
      %scan3A_74 = arith.constant 1 : i32
      scf.for %scan3A_76 = %scan3A_71 to %scan3A_73 step %scan3A_74  : i32 {
        %mul3A_77 = arith.constant 2 : i32
        %mul3A_78 = arith.muli %scan3A_76, %mul3A_77 : i32
        %add3A_79 = arith.constant 0 : i32
        %add3A_80 = arith.addi %mul3A_78, %add3A_79 : i32
        %dma_wait3A = arith.constant 0 : i32
        %dma_wait3A_81 = arith.constant 0 : i32
        %dma_wait3A_82 = tpu.memref_slice %arg6[%add3A_80, %dma_wait3A_81] : memref<40x128xi32, #tpu.memory_space<vmem>> -> memref<1x128xi32, #tpu.memory_space<vmem>>
        %dma_wait3A_83 = tpu.memref_squeeze %dma_wait3A_82 : memref<1x128xi32, #tpu.memory_space<vmem>> -> memref<128xi32, #tpu.memory_space<vmem>>
        %dma_wait3A_84 = arith.constant 0 : i32
        %dma_wait3A_85 = arith.constant 0 : i32
        %dma_wait3A_86 = tpu.memref_slice %arg2[%dma_wait3A_84, %dma_wait3A_85] : memref<10240x128xf32, #tpu.memory_space<hbm>> -> memref<10240x128xf32, #tpu.memory_space<hbm>>
        %dma_wait3A_87 = tpu.memref_slice %arg11[%dma_wait3A] : memref<2x!tpu.dma_semaphore, #tpu.memory_space<semaphore_mem>> -> memref<1x!tpu.dma_semaphore, #tpu.memory_space<semaphore_mem>>
        %dma_wait3A_88 = tpu.memref_squeeze %dma_wait3A_87 : memref<1x!tpu.dma_semaphore, #tpu.memory_space<semaphore_mem>> -> memref<!tpu.dma_semaphore, #tpu.memory_space<semaphore_mem>>
        tpu.wait_indirect_dma semaphore(%dma_wait3A_88 : memref<!tpu.dma_semaphore, #tpu.memory_space<semaphore_mem>>) src(%dma_wait3A_86 : memref<10240x128xf32, #tpu.memory_space<hbm>>) dst(%arg8 : memref<128x128xf32, #tpu.memory_space<vmem>>)
        %dma_start3A_89 = arith.constant 0 : i32
        %dma_start3A_90 = arith.constant 0 : i32
        %dma_start3A_91 = arith.constant 0 : i32
        %dma_start3A_92 = tpu.memref_slice %arg7[%add3A_80, %dma_start3A_89, %dma_start3A_91] : memref<40x1x128xi32, #tpu.memory_space<vmem>> -> memref<1x1x128xi32, #tpu.memory_space<vmem>>
        %dma_start3A_93 = tpu.memref_squeeze %dma_start3A_92 : memref<1x1x128xi32, #tpu.memory_space<vmem>> -> memref<128xi32, #tpu.memory_space<vmem>>
        %dma_start3A_94 = arith.constant 0 : i32
        %dma_start3A_95 = arith.constant 0 : i32
        %dma_start3A_96 = tpu.memref_slice %arg10[%dma_start3A_94, %dma_start3A_95] : memref<10240x128xf32, #tpu.memory_space<vmem_shared>> -> memref<10240x128xf32, #tpu.memory_space<vmem_shared>>
        %dma_start3A_97 = tpu.memref_slice %arg12[%dma_start3A_90] : memref<2x!tpu.dma_semaphore, #tpu.memory_space<semaphore_mem>> -> memref<1x!tpu.dma_semaphore, #tpu.memory_space<semaphore_mem>>
        %dma_start3A_98 = tpu.memref_squeeze %dma_start3A_97 : memref<1x!tpu.dma_semaphore, #tpu.memory_space<semaphore_mem>> -> memref<!tpu.dma_semaphore, #tpu.memory_space<semaphore_mem>>
        tpu.enqueue_indirect_dma source(%arg8 : memref<128x128xf32, #tpu.memory_space<vmem>>) target(%dma_start3A_96 : memref<10240x128xf32, #tpu.memory_space<vmem_shared>>) offsets(%dma_start3A_93 : memref<128xi32, #tpu.memory_space<vmem>>) semaphore(%dma_start3A_98 : memref<!tpu.dma_semaphore, #tpu.memory_space<semaphore_mem>>) {add = true}
        %dma_wait3A_99 = arith.constant 0 : i32
        %dma_wait3A_100 = arith.constant 0 : i32
        %dma_wait3A_101 = arith.constant 0 : i32
        %dma_wait3A_102 = tpu.memref_slice %arg7[%add3A_80, %dma_wait3A_99, %dma_wait3A_101] : memref<40x1x128xi32, #tpu.memory_space<vmem>> -> memref<1x1x128xi32, #tpu.memory_space<vmem>>
        %dma_wait3A_103 = tpu.memref_squeeze %dma_wait3A_102 : memref<1x1x128xi32, #tpu.memory_space<vmem>> -> memref<128xi32, #tpu.memory_space<vmem>>
        %dma_wait3A_104 = arith.constant 0 : i32
        %dma_wait3A_105 = arith.constant 0 : i32
        %dma_wait3A_106 = tpu.memref_slice %arg10[%dma_wait3A_104, %dma_wait3A_105] : memref<10240x128xf32, #tpu.memory_space<vmem_shared>> -> memref<10240x128xf32, #tpu.memory_space<vmem_shared>>
        %dma_wait3A_107 = tpu.memref_slice %arg12[%dma_wait3A_100] : memref<2x!tpu.dma_semaphore, #tpu.memory_space<semaphore_mem>> -> memref<1x!tpu.dma_semaphore, #tpu.memory_space<semaphore_mem>>
        %dma_wait3A_108 = tpu.memref_squeeze %dma_wait3A_107 : memref<1x!tpu.dma_semaphore, #tpu.memory_space<semaphore_mem>> -> memref<!tpu.dma_semaphore, #tpu.memory_space<semaphore_mem>>
        tpu.wait_indirect_dma semaphore(%dma_wait3A_108 : memref<!tpu.dma_semaphore, #tpu.memory_space<semaphore_mem>>) src(%arg8 : memref<128x128xf32, #tpu.memory_space<vmem>>) dst(%dma_wait3A_106 : memref<10240x128xf32, #tpu.memory_space<vmem_shared>>)
        %add3A_109 = arith.constant 2 : i32
        %add3A_110 = arith.addi %add3A_80, %add3A_109 : i32
        %lt3A = arith.constant 40 : i32
        %lt3A_111 = arith.cmpi slt, %add3A_110, %lt3A : i32
        %convert_element_type3A = arith.extui %lt3A_111 : i1 to i32
        %cond3A = arith.constant 0 : i32
        %cond3A_112 = arith.cmpi ne, %convert_element_type3A, %cond3A : i32
        scf.if %cond3A_112 {
          %add3A_153 = arith.constant 2 : i32
          %add3A_154 = arith.addi %add3A_80, %add3A_153 : i32
          %dma_start3A_155 = arith.constant 0 : i32
          %dma_start3A_156 = arith.constant 0 : i32
          %dma_start3A_157 = tpu.memref_slice %arg6[%add3A_154, %dma_start3A_156] : memref<40x128xi32, #tpu.memory_space<vmem>> -> memref<1x128xi32, #tpu.memory_space<vmem>>
          %dma_start3A_158 = tpu.memref_squeeze %dma_start3A_157 : memref<1x128xi32, #tpu.memory_space<vmem>> -> memref<128xi32, #tpu.memory_space<vmem>>
          %dma_start3A_159 = arith.constant 0 : i32
          %dma_start3A_160 = arith.constant 0 : i32
          %dma_start3A_161 = tpu.memref_slice %arg2[%dma_start3A_159, %dma_start3A_160] : memref<10240x128xf32, #tpu.memory_space<hbm>> -> memref<10240x128xf32, #tpu.memory_space<hbm>>
          %dma_start3A_162 = tpu.memref_slice %arg11[%dma_start3A_155] : memref<2x!tpu.dma_semaphore, #tpu.memory_space<semaphore_mem>> -> memref<1x!tpu.dma_semaphore, #tpu.memory_space<semaphore_mem>>
          %dma_start3A_163 = tpu.memref_squeeze %dma_start3A_162 : memref<1x!tpu.dma_semaphore, #tpu.memory_space<semaphore_mem>> -> memref<!tpu.dma_semaphore, #tpu.memory_space<semaphore_mem>>
          tpu.enqueue_indirect_dma source(%dma_start3A_161 : memref<10240x128xf32, #tpu.memory_space<hbm>>) target(%arg8 : memref<128x128xf32, #tpu.memory_space<vmem>>) offsets(%dma_start3A_158 : memref<128xi32, #tpu.memory_space<vmem>>) semaphore(%dma_start3A_163 : memref<!tpu.dma_semaphore, #tpu.memory_space<semaphore_mem>>)
        } else {
        }
        %mul3A_113 = arith.constant 2 : i32
        %mul3A_114 = arith.muli %scan3A_76, %mul3A_113 : i32
        %add3A_115 = arith.constant 1 : i32
        %add3A_116 = arith.addi %mul3A_114, %add3A_115 : i32
        %dma_wait3A_117 = arith.constant 1 : i32
        %dma_wait3A_118 = arith.constant 0 : i32
        %dma_wait3A_119 = tpu.memref_slice %arg6[%add3A_116, %dma_wait3A_118] : memref<40x128xi32, #tpu.memory_space<vmem>> -> memref<1x128xi32, #tpu.memory_space<vmem>>
        %dma_wait3A_120 = tpu.memref_squeeze %dma_wait3A_119 : memref<1x128xi32, #tpu.memory_space<vmem>> -> memref<128xi32, #tpu.memory_space<vmem>>
        %dma_wait3A_121 = arith.constant 0 : i32
        %dma_wait3A_122 = arith.constant 0 : i32
        %dma_wait3A_123 = tpu.memref_slice %arg2[%dma_wait3A_121, %dma_wait3A_122] : memref<10240x128xf32, #tpu.memory_space<hbm>> -> memref<10240x128xf32, #tpu.memory_space<hbm>>
        %dma_wait3A_124 = tpu.memref_slice %arg11[%dma_wait3A_117] : memref<2x!tpu.dma_semaphore, #tpu.memory_space<semaphore_mem>> -> memref<1x!tpu.dma_semaphore, #tpu.memory_space<semaphore_mem>>
        %dma_wait3A_125 = tpu.memref_squeeze %dma_wait3A_124 : memref<1x!tpu.dma_semaphore, #tpu.memory_space<semaphore_mem>> -> memref<!tpu.dma_semaphore, #tpu.memory_space<semaphore_mem>>
        tpu.wait_indirect_dma semaphore(%dma_wait3A_125 : memref<!tpu.dma_semaphore, #tpu.memory_space<semaphore_mem>>) src(%dma_wait3A_123 : memref<10240x128xf32, #tpu.memory_space<hbm>>) dst(%arg9 : memref<128x128xf32, #tpu.memory_space<vmem>>)
        %dma_start3A_126 = arith.constant 0 : i32
        %dma_start3A_127 = arith.constant 1 : i32
        %dma_start3A_128 = arith.constant 0 : i32
        %dma_start3A_129 = tpu.memref_slice %arg7[%add3A_116, %dma_start3A_126, %dma_start3A_128] : memref<40x1x128xi32, #tpu.memory_space<vmem>> -> memref<1x1x128xi32, #tpu.memory_space<vmem>>
        %dma_start3A_130 = tpu.memref_squeeze %dma_start3A_129 : memref<1x1x128xi32, #tpu.memory_space<vmem>> -> memref<128xi32, #tpu.memory_space<vmem>>
        %dma_start3A_131 = arith.constant 0 : i32
        %dma_start3A_132 = arith.constant 0 : i32
        %dma_start3A_133 = tpu.memref_slice %arg10[%dma_start3A_131, %dma_start3A_132] : memref<10240x128xf32, #tpu.memory_space<vmem_shared>> -> memref<10240x128xf32, #tpu.memory_space<vmem_shared>>
        %dma_start3A_134 = tpu.memref_slice %arg12[%dma_start3A_127] : memref<2x!tpu.dma_semaphore, #tpu.memory_space<semaphore_mem>> -> memref<1x!tpu.dma_semaphore, #tpu.memory_space<semaphore_mem>>
        %dma_start3A_135 = tpu.memref_squeeze %dma_start3A_134 : memref<1x!tpu.dma_semaphore, #tpu.memory_space<semaphore_mem>> -> memref<!tpu.dma_semaphore, #tpu.memory_space<semaphore_mem>>
        tpu.enqueue_indirect_dma source(%arg9 : memref<128x128xf32, #tpu.memory_space<vmem>>) target(%dma_start3A_133 : memref<10240x128xf32, #tpu.memory_space<vmem_shared>>) offsets(%dma_start3A_130 : memref<128xi32, #tpu.memory_space<vmem>>) semaphore(%dma_start3A_135 : memref<!tpu.dma_semaphore, #tpu.memory_space<semaphore_mem>>) {add = true}
        %dma_wait3A_136 = arith.constant 0 : i32
        %dma_wait3A_137 = arith.constant 1 : i32
        %dma_wait3A_138 = arith.constant 0 : i32
        %dma_wait3A_139 = tpu.memref_slice %arg7[%add3A_116, %dma_wait3A_136, %dma_wait3A_138] : memref<40x1x128xi32, #tpu.memory_space<vmem>> -> memref<1x1x128xi32, #tpu.memory_space<vmem>>
        %dma_wait3A_140 = tpu.memref_squeeze %dma_wait3A_139 : memref<1x1x128xi32, #tpu.memory_space<vmem>> -> memref<128xi32, #tpu.memory_space<vmem>>
        %dma_wait3A_141 = arith.constant 0 : i32
        %dma_wait3A_142 = arith.constant 0 : i32
        %dma_wait3A_143 = tpu.memref_slice %arg10[%dma_wait3A_141, %dma_wait3A_142] : memref<10240x128xf32, #tpu.memory_space<vmem_shared>> -> memref<10240x128xf32, #tpu.memory_space<vmem_shared>>
        %dma_wait3A_144 = tpu.memref_slice %arg12[%dma_wait3A_137] : memref<2x!tpu.dma_semaphore, #tpu.memory_space<semaphore_mem>> -> memref<1x!tpu.dma_semaphore, #tpu.memory_space<semaphore_mem>>
        %dma_wait3A_145 = tpu.memref_squeeze %dma_wait3A_144 : memref<1x!tpu.dma_semaphore, #tpu.memory_space<semaphore_mem>> -> memref<!tpu.dma_semaphore, #tpu.memory_space<semaphore_mem>>
        tpu.wait_indirect_dma semaphore(%dma_wait3A_145 : memref<!tpu.dma_semaphore, #tpu.memory_space<semaphore_mem>>) src(%arg9 : memref<128x128xf32, #tpu.memory_space<vmem>>) dst(%dma_wait3A_143 : memref<10240x128xf32, #tpu.memory_space<vmem_shared>>)
        %add3A_146 = arith.constant 2 : i32
        %add3A_147 = arith.addi %add3A_116, %add3A_146 : i32
        %lt3A_148 = arith.constant 40 : i32
        %lt3A_149 = arith.cmpi slt, %add3A_147, %lt3A_148 : i32
        %convert_element_type3A_150 = arith.extui %lt3A_149 : i1 to i32
        %cond3A_151 = arith.constant 0 : i32
        %cond3A_152 = arith.cmpi ne, %convert_element_type3A_150, %cond3A_151 : i32
        scf.if %cond3A_152 {
          %add3A_153 = arith.constant 2 : i32
          %add3A_154 = arith.addi %add3A_116, %add3A_153 : i32
          %dma_start3A_155 = arith.constant 1 : i32
          %dma_start3A_156 = arith.constant 0 : i32
          %dma_start3A_157 = tpu.memref_slice %arg6[%add3A_154, %dma_start3A_156] : memref<40x128xi32, #tpu.memory_space<vmem>> -> memref<1x128xi32, #tpu.memory_space<vmem>>
          %dma_start3A_158 = tpu.memref_squeeze %dma_start3A_157 : memref<1x128xi32, #tpu.memory_space<vmem>> -> memref<128xi32, #tpu.memory_space<vmem>>
          %dma_start3A_159 = arith.constant 0 : i32
          %dma_start3A_160 = arith.constant 0 : i32
          %dma_start3A_161 = tpu.memref_slice %arg2[%dma_start3A_159, %dma_start3A_160] : memref<10240x128xf32, #tpu.memory_space<hbm>> -> memref<10240x128xf32, #tpu.memory_space<hbm>>
          %dma_start3A_162 = tpu.memref_slice %arg11[%dma_start3A_155] : memref<2x!tpu.dma_semaphore, #tpu.memory_space<semaphore_mem>> -> memref<1x!tpu.dma_semaphore, #tpu.memory_space<semaphore_mem>>
          %dma_start3A_163 = tpu.memref_squeeze %dma_start3A_162 : memref<1x!tpu.dma_semaphore, #tpu.memory_space<semaphore_mem>> -> memref<!tpu.dma_semaphore, #tpu.memory_space<semaphore_mem>>
          tpu.enqueue_indirect_dma source(%dma_start3A_161 : memref<10240x128xf32, #tpu.memory_space<hbm>>) target(%arg9 : memref<128x128xf32, #tpu.memory_space<vmem>>) offsets(%dma_start3A_158 : memref<128xi32, #tpu.memory_space<vmem>>) semaphore(%dma_start3A_163 : memref<!tpu.dma_semaphore, #tpu.memory_space<semaphore_mem>>)
        } else {
        }
      }
      %scan3A_75 = arith.constant 20 : i32
    }
    %while3A_45 = arith.constant 1 : i32
    scf.for %while3A_47 = %while3A_43 to %while3A_39 step %while3A_45  : i32 {
      %mul3A_48 = arith.constant 40 : i32
      %mul3A_49 = arith.muli %while3A_47, %mul3A_48 : i32
      %add3A_50 = arith.addi %select_n3A, %mul3A_49 : i32
      %multiple_of3A = tpu.assume_multiple %add3A_50, 40 : i32
      "tpu.region"() ({
        %run_scoped3A = tpu.sem_alloc : memref<!tpu.dma_semaphore, #tpu.memory_space<semaphore_mem>>
        %dma_start3A_76 = arith.constant 0 : i32
        %dma_start3A_77 = tpu.memref_slice %arg3[%multiple_of3A, %dma_start3A_76] : memref<2560x128xi32, #tpu.memory_space<hbm>> -> memref<40x128xi32, #tpu.memory_space<hbm>>
        %dma_start3A_78 = arith.constant 0 : i32
        %dma_start3A_79 = tpu.memref_slice %arg3[%multiple_of3A, %dma_start3A_78] : memref<2560x128xi32, #tpu.memory_space<hbm>> -> memref<40x128xi32, #tpu.memory_space<hbm>>
        tpu.enqueue_dma source(%dma_start3A_79 : memref<40x128xi32, #tpu.memory_space<hbm>>) target(%arg6 : memref<40x128xi32, #tpu.memory_space<vmem>>) target_semaphore(%run_scoped3A : memref<!tpu.dma_semaphore, #tpu.memory_space<semaphore_mem>>)
        %dma_wait3A = arith.constant 0 : i32
        %dma_wait3A_80 = tpu.memref_slice %arg3[%multiple_of3A, %dma_wait3A] : memref<2560x128xi32, #tpu.memory_space<hbm>> -> memref<40x128xi32, #tpu.memory_space<hbm>>
        %dma_wait3A_81 = arith.constant 0 : i32
        %dma_wait3A_82 = tpu.memref_slice %arg3[%multiple_of3A, %dma_wait3A_81] : memref<2560x128xi32, #tpu.memory_space<hbm>> -> memref<40x128xi32, #tpu.memory_space<hbm>>
        tpu.wait_dma2 semaphore(%run_scoped3A : memref<!tpu.dma_semaphore, #tpu.memory_space<semaphore_mem>>) src(%dma_wait3A_82 : memref<40x128xi32, #tpu.memory_space<hbm>>) dst(%arg6 : memref<40x128xi32, #tpu.memory_space<vmem>>)
        tpu.yield
      }) : () -> ()
      "tpu.region"() ({
        %run_scoped3A = tpu.sem_alloc : memref<!tpu.dma_semaphore, #tpu.memory_space<semaphore_mem>>
        %dma_start3A_76 = arith.constant 0 : i32
        %dma_start3A_77 = arith.constant 0 : i32
        %dma_start3A_78 = tpu.memref_slice %arg4[%multiple_of3A, %dma_start3A_76, %dma_start3A_77] : memref<2560x1x128xi32, #tpu.memory_space<hbm>> -> memref<40x1x128xi32, #tpu.memory_space<hbm>>
        %dma_start3A_79 = arith.constant 0 : i32
        %dma_start3A_80 = arith.constant 0 : i32
        %dma_start3A_81 = tpu.memref_slice %arg4[%multiple_of3A, %dma_start3A_79, %dma_start3A_80] : memref<2560x1x128xi32, #tpu.memory_space<hbm>> -> memref<40x1x128xi32, #tpu.memory_space<hbm>>
        tpu.enqueue_dma source(%dma_start3A_81 : memref<40x1x128xi32, #tpu.memory_space<hbm>>) target(%arg7 : memref<40x1x128xi32, #tpu.memory_space<vmem>>) target_semaphore(%run_scoped3A : memref<!tpu.dma_semaphore, #tpu.memory_space<semaphore_mem>>)
        %dma_wait3A = arith.constant 0 : i32
        %dma_wait3A_82 = arith.constant 0 : i32
        %dma_wait3A_83 = tpu.memref_slice %arg4[%multiple_of3A, %dma_wait3A, %dma_wait3A_82] : memref<2560x1x128xi32, #tpu.memory_space<hbm>> -> memref<40x1x128xi32, #tpu.memory_space<hbm>>
        %dma_wait3A_84 = arith.constant 0 : i32
        %dma_wait3A_85 = arith.constant 0 : i32
        %dma_wait3A_86 = tpu.memref_slice %arg4[%multiple_of3A, %dma_wait3A_84, %dma_wait3A_85] : memref<2560x1x128xi32, #tpu.memory_space<hbm>> -> memref<40x1x128xi32, #tpu.memory_space<hbm>>
        tpu.wait_dma2 semaphore(%run_scoped3A : memref<!tpu.dma_semaphore, #tpu.memory_space<semaphore_mem>>) src(%dma_wait3A_86 : memref<40x1x128xi32, #tpu.memory_space<hbm>>) dst(%arg7 : memref<40x1x128xi32, #tpu.memory_space<vmem>>)
        tpu.yield
      }) : () -> ()
      %dma_start3A = arith.constant 0 : i32
      %dma_start3A_51 = arith.constant 0 : i32
      %dma_start3A_52 = arith.constant 0 : i32
      %dma_start3A_53 = tpu.memref_slice %arg6[%dma_start3A, %dma_start3A_52] : memref<40x128xi32, #tpu.memory_space<vmem>> -> memref<1x128xi32, #tpu.memory_space<vmem>>
      %dma_start3A_54 = tpu.memref_squeeze %dma_start3A_53 : memref<1x128xi32, #tpu.memory_space<vmem>> -> memref<128xi32, #tpu.memory_space<vmem>>
      %dma_start3A_55 = arith.constant 0 : i32
      %dma_start3A_56 = arith.constant 0 : i32
      %dma_start3A_57 = tpu.memref_slice %arg2[%dma_start3A_55, %dma_start3A_56] : memref<10240x128xf32, #tpu.memory_space<hbm>> -> memref<10240x128xf32, #tpu.memory_space<hbm>>
      %dma_start3A_58 = tpu.memref_slice %arg11[%dma_start3A_51] : memref<2x!tpu.dma_semaphore, #tpu.memory_space<semaphore_mem>> -> memref<1x!tpu.dma_semaphore, #tpu.memory_space<semaphore_mem>>
      %dma_start3A_59 = tpu.memref_squeeze %dma_start3A_58 : memref<1x!tpu.dma_semaphore, #tpu.memory_space<semaphore_mem>> -> memref<!tpu.dma_semaphore, #tpu.memory_space<semaphore_mem>>
      tpu.enqueue_indirect_dma source(%dma_start3A_57 : memref<10240x128xf32, #tpu.memory_space<hbm>>) target(%arg8 : memref<128x128xf32, #tpu.memory_space<vmem>>) offsets(%dma_start3A_54 : memref<128xi32, #tpu.memory_space<vmem>>) semaphore(%dma_start3A_59 : memref<!tpu.dma_semaphore, #tpu.memory_space<semaphore_mem>>)
      %dma_start3A_60 = arith.constant 1 : i32
      %dma_start3A_61 = arith.constant 1 : i32
      %dma_start3A_62 = arith.constant 0 : i32
      %dma_start3A_63 = tpu.memref_slice %arg6[%dma_start3A_60, %dma_start3A_62] : memref<40x128xi32, #tpu.memory_space<vmem>> -> memref<1x128xi32, #tpu.memory_space<vmem>>
      %dma_start3A_64 = tpu.memref_squeeze %dma_start3A_63 : memref<1x128xi32, #tpu.memory_space<vmem>> -> memref<128xi32, #tpu.memory_space<vmem>>
      %dma_start3A_65 = arith.constant 0 : i32
      %dma_start3A_66 = arith.constant 0 : i32
      %dma_start3A_67 = tpu.memref_slice %arg2[%dma_start3A_65, %dma_start3A_66] : memref<10240x128xf32, #tpu.memory_space<hbm>> -> memref<10240x128xf32, #tpu.memory_space<hbm>>
      %dma_start3A_68 = tpu.memref_slice %arg11[%dma_start3A_61] : memref<2x!tpu.dma_semaphore, #tpu.memory_space<semaphore_mem>> -> memref<1x!tpu.dma_semaphore, #tpu.memory_space<semaphore_mem>>
      %dma_start3A_69 = tpu.memref_squeeze %dma_start3A_68 : memref<1x!tpu.dma_semaphore, #tpu.memory_space<semaphore_mem>> -> memref<!tpu.dma_semaphore, #tpu.memory_space<semaphore_mem>>
      tpu.enqueue_indirect_dma source(%dma_start3A_67 : memref<10240x128xf32, #tpu.memory_space<hbm>>) target(%arg9 : memref<128x128xf32, #tpu.memory_space<vmem>>) offsets(%dma_start3A_64 : memref<128xi32, #tpu.memory_space<vmem>>) semaphore(%dma_start3A_69 : memref<!tpu.dma_semaphore, #tpu.memory_space<semaphore_mem>>)
      %scan3A_70 = arith.constant 0 : i32
      %scan3A_71 = arith.constant 0 : i32
      %scan3A_72 = arith.constant 20 : i32
      %scan3A_73 = arith.addi %scan3A_71, %scan3A_72 : i32
      %scan3A_74 = arith.constant 1 : i32
      scf.for %scan3A_76 = %scan3A_71 to %scan3A_73 step %scan3A_74  : i32 {
        %mul3A_77 = arith.constant 2 : i32
        %mul3A_78 = arith.muli %scan3A_76, %mul3A_77 : i32
        %add3A_79 = arith.constant 0 : i32
        %add3A_80 = arith.addi %mul3A_78, %add3A_79 : i32
        %dma_wait3A = arith.constant 0 : i32
        %dma_wait3A_81 = arith.constant 0 : i32
        %dma_wait3A_82 = tpu.memref_slice %arg6[%add3A_80, %dma_wait3A_81] : memref<40x128xi32, #tpu.memory_space<vmem>> -> memref<1x128xi32, #tpu.memory_space<vmem>>
        %dma_wait3A_83 = tpu.memref_squeeze %dma_wait3A_82 : memref<1x128xi32, #tpu.memory_space<vmem>> -> memref<128xi32, #tpu.memory_space<vmem>>
        %dma_wait3A_84 = arith.constant 0 : i32
        %dma_wait3A_85 = arith.constant 0 : i32
        %dma_wait3A_86 = tpu.memref_slice %arg2[%dma_wait3A_84, %dma_wait3A_85] : memref<10240x128xf32, #tpu.memory_space<hbm>> -> memref<10240x128xf32, #tpu.memory_space<hbm>>
        %dma_wait3A_87 = tpu.memref_slice %arg11[%dma_wait3A] : memref<2x!tpu.dma_semaphore, #tpu.memory_space<semaphore_mem>> -> memref<1x!tpu.dma_semaphore, #tpu.memory_space<semaphore_mem>>
        %dma_wait3A_88 = tpu.memref_squeeze %dma_wait3A_87 : memref<1x!tpu.dma_semaphore, #tpu.memory_space<semaphore_mem>> -> memref<!tpu.dma_semaphore, #tpu.memory_space<semaphore_mem>>
        tpu.wait_indirect_dma semaphore(%dma_wait3A_88 : memref<!tpu.dma_semaphore, #tpu.memory_space<semaphore_mem>>) src(%dma_wait3A_86 : memref<10240x128xf32, #tpu.memory_space<hbm>>) dst(%arg8 : memref<128x128xf32, #tpu.memory_space<vmem>>)
        %dma_start3A_89 = arith.constant 0 : i32
        %dma_start3A_90 = arith.constant 0 : i32
        %dma_start3A_91 = arith.constant 0 : i32
        %dma_start3A_92 = tpu.memref_slice %arg7[%add3A_80, %dma_start3A_89, %dma_start3A_91] : memref<40x1x128xi32, #tpu.memory_space<vmem>> -> memref<1x1x128xi32, #tpu.memory_space<vmem>>
        %dma_start3A_93 = tpu.memref_squeeze %dma_start3A_92 : memref<1x1x128xi32, #tpu.memory_space<vmem>> -> memref<128xi32, #tpu.memory_space<vmem>>
        %dma_start3A_94 = arith.constant 0 : i32
        %dma_start3A_95 = arith.constant 0 : i32
        %dma_start3A_96 = tpu.memref_slice %arg10[%dma_start3A_94, %dma_start3A_95] : memref<10240x128xf32, #tpu.memory_space<vmem_shared>> -> memref<10240x128xf32, #tpu.memory_space<vmem_shared>>
        %dma_start3A_97 = tpu.memref_slice %arg12[%dma_start3A_90] : memref<2x!tpu.dma_semaphore, #tpu.memory_space<semaphore_mem>> -> memref<1x!tpu.dma_semaphore, #tpu.memory_space<semaphore_mem>>
        %dma_start3A_98 = tpu.memref_squeeze %dma_start3A_97 : memref<1x!tpu.dma_semaphore, #tpu.memory_space<semaphore_mem>> -> memref<!tpu.dma_semaphore, #tpu.memory_space<semaphore_mem>>
        tpu.enqueue_indirect_dma source(%arg8 : memref<128x128xf32, #tpu.memory_space<vmem>>) target(%dma_start3A_96 : memref<10240x128xf32, #tpu.memory_space<vmem_shared>>) offsets(%dma_start3A_93 : memref<128xi32, #tpu.memory_space<vmem>>) semaphore(%dma_start3A_98 : memref<!tpu.dma_semaphore, #tpu.memory_space<semaphore_mem>>) {add = true}
        %dma_wait3A_99 = arith.constant 0 : i32
        %dma_wait3A_100 = arith.constant 0 : i32
        %dma_wait3A_101 = arith.constant 0 : i32
        %dma_wait3A_102 = tpu.memref_slice %arg7[%add3A_80, %dma_wait3A_99, %dma_wait3A_101] : memref<40x1x128xi32, #tpu.memory_space<vmem>> -> memref<1x1x128xi32, #tpu.memory_space<vmem>>
        %dma_wait3A_103 = tpu.memref_squeeze %dma_wait3A_102 : memref<1x1x128xi32, #tpu.memory_space<vmem>> -> memref<128xi32, #tpu.memory_space<vmem>>
        %dma_wait3A_104 = arith.constant 0 : i32
        %dma_wait3A_105 = arith.constant 0 : i32
        %dma_wait3A_106 = tpu.memref_slice %arg10[%dma_wait3A_104, %dma_wait3A_105] : memref<10240x128xf32, #tpu.memory_space<vmem_shared>> -> memref<10240x128xf32, #tpu.memory_space<vmem_shared>>
        %dma_wait3A_107 = tpu.memref_slice %arg12[%dma_wait3A_100] : memref<2x!tpu.dma_semaphore, #tpu.memory_space<semaphore_mem>> -> memref<1x!tpu.dma_semaphore, #tpu.memory_space<semaphore_mem>>
        %dma_wait3A_108 = tpu.memref_squeeze %dma_wait3A_107 : memref<1x!tpu.dma_semaphore, #tpu.memory_space<semaphore_mem>> -> memref<!tpu.dma_semaphore, #tpu.memory_space<semaphore_mem>>
        tpu.wait_indirect_dma semaphore(%dma_wait3A_108 : memref<!tpu.dma_semaphore, #tpu.memory_space<semaphore_mem>>) src(%arg8 : memref<128x128xf32, #tpu.memory_space<vmem>>) dst(%dma_wait3A_106 : memref<10240x128xf32, #tpu.memory_space<vmem_shared>>)
        %add3A_109 = arith.constant 2 : i32
        %add3A_110 = arith.addi %add3A_80, %add3A_109 : i32
        %lt3A = arith.constant 40 : i32
        %lt3A_111 = arith.cmpi slt, %add3A_110, %lt3A : i32
        %convert_element_type3A = arith.extui %lt3A_111 : i1 to i32
        %cond3A = arith.constant 0 : i32
        %cond3A_112 = arith.cmpi ne, %convert_element_type3A, %cond3A : i32
        scf.if %cond3A_112 {
          %add3A_153 = arith.constant 2 : i32
          %add3A_154 = arith.addi %add3A_80, %add3A_153 : i32
          %dma_start3A_155 = arith.constant 0 : i32
          %dma_start3A_156 = arith.constant 0 : i32
          %dma_start3A_157 = tpu.memref_slice %arg6[%add3A_154, %dma_start3A_156] : memref<40x128xi32, #tpu.memory_space<vmem>> -> memref<1x128xi32, #tpu.memory_space<vmem>>
          %dma_start3A_158 = tpu.memref_squeeze %dma_start3A_157 : memref<1x128xi32, #tpu.memory_space<vmem>> -> memref<128xi32, #tpu.memory_space<vmem>>
          %dma_start3A_159 = arith.constant 0 : i32
          %dma_start3A_160 = arith.constant 0 : i32
          %dma_start3A_161 = tpu.memref_slice %arg2[%dma_start3A_159, %dma_start3A_160] : memref<10240x128xf32, #tpu.memory_space<hbm>> -> memref<10240x128xf32, #tpu.memory_space<hbm>>
          %dma_start3A_162 = tpu.memref_slice %arg11[%dma_start3A_155] : memref<2x!tpu.dma_semaphore, #tpu.memory_space<semaphore_mem>> -> memref<1x!tpu.dma_semaphore, #tpu.memory_space<semaphore_mem>>
          %dma_start3A_163 = tpu.memref_squeeze %dma_start3A_162 : memref<1x!tpu.dma_semaphore, #tpu.memory_space<semaphore_mem>> -> memref<!tpu.dma_semaphore, #tpu.memory_space<semaphore_mem>>
          tpu.enqueue_indirect_dma source(%dma_start3A_161 : memref<10240x128xf32, #tpu.memory_space<hbm>>) target(%arg8 : memref<128x128xf32, #tpu.memory_space<vmem>>) offsets(%dma_start3A_158 : memref<128xi32, #tpu.memory_space<vmem>>) semaphore(%dma_start3A_163 : memref<!tpu.dma_semaphore, #tpu.memory_space<semaphore_mem>>)
        } else {
        }
        %mul3A_113 = arith.constant 2 : i32
        %mul3A_114 = arith.muli %scan3A_76, %mul3A_113 : i32
        %add3A_115 = arith.constant 1 : i32
        %add3A_116 = arith.addi %mul3A_114, %add3A_115 : i32
        %dma_wait3A_117 = arith.constant 1 : i32
        %dma_wait3A_118 = arith.constant 0 : i32
        %dma_wait3A_119 = tpu.memref_slice %arg6[%add3A_116, %dma_wait3A_118] : memref<40x128xi32, #tpu.memory_space<vmem>> -> memref<1x128xi32, #tpu.memory_space<vmem>>
        %dma_wait3A_120 = tpu.memref_squeeze %dma_wait3A_119 : memref<1x128xi32, #tpu.memory_space<vmem>> -> memref<128xi32, #tpu.memory_space<vmem>>
        %dma_wait3A_121 = arith.constant 0 : i32
        %dma_wait3A_122 = arith.constant 0 : i32
        %dma_wait3A_123 = tpu.memref_slice %arg2[%dma_wait3A_121, %dma_wait3A_122] : memref<10240x128xf32, #tpu.memory_space<hbm>> -> memref<10240x128xf32, #tpu.memory_space<hbm>>
        %dma_wait3A_124 = tpu.memref_slice %arg11[%dma_wait3A_117] : memref<2x!tpu.dma_semaphore, #tpu.memory_space<semaphore_mem>> -> memref<1x!tpu.dma_semaphore, #tpu.memory_space<semaphore_mem>>
        %dma_wait3A_125 = tpu.memref_squeeze %dma_wait3A_124 : memref<1x!tpu.dma_semaphore, #tpu.memory_space<semaphore_mem>> -> memref<!tpu.dma_semaphore, #tpu.memory_space<semaphore_mem>>
        tpu.wait_indirect_dma semaphore(%dma_wait3A_125 : memref<!tpu.dma_semaphore, #tpu.memory_space<semaphore_mem>>) src(%dma_wait3A_123 : memref<10240x128xf32, #tpu.memory_space<hbm>>) dst(%arg9 : memref<128x128xf32, #tpu.memory_space<vmem>>)
        %dma_start3A_126 = arith.constant 0 : i32
        %dma_start3A_127 = arith.constant 1 : i32
        %dma_start3A_128 = arith.constant 0 : i32
        %dma_start3A_129 = tpu.memref_slice %arg7[%add3A_116, %dma_start3A_126, %dma_start3A_128] : memref<40x1x128xi32, #tpu.memory_space<vmem>> -> memref<1x1x128xi32, #tpu.memory_space<vmem>>
        %dma_start3A_130 = tpu.memref_squeeze %dma_start3A_129 : memref<1x1x128xi32, #tpu.memory_space<vmem>> -> memref<128xi32, #tpu.memory_space<vmem>>
        %dma_start3A_131 = arith.constant 0 : i32
        %dma_start3A_132 = arith.constant 0 : i32
        %dma_start3A_133 = tpu.memref_slice %arg10[%dma_start3A_131, %dma_start3A_132] : memref<10240x128xf32, #tpu.memory_space<vmem_shared>> -> memref<10240x128xf32, #tpu.memory_space<vmem_shared>>
        %dma_start3A_134 = tpu.memref_slice %arg12[%dma_start3A_127] : memref<2x!tpu.dma_semaphore, #tpu.memory_space<semaphore_mem>> -> memref<1x!tpu.dma_semaphore, #tpu.memory_space<semaphore_mem>>
        %dma_start3A_135 = tpu.memref_squeeze %dma_start3A_134 : memref<1x!tpu.dma_semaphore, #tpu.memory_space<semaphore_mem>> -> memref<!tpu.dma_semaphore, #tpu.memory_space<semaphore_mem>>
        tpu.enqueue_indirect_dma source(%arg9 : memref<128x128xf32, #tpu.memory_space<vmem>>) target(%dma_start3A_133 : memref<10240x128xf32, #tpu.memory_space<vmem_shared>>) offsets(%dma_start3A_130 : memref<128xi32, #tpu.memory_space<vmem>>) semaphore(%dma_start3A_135 : memref<!tpu.dma_semaphore, #tpu.memory_space<semaphore_mem>>) {add = true}
        %dma_wait3A_136 = arith.constant 0 : i32
        %dma_wait3A_137 = arith.constant 1 : i32
        %dma_wait3A_138 = arith.constant 0 : i32
        %dma_wait3A_139 = tpu.memref_slice %arg7[%add3A_116, %dma_wait3A_136, %dma_wait3A_138] : memref<40x1x128xi32, #tpu.memory_space<vmem>> -> memref<1x1x128xi32, #tpu.memory_space<vmem>>
        %dma_wait3A_140 = tpu.memref_squeeze %dma_wait3A_139 : memref<1x1x128xi32, #tpu.memory_space<vmem>> -> memref<128xi32, #tpu.memory_space<vmem>>
        %dma_wait3A_141 = arith.constant 0 : i32
        %dma_wait3A_142 = arith.constant 0 : i32
        %dma_wait3A_143 = tpu.memref_slice %arg10[%dma_wait3A_141, %dma_wait3A_142] : memref<10240x128xf32, #tpu.memory_space<vmem_shared>> -> memref<10240x128xf32, #tpu.memory_space<vmem_shared>>
        %dma_wait3A_144 = tpu.memref_slice %arg12[%dma_wait3A_137] : memref<2x!tpu.dma_semaphore, #tpu.memory_space<semaphore_mem>> -> memref<1x!tpu.dma_semaphore, #tpu.memory_space<semaphore_mem>>
        %dma_wait3A_145 = tpu.memref_squeeze %dma_wait3A_144 : memref<1x!tpu.dma_semaphore, #tpu.memory_space<semaphore_mem>> -> memref<!tpu.dma_semaphore, #tpu.memory_space<semaphore_mem>>
        tpu.wait_indirect_dma semaphore(%dma_wait3A_145 : memref<!tpu.dma_semaphore, #tpu.memory_space<semaphore_mem>>) src(%arg9 : memref<128x128xf32, #tpu.memory_space<vmem>>) dst(%dma_wait3A_143 : memref<10240x128xf32, #tpu.memory_space<vmem_shared>>)
        %add3A_146 = arith.constant 2 : i32
        %add3A_147 = arith.addi %add3A_116, %add3A_146 : i32
        %lt3A_148 = arith.constant 40 : i32
        %lt3A_149 = arith.cmpi slt, %add3A_147, %lt3A_148 : i32
        %convert_element_type3A_150 = arith.extui %lt3A_149 : i1 to i32
        %cond3A_151 = arith.constant 0 : i32
        %cond3A_152 = arith.cmpi ne, %convert_element_type3A_150, %cond3A_151 : i32
        scf.if %cond3A_152 {
          %add3A_153 = arith.constant 2 : i32
          %add3A_154 = arith.addi %add3A_116, %add3A_153 : i32
          %dma_start3A_155 = arith.constant 1 : i32
          %dma_start3A_156 = arith.constant 0 : i32
          %dma_start3A_157 = tpu.memref_slice %arg6[%add3A_154, %dma_start3A_156] : memref<40x128xi32, #tpu.memory_space<vmem>> -> memref<1x128xi32, #tpu.memory_space<vmem>>
          %dma_start3A_158 = tpu.memref_squeeze %dma_start3A_157 : memref<1x128xi32, #tpu.memory_space<vmem>> -> memref<128xi32, #tpu.memory_space<vmem>>
          %dma_start3A_159 = arith.constant 0 : i32
          %dma_start3A_160 = arith.constant 0 : i32
          %dma_start3A_161 = tpu.memref_slice %arg2[%dma_start3A_159, %dma_start3A_160] : memref<10240x128xf32, #tpu.memory_space<hbm>> -> memref<10240x128xf32, #tpu.memory_space<hbm>>
          %dma_start3A_162 = tpu.memref_slice %arg11[%dma_start3A_155] : memref<2x!tpu.dma_semaphore, #tpu.memory_space<semaphore_mem>> -> memref<1x!tpu.dma_semaphore, #tpu.memory_space<semaphore_mem>>
          %dma_start3A_163 = tpu.memref_squeeze %dma_start3A_162 : memref<1x!tpu.dma_semaphore, #tpu.memory_space<semaphore_mem>> -> memref<!tpu.dma_semaphore, #tpu.memory_space<semaphore_mem>>
          tpu.enqueue_indirect_dma source(%dma_start3A_161 : memref<10240x128xf32, #tpu.memory_space<hbm>>) target(%arg9 : memref<128x128xf32, #tpu.memory_space<vmem>>) offsets(%dma_start3A_158 : memref<128xi32, #tpu.memory_space<vmem>>) semaphore(%dma_start3A_163 : memref<!tpu.dma_semaphore, #tpu.memory_space<semaphore_mem>>)
        } else {
        }
      }
      %scan3A_75 = arith.constant 20 : i32
    }
    %barrier3A_46 = arith.constant 0 : index
    tpu.barrier barrier_id(%barrier3A_46)
    "tpu.region"() ({
      %run_scoped3A = tpu.sem_alloc : memref<!tpu.dma_semaphore, #tpu.memory_space<semaphore_mem>>
      %dma_start3A = arith.constant 0 : i32
      %dma_start3A_47 = arith.constant 0 : i32
      %dma_start3A_48 = tpu.memref_slice %arg5[%arg0, %dma_start3A, %dma_start3A_47] : memref<2x10240x128xf32, #tpu.memory_space<hbm>> -> memref<1x10240x128xf32, #tpu.memory_space<hbm>>
      %dma_start3A_49 = tpu.memref_squeeze %dma_start3A_48 : memref<1x10240x128xf32, #tpu.memory_space<hbm>> -> memref<10240x128xf32, #tpu.memory_space<hbm>>
      %dma_start3A_50 = arith.constant 0 : i32
      %dma_start3A_51 = tpu.memref_slice %dma_start3A_49[%mul3A_0, %dma_start3A_50] : memref<10240x128xf32, #tpu.memory_space<hbm>> -> memref<640x128xf32, #tpu.memory_space<hbm>>
      %dma_start3A_52 = arith.constant 0 : i32
      %dma_start3A_53 = tpu.memref_slice %arg10[%mul3A_0, %dma_start3A_52] : memref<10240x128xf32, #tpu.memory_space<vmem_shared>> -> memref<640x128xf32, #tpu.memory_space<vmem_shared>>
      tpu.enqueue_dma source(%dma_start3A_53 : memref<640x128xf32, #tpu.memory_space<vmem_shared>>) target(%dma_start3A_51 : memref<640x128xf32, #tpu.memory_space<hbm>>) target_semaphore(%run_scoped3A : memref<!tpu.dma_semaphore, #tpu.memory_space<semaphore_mem>>)
      %dma_wait3A = arith.constant 0 : i32
      %dma_wait3A_54 = arith.constant 0 : i32
      %dma_wait3A_55 = tpu.memref_slice %arg5[%arg0, %dma_wait3A, %dma_wait3A_54] : memref<2x10240x128xf32, #tpu.memory_space<hbm>> -> memref<1x10240x128xf32, #tpu.memory_space<hbm>>
      %dma_wait3A_56 = tpu.memref_squeeze %dma_wait3A_55 : memref<1x10240x128xf32, #tpu.memory_space<hbm>> -> memref<10240x128xf32, #tpu.memory_space<hbm>>
      %dma_wait3A_57 = arith.constant 0 : i32
      %dma_wait3A_58 = tpu.memref_slice %dma_wait3A_56[%mul3A_0, %dma_wait3A_57] : memref<10240x128xf32, #tpu.memory_space<hbm>> -> memref<640x128xf32, #tpu.memory_space<hbm>>
      %dma_wait3A_59 = arith.constant 0 : i32
      %dma_wait3A_60 = tpu.memref_slice %arg10[%mul3A_0, %dma_wait3A_59] : memref<10240x128xf32, #tpu.memory_space<vmem_shared>> -> memref<640x128xf32, #tpu.memory_space<vmem_shared>>
      tpu.wait_dma2 semaphore(%run_scoped3A : memref<!tpu.dma_semaphore, #tpu.memory_space<semaphore_mem>>) src(%dma_wait3A_60 : memref<640x128xf32, #tpu.memory_space<vmem_shared>>) dst(%dma_wait3A_58 : memref<640x128xf32, #tpu.memory_space<hbm>>)
      tpu.yield
    }) : () -> ()
    return
  }
}

#map = affine_map<(d0, d1) -> (0, 0, 0)>
#map1 = affine_map<(d0, d1) -> (0)>
#map2 = affine_map<(d0, d1) -> (0, 0)>
module attributes {stable_mosaic.version = 14 : i64} {
  func.func @_sc_degree(%arg0: i32, %arg1: i32, %arg2: memref<2560x1x128xi32, #tpu.memory_space<hbm>>, %arg3: memref<128xf32, #tpu.memory_space<hbm>>, %arg4: memref<640xf32, #tpu.memory_space<hbm>>, %arg5: memref<2x10240xf32, #tpu.memory_space<hbm>>, %arg6: memref<80x1x128xi32, #tpu.memory_space<vmem>>, %arg7: memref<128xf32, #tpu.memory_space<vmem>>, %arg8: memref<10240xf32, #tpu.memory_space<vmem_shared>>) attributes {dimension_semantics = [#tpu.dimension_semantics<core_parallel>, #tpu.dimension_semantics<subcore_parallel>], iteration_bounds = array<i64: 2, 16>, scalar_prefetch = 0 : i64, scratch_operands = 3 : i64, tpu.core_type = #tpu.core_type<sc_vector_subcore>, window_params = [{transform_indices = #map}, {transform_indices = #map1}, {transform_indices = #map1}, {transform_indices = #map2}]} {
    %mul3A = arith.constant 640 : i32
    %mul3A_0 = arith.muli %arg1, %mul3A : i32
    "tpu.region"() ({
      %run_scoped3A = tpu.sem_alloc : memref<!tpu.dma_semaphore, #tpu.memory_space<semaphore_mem>>
      %dma_start3A = tpu.memref_slice %arg8[%mul3A_0] : memref<10240xf32, #tpu.memory_space<vmem_shared>> -> memref<640xf32, #tpu.memory_space<vmem_shared>>
      tpu.enqueue_dma source(%arg4 : memref<640xf32, #tpu.memory_space<hbm>>) target(%dma_start3A : memref<640xf32, #tpu.memory_space<vmem_shared>>) target_semaphore(%run_scoped3A : memref<!tpu.dma_semaphore, #tpu.memory_space<semaphore_mem>>)
      %dma_wait3A = tpu.memref_slice %arg8[%mul3A_0] : memref<10240xf32, #tpu.memory_space<vmem_shared>> -> memref<640xf32, #tpu.memory_space<vmem_shared>>
      tpu.wait_dma2 semaphore(%run_scoped3A : memref<!tpu.dma_semaphore, #tpu.memory_space<semaphore_mem>>) src(%arg4 : memref<640xf32, #tpu.memory_space<hbm>>) dst(%dma_wait3A : memref<640xf32, #tpu.memory_space<vmem_shared>>)
      tpu.yield
    }) : () -> ()
    "tpu.region"() ({
      %run_scoped3A = tpu.sem_alloc : memref<!tpu.dma_semaphore, #tpu.memory_space<semaphore_mem>>
      tpu.enqueue_dma source(%arg3 : memref<128xf32, #tpu.memory_space<hbm>>) target(%arg7 : memref<128xf32, #tpu.memory_space<vmem>>) target_semaphore(%run_scoped3A : memref<!tpu.dma_semaphore, #tpu.memory_space<semaphore_mem>>)
      tpu.wait_dma2 semaphore(%run_scoped3A : memref<!tpu.dma_semaphore, #tpu.memory_space<semaphore_mem>>) src(%arg3 : memref<128xf32, #tpu.memory_space<hbm>>) dst(%arg7 : memref<128xf32, #tpu.memory_space<vmem>>)
      tpu.yield
    }) : () -> ()
    %mul3A_1 = arith.constant 16 : i32
    %mul3A_2 = arith.muli %arg0, %mul3A_1 : i32
    %add3A = arith.addi %mul3A_2, %arg1 : i32
    %mul3A_3 = arith.constant 80 : i32
    %mul3A_4 = arith.muli %add3A, %mul3A_3 : i32
    "tpu.region"() ({
      %run_scoped3A = tpu.sem_alloc : memref<!tpu.dma_semaphore, #tpu.memory_space<semaphore_mem>>
      %dma_start3A = arith.constant 0 : i32
      %dma_start3A_13 = arith.constant 0 : i32
      %dma_start3A_14 = tpu.memref_slice %arg2[%mul3A_4, %dma_start3A, %dma_start3A_13] : memref<2560x1x128xi32, #tpu.memory_space<hbm>> -> memref<80x1x128xi32, #tpu.memory_space<hbm>>
      %dma_start3A_15 = arith.constant 0 : i32
      %dma_start3A_16 = arith.constant 0 : i32
      %dma_start3A_17 = tpu.memref_slice %arg2[%mul3A_4, %dma_start3A_15, %dma_start3A_16] : memref<2560x1x128xi32, #tpu.memory_space<hbm>> -> memref<80x1x128xi32, #tpu.memory_space<hbm>>
      tpu.enqueue_dma source(%dma_start3A_17 : memref<80x1x128xi32, #tpu.memory_space<hbm>>) target(%arg6 : memref<80x1x128xi32, #tpu.memory_space<vmem>>) target_semaphore(%run_scoped3A : memref<!tpu.dma_semaphore, #tpu.memory_space<semaphore_mem>>)
      %dma_wait3A = arith.constant 0 : i32
      %dma_wait3A_18 = arith.constant 0 : i32
      %dma_wait3A_19 = tpu.memref_slice %arg2[%mul3A_4, %dma_wait3A, %dma_wait3A_18] : memref<2560x1x128xi32, #tpu.memory_space<hbm>> -> memref<80x1x128xi32, #tpu.memory_space<hbm>>
      %dma_wait3A_20 = arith.constant 0 : i32
      %dma_wait3A_21 = arith.constant 0 : i32
      %dma_wait3A_22 = tpu.memref_slice %arg2[%mul3A_4, %dma_wait3A_20, %dma_wait3A_21] : memref<2560x1x128xi32, #tpu.memory_space<hbm>> -> memref<80x1x128xi32, #tpu.memory_space<hbm>>
      tpu.wait_dma2 semaphore(%run_scoped3A : memref<!tpu.dma_semaphore, #tpu.memory_space<semaphore_mem>>) src(%dma_wait3A_22 : memref<80x1x128xi32, #tpu.memory_space<hbm>>) dst(%arg6 : memref<80x1x128xi32, #tpu.memory_space<vmem>>)
      tpu.yield
    }) : () -> ()
    %barrier3A = arith.constant 0 : index
    tpu.barrier barrier_id(%barrier3A)
    %scan3A = arith.constant 0 : i32
    %scan3A_5 = arith.constant 0 : i32
    %scan3A_6 = arith.constant 80 : i32
    %scan3A_7 = arith.addi %scan3A_5, %scan3A_6 : i32
    %scan3A_8 = arith.constant 1 : i32
    scf.for %scan3A_13 = %scan3A_5 to %scan3A_7 step %scan3A_8  : i32 {
      %run_scoped3A = arith.constant 0 : i32
      "tpu.region"() ({
        %run_scoped3A_14 = tpu.sem_alloc : memref<!tpu.dma_semaphore, #tpu.memory_space<semaphore_mem>>
        %dma_start3A = arith.constant 0 : i32
        %dma_start3A_15 = tpu.memref_slice %arg6[%scan3A_13, %run_scoped3A, %dma_start3A] : memref<80x1x128xi32, #tpu.memory_space<vmem>> -> memref<1x1x128xi32, #tpu.memory_space<vmem>>
        %dma_start3A_16 = tpu.memref_squeeze %dma_start3A_15 : memref<1x1x128xi32, #tpu.memory_space<vmem>> -> memref<128xi32, #tpu.memory_space<vmem>>
        %dma_start3A_17 = arith.constant 0 : i32
        %dma_start3A_18 = tpu.memref_slice %arg8[%dma_start3A_17] : memref<10240xf32, #tpu.memory_space<vmem_shared>> -> memref<10240xf32, #tpu.memory_space<vmem_shared>>
        tpu.enqueue_indirect_dma source(%arg7 : memref<128xf32, #tpu.memory_space<vmem>>) target(%dma_start3A_18 : memref<10240xf32, #tpu.memory_space<vmem_shared>>) offsets(%dma_start3A_16 : memref<128xi32, #tpu.memory_space<vmem>>) semaphore(%run_scoped3A_14 : memref<!tpu.dma_semaphore, #tpu.memory_space<semaphore_mem>>) {add = true}
        %dma_wait3A = arith.constant 0 : i32
        %dma_wait3A_19 = tpu.memref_slice %arg6[%scan3A_13, %run_scoped3A, %dma_wait3A] : memref<80x1x128xi32, #tpu.memory_space<vmem>> -> memref<1x1x128xi32, #tpu.memory_space<vmem>>
        %dma_wait3A_20 = tpu.memref_squeeze %dma_wait3A_19 : memref<1x1x128xi32, #tpu.memory_space<vmem>> -> memref<128xi32, #tpu.memory_space<vmem>>
        %dma_wait3A_21 = arith.constant 0 : i32
        %dma_wait3A_22 = tpu.memref_slice %arg8[%dma_wait3A_21] : memref<10240xf32, #tpu.memory_space<vmem_shared>> -> memref<10240xf32, #tpu.memory_space<vmem_shared>>
        tpu.wait_indirect_dma semaphore(%run_scoped3A_14 : memref<!tpu.dma_semaphore, #tpu.memory_space<semaphore_mem>>) src(%arg7 : memref<128xf32, #tpu.memory_space<vmem>>) dst(%dma_wait3A_22 : memref<10240xf32, #tpu.memory_space<vmem_shared>>)
        tpu.yield
      }) : () -> ()
    }
    %scan3A_9 = arith.constant 80 : i32
    %barrier3A_10 = arith.constant 0 : index
    tpu.barrier barrier_id(%barrier3A_10)
    %mul3A_11 = arith.constant 640 : i32
    %mul3A_12 = arith.muli %arg1, %mul3A_11 : i32
    "tpu.region"() ({
      %run_scoped3A = tpu.sem_alloc : memref<!tpu.dma_semaphore, #tpu.memory_space<semaphore_mem>>
      %dma_start3A = arith.constant 0 : i32
      %dma_start3A_13 = tpu.memref_slice %arg5[%arg0, %dma_start3A] : memref<2x10240xf32, #tpu.memory_space<hbm>> -> memref<1x10240xf32, #tpu.memory_space<hbm>>
      %dma_start3A_14 = tpu.memref_squeeze %dma_start3A_13 : memref<1x10240xf32, #tpu.memory_space<hbm>> -> memref<10240xf32, #tpu.memory_space<hbm>>
      %dma_start3A_15 = tpu.memref_slice %dma_start3A_14[%mul3A_12] : memref<10240xf32, #tpu.memory_space<hbm>> -> memref<640xf32, #tpu.memory_space<hbm>>
      %dma_start3A_16 = tpu.memref_slice %arg8[%mul3A_12] : memref<10240xf32, #tpu.memory_space<vmem_shared>> -> memref<640xf32, #tpu.memory_space<vmem_shared>>
      tpu.enqueue_dma source(%dma_start3A_16 : memref<640xf32, #tpu.memory_space<vmem_shared>>) target(%dma_start3A_15 : memref<640xf32, #tpu.memory_space<hbm>>) target_semaphore(%run_scoped3A : memref<!tpu.dma_semaphore, #tpu.memory_space<semaphore_mem>>)
      %dma_wait3A = arith.constant 0 : i32
      %dma_wait3A_17 = tpu.memref_slice %arg5[%arg0, %dma_wait3A] : memref<2x10240xf32, #tpu.memory_space<hbm>> -> memref<1x10240xf32, #tpu.memory_space<hbm>>
      %dma_wait3A_18 = tpu.memref_squeeze %dma_wait3A_17 : memref<1x10240xf32, #tpu.memory_space<hbm>> -> memref<10240xf32, #tpu.memory_space<hbm>>
      %dma_wait3A_19 = tpu.memref_slice %dma_wait3A_18[%mul3A_12] : memref<10240xf32, #tpu.memory_space<hbm>> -> memref<640xf32, #tpu.memory_space<hbm>>
      %dma_wait3A_20 = tpu.memref_slice %arg8[%mul3A_12] : memref<10240xf32, #tpu.memory_space<vmem_shared>> -> memref<640xf32, #tpu.memory_space<vmem_shared>>
      tpu.wait_dma2 semaphore(%run_scoped3A : memref<!tpu.dma_semaphore, #tpu.memory_space<semaphore_mem>>) src(%dma_wait3A_20 : memref<640xf32, #tpu.memory_space<vmem_shared>>) dst(%dma_wait3A_19 : memref<640xf32, #tpu.memory_space<hbm>>)
      tpu.yield
    }) : () -> ()
    return
  }
}

module attributes {stable_mosaic.version = 14 : i64} {
  func.func @_tc_a0_body(%arg0: memref<10240x128xf32, #tpu.memory_space<vmem>>, %arg1: memref<128x128xf32, #tpu.memory_space<vmem>>, %arg2: memref<10240x128xf32, #tpu.memory_space<vmem>>) attributes {dimension_semantics = [], scalar_prefetch = 0 : i64, scratch_operands = 0 : i64, tpu.core_type = #tpu.core_type<tc>} {
    %get3A = arith.constant 0 : index
    %get3A_0 = arith.constant 0 : index
    %get3A_1 = vector.load %arg0[%get3A, %get3A_0] : memref<10240x128xf32, #tpu.memory_space<vmem>>, vector<10240x128xf32>
    %get3A_2 = arith.constant 0 : index
    %get3A_3 = arith.constant 0 : index
    %get3A_4 = vector.load %arg1[%get3A_2, %get3A_3] : memref<128x128xf32, #tpu.memory_space<vmem>>, vector<128x128xf32>
    %dot_general3A = arith.constant dense<0.000000e+00> : vector<10240x128xf32>
    %dot_general3A_5 = tpu.matmul %get3A_1, %get3A_4, %dot_general3A {dimension_numbers = #tpu.dot_dimension_numbers<[1], [0], [0], [1], [0, 0, 1, 1], [], []>, transpose_lhs_hint = false} : vector<10240x128xf32>, vector<128x128xf32>, vector<10240x128xf32> -> vector<10240x128xf32>
    %swap3A = arith.constant 0 : index
    %swap3A_6 = arith.constant 0 : index
    %swap3A_7 = vector.load %arg2[%swap3A, %swap3A_6] : memref<10240x128xf32, #tpu.memory_space<vmem>>, vector<10240x128xf32>
    tpu.vector_store %arg2[%swap3A, %swap3A_6], %dot_general3A_5 {strides = array<i32>} : memref<10240x128xf32, #tpu.memory_space<vmem>>, vector<10240x128xf32>,
    return
  }
}

module attributes {stable_mosaic.version = 14 : i64} {
  func.func @_tc_a1_body(%arg0: memref<10240x128xf32, #tpu.memory_space<vmem>>, %arg1: memref<2x10240x1xf32, #tpu.memory_space<vmem>>, %arg2: memref<10240x128xf32, #tpu.memory_space<vmem>>, %arg3: memref<10240x1xf32, #tpu.memory_space<vmem>>) attributes {dimension_semantics = [], scalar_prefetch = 0 : i64, scratch_operands = 0 : i64, tpu.core_type = #tpu.core_type<tc>} {
    %get3A = arith.constant 0 : index
    %get3A_0 = arith.constant 0 : index
    %get3A_1 = arith.constant 0 : index
    %get3A_2 = vector.load %arg1[%get3A, %get3A_0, %get3A_1] : memref<2x10240x1xf32, #tpu.memory_space<vmem>>, vector<1x10240x1xf32>
    %get3A_3 = vector.shape_cast %get3A_2 : vector<1x10240x1xf32> to vector<10240x1xf32>
    %get3A_4 = arith.constant 1 : index
    %get3A_5 = arith.constant 0 : index
    %get3A_6 = arith.constant 0 : index
    %get3A_7 = vector.load %arg1[%get3A_4, %get3A_5, %get3A_6] : memref<2x10240x1xf32, #tpu.memory_space<vmem>>, vector<1x10240x1xf32>
    %get3A_8 = vector.shape_cast %get3A_7 : vector<1x10240x1xf32> to vector<10240x1xf32>
    %add3A = arith.addf %get3A_3, %get3A_8 : vector<10240x1xf32>
    %add3A_9 = arith.constant 1.000000e+00 : f32
    %add3A_10 = vector.broadcast %add3A_9 : f32 to vector<10240x1xf32>
    %add3A_11 = arith.addf %add3A, %add3A_10 : vector<10240x1xf32>
    %rsqrt3A = math.rsqrt %add3A_11 : vector<10240x1xf32>
    %get3A_12 = arith.constant 0 : index
    %get3A_13 = arith.constant 0 : index
    %get3A_14 = vector.load %arg0[%get3A_12, %get3A_13] : memref<10240x128xf32, #tpu.memory_space<vmem>>, vector<10240x128xf32>
    %mul3A = vector.broadcast %rsqrt3A : vector<10240x1xf32> to vector<10240x128xf32>
    %mul3A_15 = arith.mulf %get3A_14, %mul3A : vector<10240x128xf32>
    %swap3A = arith.constant 0 : index
    %swap3A_16 = arith.constant 0 : index
    %swap3A_17 = vector.load %arg2[%swap3A, %swap3A_16] : memref<10240x128xf32, #tpu.memory_space<vmem>>, vector<10240x128xf32>
    tpu.vector_store %arg2[%swap3A, %swap3A_16], %mul3A_15 {strides = array<i32>} : memref<10240x128xf32, #tpu.memory_space<vmem>>, vector<10240x128xf32>,
    %swap3A_18 = arith.constant 0 : index
    %swap3A_19 = arith.constant 0 : index
    %swap3A_20 = vector.load %arg3[%swap3A_18, %swap3A_19] : memref<10240x1xf32, #tpu.memory_space<vmem>>, vector<10240x1xf32>
    tpu.vector_store %arg3[%swap3A_18, %swap3A_19], %rsqrt3A {strides = array<i32>} : memref<10240x1xf32, #tpu.memory_space<vmem>>, vector<10240x1xf32>,
    return
  }
}

module attributes {stable_mosaic.version = 14 : i64} {
  func.func @_tc_b_body(%arg0: memref<2x10240x128xf32, #tpu.memory_space<vmem>>, %arg1: memref<10240x128xf32, #tpu.memory_space<vmem>>, %arg2: memref<10240x1xf32, #tpu.memory_space<vmem>>, %arg3: memref<128x128xf32, #tpu.memory_space<vmem>>, %arg4: memref<1x128xf32, #tpu.memory_space<vmem>>, %arg5: memref<1xf32, #tpu.memory_space<vmem>>, %arg6: memref<10240x128xf32, #tpu.memory_space<vmem>>, %arg7: memref<10240x128xf32, #tpu.memory_space<vmem>>) attributes {dimension_semantics = [], scalar_prefetch = 0 : i64, scratch_operands = 0 : i64, tpu.core_type = #tpu.core_type<tc>} {
    %get3A = arith.constant 0 : index
    %get3A_0 = arith.constant 0 : index
    %get3A_1 = vector.load %arg2[%get3A, %get3A_0] : memref<10240x1xf32, #tpu.memory_space<vmem>>, vector<10240x1xf32>
    %get3A_2 = arith.constant 0 : index
    %get3A_3 = arith.constant 0 : index
    %get3A_4 = arith.constant 0 : index
    %get3A_5 = vector.load %arg0[%get3A_2, %get3A_3, %get3A_4] : memref<2x10240x128xf32, #tpu.memory_space<vmem>>, vector<1x10240x128xf32>
    %get3A_6 = vector.shape_cast %get3A_5 : vector<1x10240x128xf32> to vector<10240x128xf32>
    %get3A_7 = arith.constant 1 : index
    %get3A_8 = arith.constant 0 : index
    %get3A_9 = arith.constant 0 : index
    %get3A_10 = vector.load %arg0[%get3A_7, %get3A_8, %get3A_9] : memref<2x10240x128xf32, #tpu.memory_space<vmem>>, vector<1x10240x128xf32>
    %get3A_11 = vector.shape_cast %get3A_10 : vector<1x10240x128xf32> to vector<10240x128xf32>
    %add3A = arith.addf %get3A_6, %get3A_11 : vector<10240x128xf32>
    %mul3A = vector.broadcast %get3A_1 : vector<10240x1xf32> to vector<10240x128xf32>
    %mul3A_12 = arith.mulf %mul3A, %add3A : vector<10240x128xf32>
    %mul3A_13 = arith.mulf %get3A_1, %get3A_1 : vector<10240x1xf32>
    %get3A_14 = arith.constant 0 : index
    %get3A_15 = arith.constant 0 : index
    %get3A_16 = vector.load %arg1[%get3A_14, %get3A_15] : memref<10240x128xf32, #tpu.memory_space<vmem>>, vector<10240x128xf32>
    %mul3A_17 = vector.broadcast %mul3A_13 : vector<10240x1xf32> to vector<10240x128xf32>
    %mul3A_18 = arith.mulf %mul3A_17, %get3A_16 : vector<10240x128xf32>
    %add3A_19 = arith.addf %mul3A_12, %mul3A_18 : vector<10240x128xf32>
    %get3A_20 = arith.constant 0 : index
    %get3A_21 = arith.constant 0 : index
    %get3A_22 = vector.load %arg4[%get3A_20, %get3A_21] : memref<1x128xf32, #tpu.memory_space<vmem>>, vector<1x128xf32>
    %add3A_23 = vector.broadcast %get3A_22 : vector<1x128xf32> to vector<10240x128xf32>
    %add3A_24 = arith.addf %add3A_19, %add3A_23 : vector<10240x128xf32>
    %max3A = arith.constant 0.000000e+00 : f32
    %max3A_25 = vector.broadcast %max3A : f32 to vector<10240x128xf32>
    %max3A_26 = arith.maximumf %add3A_24, %max3A_25 : vector<10240x128xf32>
    %get3A_27 = arith.constant 0 : index
    %get3A_28 = vector.load %arg5[%get3A_27] : memref<1xf32, #tpu.memory_space<vmem>>, vector<1xf32>
    %get3A_29 = vector.extract %get3A_28[0] : f32 from vector<1xf32>
    %min3A = arith.constant 0.000000e+00 : f32
    %min3A_30 = vector.broadcast %min3A : f32 to vector<10240x128xf32>
    %min3A_31 = arith.minimumf %add3A_24, %min3A_30 : vector<10240x128xf32>
    %mul3A_32 = vector.broadcast %get3A_29 : f32 to vector<10240x128xf32>
    %mul3A_33 = arith.mulf %mul3A_32, %min3A_31 : vector<10240x128xf32>
    %add3A_34 = arith.addf %max3A_26, %mul3A_33 : vector<10240x128xf32>
    %get3A_35 = arith.constant 0 : index
    %get3A_36 = arith.constant 0 : index
    %get3A_37 = vector.load %arg3[%get3A_35, %get3A_36] : memref<128x128xf32, #tpu.memory_space<vmem>>, vector<128x128xf32>
    %dot_general3A = arith.constant dense<0.000000e+00> : vector<10240x128xf32>
    %dot_general3A_38 = tpu.matmul %add3A_34, %get3A_37, %dot_general3A {dimension_numbers = #tpu.dot_dimension_numbers<[1], [0], [0], [1], [0, 0, 1, 1], [], []>, transpose_lhs_hint = false} : vector<10240x128xf32>, vector<128x128xf32>, vector<10240x128xf32> -> vector<10240x128xf32>
    %swap3A = arith.constant 0 : index
    %swap3A_39 = arith.constant 0 : index
    %swap3A_40 = vector.load %arg6[%swap3A, %swap3A_39] : memref<10240x128xf32, #tpu.memory_space<vmem>>, vector<10240x128xf32>
    tpu.vector_store %arg6[%swap3A, %swap3A_39], %dot_general3A_38 {strides = array<i32>} : memref<10240x128xf32, #tpu.memory_space<vmem>>, vector<10240x128xf32>,
    %mul3A_41 = vector.broadcast %get3A_1 : vector<10240x1xf32> to vector<10240x128xf32>
    %mul3A_42 = arith.mulf %dot_general3A_38, %mul3A_41 : vector<10240x128xf32>
    %swap3A_43 = arith.constant 0 : index
    %swap3A_44 = arith.constant 0 : index
    %swap3A_45 = vector.load %arg7[%swap3A_43, %swap3A_44] : memref<10240x128xf32, #tpu.memory_space<vmem>>, vector<10240x128xf32>
    tpu.vector_store %arg7[%swap3A_43, %swap3A_44], %mul3A_42 {strides = array<i32>} : memref<10240x128xf32, #tpu.memory_space<vmem>>, vector<10240x128xf32>,
    return
  }
}

module attributes {stable_mosaic.version = 14 : i64} {
  func.func @_tc_c_body(%arg0: memref<2x10240x128xf32, #tpu.memory_space<vmem>>, %arg1: memref<10240x128xf32, #tpu.memory_space<vmem>>, %arg2: memref<10240x1xf32, #tpu.memory_space<vmem>>, %arg3: memref<1x128xf32, #tpu.memory_space<vmem>>, %arg4: memref<10240x128xf32, #tpu.memory_space<vmem>>) attributes {dimension_semantics = [], scalar_prefetch = 0 : i64, scratch_operands = 0 : i64, tpu.core_type = #tpu.core_type<tc>} {
    %get3A = arith.constant 0 : index
    %get3A_0 = arith.constant 0 : index
    %get3A_1 = vector.load %arg2[%get3A, %get3A_0] : memref<10240x1xf32, #tpu.memory_space<vmem>>, vector<10240x1xf32>
    %get3A_2 = arith.constant 0 : index
    %get3A_3 = arith.constant 0 : index
    %get3A_4 = arith.constant 0 : index
    %get3A_5 = vector.load %arg0[%get3A_2, %get3A_3, %get3A_4] : memref<2x10240x128xf32, #tpu.memory_space<vmem>>, vector<1x10240x128xf32>
    %get3A_6 = vector.shape_cast %get3A_5 : vector<1x10240x128xf32> to vector<10240x128xf32>
    %get3A_7 = arith.constant 1 : index
    %get3A_8 = arith.constant 0 : index
    %get3A_9 = arith.constant 0 : index
    %get3A_10 = vector.load %arg0[%get3A_7, %get3A_8, %get3A_9] : memref<2x10240x128xf32, #tpu.memory_space<vmem>>, vector<1x10240x128xf32>
    %get3A_11 = vector.shape_cast %get3A_10 : vector<1x10240x128xf32> to vector<10240x128xf32>
    %add3A = arith.addf %get3A_6, %get3A_11 : vector<10240x128xf32>
    %mul3A = vector.broadcast %get3A_1 : vector<10240x1xf32> to vector<10240x128xf32>
    %mul3A_12 = arith.mulf %mul3A, %add3A : vector<10240x128xf32>
    %mul3A_13 = arith.mulf %get3A_1, %get3A_1 : vector<10240x1xf32>
    %get3A_14 = arith.constant 0 : index
    %get3A_15 = arith.constant 0 : index
    %get3A_16 = vector.load %arg1[%get3A_14, %get3A_15] : memref<10240x128xf32, #tpu.memory_space<vmem>>, vector<10240x128xf32>
    %mul3A_17 = vector.broadcast %mul3A_13 : vector<10240x1xf32> to vector<10240x128xf32>
    %mul3A_18 = arith.mulf %mul3A_17, %get3A_16 : vector<10240x128xf32>
    %add3A_19 = arith.addf %mul3A_12, %mul3A_18 : vector<10240x128xf32>
    %get3A_20 = arith.constant 0 : index
    %get3A_21 = arith.constant 0 : index
    %get3A_22 = vector.load %arg3[%get3A_20, %get3A_21] : memref<1x128xf32, #tpu.memory_space<vmem>>, vector<1x128xf32>
    %add3A_23 = vector.broadcast %get3A_22 : vector<1x128xf32> to vector<10240x128xf32>
    %add3A_24 = arith.addf %add3A_19, %add3A_23 : vector<10240x128xf32>
    %swap3A = arith.constant 0 : index
    %swap3A_25 = arith.constant 0 : index
    %swap3A_26 = vector.load %arg4[%swap3A, %swap3A_25] : memref<10240x128xf32, #tpu.memory_space<vmem>>, vector<10240x128xf32>
    tpu.vector_store %arg4[%swap3A, %swap3A_25], %add3A_24 {strides = array<i32>} : memref<10240x128xf32, #tpu.memory_space<vmem>>, vector<10240x128xf32>,
    return
  }
}

</mosaic_0001>

<sc_bundles>
// kernel: kernel.12.cloned.1.call-start
scs
__scs_entry_jumppad:
0x0: {  	(pc) =	sbr.rel $0x88, $3  }
0x1: {  	(tag) =	ssettag $0x0;
	lr =	simm.s32 $0x1  }
0x2: {  	[smem:$0x3F9A] =	sst lr;
	_ =	strace $0xD0000000  }
0x3: {  	_ = 	snop  }
0x4: {  	_ = 	snop  }
0x5: {  	_ = 	snop  }
0x6: {  	_ = 	snop  }
0x7: {  	_ = 	snop  }
__scs_overlays_trampoline_lowered:
0x8: {  	[smem:$0x3FA9] =	sst s0  }
0x9: {  	[smem:$0x3FAA] =	sst s1  }
0xa: {  	[smem:$0x3FAB] =	sst s2  }
0xb: {  	[smem:$0x3FAC] =	sst s3  }
0xc: {  	[smem:$0x3FAD] =	sst s4  }
0xd: {  	[smem:$0x3FAE] =	sst s5  }
0xe: {  	[smem:$0x3FAF] =	sst s6  }
0xf: {  	[smem:$0x3FB0] =	sst s7  }
0x10: {  	[smem:$0x3FB1] =	sst s8  }
0x11: {  	[smem:$0x3FB2] =	sst s9;
	s0 =	simm.s32 @!p0 $0x0  }
0x12: {  	s1 =	sld [smem:$0x3F98];
	s0 =	simm.s32 @p0 $0x1  }
0x13: {  	[smem:$0x3FB3] =	sst s0;
	s0 =	simm.s32 @!p1 $0x0  }
0x14: {  	s2 =	sld [smem:$0x3F97];
	s0 =	simm.s32 @p1 $0x1  }
0x15: {  	[smem:$0x3FB4] =	sst s0;
	s0 =	simm.s32 @!p2 $0x0  }
0x16: {  	s3 =	sld [smem:$0x3FDB];
	s0 =	simm.s32 @p2 $0x1  }
0x17: {  	s4 =	simm.s32 $0x1BF5;
	[smem:$0x3FB6] =	sst s0  }
0x18: {  	s0 =	sld [smem:$0x3F99];
	_ =	swait.ge [sflag:s4], $0x0  }
0x19: {  	s7 =	sld [smem:$0x3F9A]  }
0x1a: {  	s8 =	sadd.s32 $0xFFFFE003, lr  }
0x1b: {  	s9 =	sadd.s32 $0xFFFFFEF7, lr;
	s5 =	simm.s32 $0xFFFFFFFF;
	p2 =	slt.u32 s8, $0xFFFFF086  }
0x1c: {  	p1 =	slt.u32 s9, $0xF7A;
	s5 =	simm.s32 @!p2 $0x0  }
0x1d: {  	s5 =	simm.s32 @p1 $0x1;
	p0 =	seq.s32 s7, s2  }
0x1e: {  	s7 =	smul.u32 @!p0 $0xF7A, s2;
	p2 =	seq.s32 @!p0 s5, $0x0  }
0x1f: {  	s9 =	smul.u32 $0xF7A, s1;
	s8 =	simm.s32 @!p0 $0x1BF5;
	p2 =	por !p2, p0  }
0x20: {  	[sflag:s8] =	ssyncset.s32 @!p0 $0xFFFFF086;
	s6 =	sadd.s32 @!p0 s3, s7;
	s7 =	simm.s32 @!p0 $0x108  }
0x21: {  	s3 =	sadd.s32 s3, s9;
	s6 =	sadd.s32 @!p0 $0x88, s6;
	s7 =	simm.s32 @p2 $0x1082  }
0x22: {  	[simem:s7], [sflag:s8] =	dma.local @!p0 [hbm:s6], $0xF7A  }
0x23: {  	s9 =	sor.u32 $0xD0000000, s2;
	s6 =	simm.s32 $0x108;
	_ =	swait.ge @!p0 [sflag:s8], $0x0  }
0x24: {  	s3 =	sadd.s32 $0x88, s3;
	s6 =	simm.s32 @!p1 $0x1082;
	[sflag:s4] =	ssyncset.s32 $0xFFFFF086  }
0x25: {  	[simem:s6], [sflag:s4] =	dma.local [hbm:s3], $0xF7A  }
0x26: {  	[smem:$0x3F9A] =	sst s1;
	(tag) =	ssettag s2;
	_ =	strace s9  }
0x27: {  	s1 =	sld [smem:$0x3FAA]  }
0x28: {  	s2 =	sld [smem:$0x3FAB]  }
0x29: {  	s4 =	sld [smem:$0x3FAD]  }
0x2a: {  	p0 =	seq.s32 s5, $0x0;
	s5 =	sld [smem:$0x3FAE]  }
0x2b: {  	s6 =	sld [smem:$0x3FAF]  }
0x2c: {  	s7 =	sld [smem:$0x3FB0]  }
0x2d: {  	s3 =	simm.s32 $0x108;
	s8 =	sld [smem:$0x3FB1]  }
0x2e: {  	s3 =	simm.s32 @!p0 $0x1082;
	s9 =	sld [smem:$0x3FB2]  }
0x2f: {  	lr =	sadd.s32 s0, s3;
	s0 =	sld [smem:$0x3FA9]  }
0x30: {  	s3 =	sld [smem:$0x3FAC]  }
0x31: {  	[smem:$0x3FB5] =	sst s10  }
0x32: {  	s10 =	sld [smem:$0x3FB3];
	_ =	sdelay $0x3  }
0x33: {  	p0 =	seq.s32 s10, $0x1;
	s10 =	sld [smem:$0x3FB5];
	_ =	sdelay $0x3  }
0x34: {  	[smem:$0x3FB5] =	sst s10  }
0x35: {  	s10 =	sld [smem:$0x3FB4];
	_ =	sdelay $0x3  }
0x36: {  	p1 =	seq.s32 s10, $0x1;
	s10 =	sld [smem:$0x3FB5];
	_ =	sdelay $0x3  }
0x37: {  	[smem:$0x3FB5] =	sst s10  }
0x38: {  	s10 =	sld [smem:$0x3FB6]  }
0x39: {  	_ = 	snop;
	(pc) =	sbr.ind lr, $3  }
0x3a: {  	_ = 	snop  }
0x3b: {  	_ = 	snop  }
0x3c: {  	p2 =	seq.s32 s10, $0x1;
	s10 =	sld [smem:$0x3FB5]  }
0x3d: {  	_ =	shalt  }
0x3e: {  	_ =	shalt  }
0x3f: {  	_ =	shalt  }
0x40: {  	_ =	shalt  }
0x41: {  	_ =	shalt  }
0x42: {  	_ =	shalt  }
0x43: {  	_ =	shalt  }
0x44: {  	_ =	shalt  }
0x45: {  	_ =	shalt  }
0x46: {  	_ =	shalt  }
0x47: {  	_ =	shalt  }
0x48: {  	_ =	shalt  }
0x49: {  	_ =	shalt  }
0x4a: {  	_ =	shalt  }
0x4b: {  	_ =	shalt  }
0x4c: {  	_ =	shalt  }
0x4d: {  	_ =	shalt  }
0x4e: {  	_ =	shalt  }
0x4f: {  	_ =	shalt  }
0x50: {  	_ =	shalt  }
0x51: {  	_ =	shalt  }
0x52: {  	_ =	shalt  }
0x53: {  	_ =	shalt  }
0x54: {  	_ =	shalt  }
0x55: {  	_ =	shalt  }
0x56: {  	_ =	shalt  }
0x57: {  	_ =	shalt  }
0x58: {  	_ =	shalt  }
0x59: {  	_ =	shalt  }
0x5a: {  	_ =	shalt  }
0x5b: {  	_ =	shalt  }
0x5c: {  	_ =	shalt  }
0x5d: {  	_ =	shalt  }
0x5e: {  	_ =	shalt  }
0x5f: {  	_ =	shalt  }
0x60: {  	_ =	shalt  }
0x61: {  	_ =	shalt  }
0x62: {  	_ =	shalt  }
0x63: {  	_ =	shalt  }
0x64: {  	_ =	shalt  }
0x65: {  	_ =	shalt  }
0x66: {  	_ =	shalt  }
0x67: {  	_ =	shalt  }
0x68: {  	_ =	shalt  }
0x69: {  	_ =	shalt  }
0x6a: {  	_ =	shalt  }
0x6b: {  	_ =	shalt  }
0x6c: {  	_ =	shalt  }
0x6d: {  	_ =	shalt  }
0x6e: {  	_ =	shalt  }
0x6f: {  	_ =	shalt  }
0x70: {  	_ =	shalt  }
0x71: {  	_ =	shalt  }
0x72: {  	_ =	shalt  }
0x73: {  	_ =	shalt  }
0x74: {  	_ =	shalt  }
0x75: {  	_ =	shalt  }
0x76: {  	_ =	shalt  }
0x77: {  	_ =	shalt  }
0x78: {  	_ =	shalt  }
0x79: {  	_ =	shalt  }
0x7a: {  	_ =	shalt  }
0x7b: {  	_ =	shalt  }
0x7c: {  	_ =	shalt  }
0x7d: {  	_ =	shalt  }
0x7e: {  	_ =	shalt  }
0x7f: {  	_ =	shalt  }
0x80: {  	_ =	shalt  }
0x81: {  	_ =	shalt  }
0x82: {  	_ =	shalt  }
0x83: {  	_ =	shalt  }
0x84: {  	_ =	shalt  }
0x85: {  	_ =	shalt  }
0x86: {  	_ =	shalt  }
0x87: {  	_ =	shalt  }
.Lfunc_end0:
.L_simem_size_0:
called_computation.1_lowered:
.L_overlay_start_0:
0x88: {  	s2 =	sld [smem:$0x3FD9]  }
0x89: {  	s3 =	sld [smem:$0x3FFE];
	_ =	sdelay $0x1  }
0x8a: {  	s1 =	srdreg.scid  }
0x8b: {  	s0 =	sand.u32 $0x1, s1  }
0x8c: {  	s17 =	sshll.u32 s0, $0xA;
	s2 =	sadd.s32 s3, s2  }
0x8d: {  	s2 =	sadd.s32 s2, s17  }
0x8e: {  	[smem:$0x3FC1] =	sst s2  }
0x8f: {  	_ = 	snop  }
0x90: {  	s2 =	sld [smem:$0x3FD0];
	(tm) =	ssettm $0x1  }
0x91: {  	s18 =	sld [smem:$0x3FFB];
	_ =	sdelay $0x3  }
0x92: {  	_ =	strace s18  }
0x93: {  	s3 =	sld [smem:$0x3FFC];
	_ =	sdelay $0x3  }
0x94: {  	_ =	strace s3  }
0x95: {  	s3 =	sld [smem:$0x3FFD];
	_ =	sdelay $0x3  }
0x96: {  	_ =	strace s3  }
0x97: {  	_ =	strace $0x8FFFFFFF  }
0x98: {  	s19 =	sld [smem:$0x3FDB];
	_ =	sdelay $0x1  }
0x99: {  	s4 =	simm.s32 $_scs_section_size  }
0x9a: {  	s5 =	simm.s32 $_size__tile_overlayer_lowered;
	s6 =	simm.s32 $_tile_overlayer_lowered  }
0x9b: {  	s22 =	simm.s32 $0x1BFF;
	s21 =	sshll.u32 s6, $0x1;
	s3 =	sadd.s32 s4, s19  }
0x9c: {  	s7 =	simm.s32 $0x0;
	s20 =	sshll.u32 s5, $0x1;
	s5 =	sadd.s32 s21, s3  }
0x9d: {  	[timem:s7], [sflag:s22] =	dma.local [hbm:s5], s20  }
0x9e: {  	_ =	swait.ge [sflag:s22], s20  }
0x9f: {  	s4 =	ssub.s32 $0x0, s20;
	[sflag:s22] =	ssyncset.done $0x0  }
0xa0: {  	[sflag:s22] =	ssyncadd.s32 s4;
	_ =	sdelay $0x1  }
0xa1: {  	s23 =	simm.s32 $0x1B8B  }
0xa2: {  	_ =	swait.ge [sflag:s23], $0x1  }
0xa3: {  	[sflag:s23] =	ssyncset.done $0x0  }
0xa4: {  	s25 =	simm.s32 $0x1B8E;
	s24 =	sld [smem:$0x3FFE];
	[sflag:s23] =	ssyncadd.s32 $0xFFFFFFFF  }
0xa5: {  	s26 =	simm.s32 $execute0_lowered;
	[smem:$0x3FD2] =	sst s25  }
0xa6: {  	s5 =	sshll.u32 s26, $0x1;
	_ =	strace $0x80000049;
	[dreg:$0x1] =	wrdreg $0xFFFFFFFF  }
0xa7: {  	s28 =	simm.s32 $_size_execute0_lowered;
	s3 =	sadd.s32 s3, s5;
	[dreg:$0x0] =	wrdreg $0x0  }
0xa8: {  	s5 =	sshll.u32 s28, $0x1;
	[dreg:$0x2] =	wrdreg s3  }
0xa9: {  	[dreg:$0x3] =	wrdreg s5  }
0xaa: {  	[dreg:$0x4] =	wrdreg $0xC0  }
0xab: {  	_ =	task [dreg:s7], $0x5FFFF  }
0xac: {  	[dreg:$0x1] =	wrdreg $0xFFFFFFFF  }
0xad: {  	[dreg:$0x0] =	wrdreg $0x60  }
0xae: {  	[dreg:$0x2] =	wrdreg s24  }
0xaf: {  	[dreg:$0x3] =	wrdreg s2  }
0xb0: {  	[dreg:$0x4] =	wrdreg $0xA8000  }
0xb1: {  	[dreg:$0x5] =	wrdreg $0x9  }
0xb2: {  	_ =	task.clear_ibuf [dreg:s7], $0x6FFFF;
	_ =	strace $0x90000049  }
0xb3: {  	s29 =	simm.s32 $0x9;
	_ =	strace $0x8000004B  }
0xb4: {  	_ =	swait.ge [sflag:s29], $0x1  }
0xb5: {  	[sflag:s29] =	ssyncadd.s32 $0xFFFFFFFF  }
0xb6: {  	_ =	strace $0x9000004B  }
0xb7: {  	_ =	sfence  }
0xb8: {  	s30 =	sld [smem:$0x0];
	_ =	sdelay $0x2  }
0xb9: {  	s31 =	sshll.u32 s1, $0xD;
	s1 =	sshrl.u32 s1, $0x2  }
0xba: {  	s3 =	sand.u32 $0x4000, s31;
	s1 =	sadd.s32 s1, s30  }
0xbb: {  	s0 =	sor.u32 s3, s0;
	s1 =	sshll.u32 s1, $0x11  }
0xbc: {  	s0 =	sor.u32 s1, s0  }
0xbd: {  	s0 =	sadd.s32 $0x8F2B, s0  }
0xbe: {  	[sflag:s0] =	ssyncadd.remote.s32 $0x1  }
0xbf: {  	_ =	sfence.sel $0xFFFF  }
0xc0: {  	[dreg:$0x0] =	wrdreg $0xFFFFFFFF;
	(pc) =	sbr.abs _section_cstart, $3  }
0xc1: {  	[dreg:$0x1] =	wrdreg $0xFFFFFFFF  }
0xc2: {  	_ =	task.clear_ibuf [dreg:s7], $0x2FFFF;
	_ =	strace $0x9FFFFFFF  }
0xc3: {  	(tm) =	ssettm $0x7FFFFFFF  }
tec
execute0_lowered:
.L_overlay_start_1:
0x0: {  	(tag) =	ssettag $0x1  }
0x1: {  	s5 =	rddreg [dreg:$0x0]  }
0x2: {  	s13 =	rddreg [dreg:$0x1]  }
0x3: {  	s1 =	rddreg [dreg:$0x2]  }
0x4: {  	s0 =	rddreg [dreg:$0x3];
	s2 =	simm.s32 $0x0;
	s3 =	srdreg.scid  }
0x5: {  	s17 =	simm.s32 $0x1400;
	s18 =	simm.s32 $0x80;
	s19 =	simm.s32 $0x6800  }
0x6: {  	s20 =	simm.s32 $0x1;
	s21 =	simm.s32 $0x3;
	s22 =	simm.s32 $0x2  }
0x7: {  	s23 =	simm.s32 $0x4;
	[smem:$0x7FF] =	sst s2;
	s10 =	sand.u32 $0x1, s3  }
0x8: {  	s26 =	simm.s32 $0x2780;
	s3 =	stileid.u32;
	s6 =	smul.u32 $0x28000, s10  }
0x9: {  	s4 =	sadd.s32 $0xBE00, s5;
	s14 =	sadd.s32 $0x1E00, s5;
	s7 =	smul.u32 $0x50000, s3  }
0xa: {  	_ =	strace $0x8000004A;
	s8 =	ssub.s32 $0x2, s10;
	s15 =	smul.u32 $0x500, s3  }
0xb: {  	p0 =	seq.s32 s10, $0x0;
	s25 =	smul.u32 $0x2800, s3;
	s30 =	sshrl.u32 s8, $0x1  }
0xc: {  	s11 =	sadd.s32 s6, s5;
	s31 =	sshrl.u32 s7, $0x2;
	s12 =	ssub.s32 s8, s30  }
0xd: {  	s16 =	sadd.s32 $0x5000, s15;
	s5 =	sadd.s32 s31, s1;
	s24 =	sadd.s32 $0x33E00, s11  }
0xe: {  	s16 =	smov.u32 @p0 s15;
	s10 =	smax.u32 s12, $0x1;
	s6 =	sadd.s32 $0x4000, s5  }
0xf: {  	s7 =	sadd.s32 $0x8000, s5;
	s8 =	sadd.s32 $0xC000, s5;
	s9 =	sadd.s32 $0x10000, s5  }
0x10: {  	s11 =	sadd.s32 s13, s16;
	s15 =	sadd.s32 $0x280, s16;
	s12 =	sadd.s32 s14, s16  }
0x11: {  	s16 =	simm.s32 $0x5;
	s24 =	sadd.s32 s25, s24;
	s25 =	simm.s32 $0x2700  }
0x12: {  	v0 =	vimm.f32 $0.0e+00;
	s13 =	sadd.s32 s13, s15;
	s14 =	sadd.s32 s14, s15;
	s15 =	simm.s32 $0x2800  }
.LBB2_1:
0x13: {  	s28 =	simm.s32 $0x0;
	s29 =	simm.s32 $0x200  }
.LBB2_2:
0x14: {  	p0 =	sne.s32 s29, $0xFE00;
	[tilespmem:s28+$0x2870] =	vst v0  }
0x15: {  	[tilespmem:s28+$0x2800] =	vst v0  }
0x16: {  	[tilespmem:s28+$0x2810] =	vst v0  }
.Ltmp0:
0x17: {  	[tilespmem:s28+$0x2820] =	vst v0;
	(pc) =	sbr.rel @p0 .LBB2_2-.Ltmp0, $4  }
0x18: {  	[tilespmem:s28+$0x2830] =	vst v0  }
0x19: {  	[tilespmem:s28+$0x2840] =	vst v0  }
0x1a: {  	[tilespmem:s28+$0x2850] =	vst v0  }
0x1b: {  	[tilespmem:s28+$0x2860] =	vst v0;
	s28 =	sshra.s32 s29, $0x2;
	s29 =	sadd.s32 $0x200, s29  }
0x1c: {  	[tilespmem:s28+$0x2870] =	vst v0  }
0x1d: {  	[tilespmem:s28+$0x2800] =	vst v0  }
0x1e: {  	[tilespmem:s28+$0x2810] =	vst v0  }
0x1f: {  	[tilespmem:s28+$0x2820] =	vst v0  }
0x20: {  	[tilespmem:s28+$0x2830] =	vst v0  }
0x21: {  	[tilespmem:s28+$0x2840] =	vst v0  }
0x22: {  	[tilespmem:s28+$0x2850] =	vst v0  }
0x23: {  	[tilespmem:s28+$0x2860] =	vst v0  }
0x24: {  	[spmem:s5] =	stream.linear.scatter [tilespmem:s15], [sflag:$0x5], $0x4000, $0x38;
	[tilespmem:$0x1E800] =	vst v63  }
0x25: {  	_ =	swait.ge [sflag:s16], $0x4000  }
0x26: {  	[sflag:s16] =	ssyncset.done $0x0  }
0x27: {  	[sflag:s16] =	ssyncadd.s32 $0xFFFFC000  }
0x28: {  	[spmem:s6] =	stream.linear.scatter [tilespmem:s15], [sflag:$0x5], $0x4000, $0x38;
	[tilespmem:$0x1E800] =	vst v63  }
0x29: {  	_ =	swait.ge [sflag:s16], $0x4000  }
0x2a: {  	[sflag:s16] =	ssyncset.done $0x0  }
0x2b: {  	[sflag:s16] =	ssyncadd.s32 $0xFFFFC000  }
0x2c: {  	[spmem:s7] =	stream.linear.scatter [tilespmem:s15], [sflag:$0x5], $0x4000, $0x38;
	[tilespmem:$0x1E800] =	vst v63  }
0x2d: {  	_ =	swait.ge [sflag:s16], $0x4000  }
0x2e: {  	[sflag:s16] =	ssyncset.done $0x0  }
0x2f: {  	[sflag:s16] =	ssyncadd.s32 $0xFFFFC000  }
0x30: {  	[spmem:s8] =	stream.linear.scatter [tilespmem:s15], [sflag:$0x5], $0x4000, $0x38;
	[tilespmem:$0x1E800] =	vst v63  }
0x31: {  	_ =	swait.ge [sflag:s16], $0x4000  }
0x32: {  	[sflag:s16] =	ssyncset.done $0x0  }
0x33: {  	[sflag:s16] =	ssyncadd.s32 $0xFFFFC000  }
0x34: {  	[spmem:s9] =	stream.linear.scatter [tilespmem:s15], [sflag:$0x5], $0x4000, $0x38;
	[tilespmem:$0x1E800] =	vst v63  }
0x35: {  	_ =	swait.ge [sflag:s16], $0x4000  }
0x36: {  	[sflag:s16] =	ssyncset.done $0x0  }
0x37: {  	[sflag:s16] =	ssyncadd.s32 $0xFFFFC000  }
0x38: {  	s28 =	simm.s32 $0x0;
	[bflag:$0x0] =	sbarrier.arrive $0xFFFF  }
0x39: {  	[tilespmem:s28], [sflag:$0x5] =	stream.linear.gather [hbm4b:s11+s28], $0x1400, $0x38;
	[tilespmem:$0x1E800] =	vst v63  }
0x3a: {  	_ =	swait.ge [sflag:s16], $0x1400  }
0x3b: {  	[sflag:s16] =	ssyncset.done $0x0  }
0x3c: {  	[sflag:s16] =	ssyncadd.s32 $0xFFFFEC00  }
0x3d: {  	[tilespmem:s17], [sflag:$0x5] =	stream.linear.gather [hbm4b:s12+s28], $0x1400, $0x38;
	[tilespmem:$0x1E800] =	vst v63  }
0x3e: {  	_ =	swait.ge [sflag:s16], $0x1400  }
0x3f: {  	[sflag:s16] =	ssyncset.done $0x0  }
0x40: {  	[sflag:s16] =	ssyncadd.s32 $0xFFFFEC00  }
0x41: {  	[tilespmem:s15], [sflag:$0x1] =	stream.indirect.gather [hbm4b:s4+s18], $0x80, s28, s18, $0xb8;
	[tilespmem:$0x1E800] =	vst v63  }
0x42: {  	_ = 	snop  }
0x43: {  	[tilespmem:s19], [sflag:$0x2] =	stream.indirect.gather [hbm4b:s4+s18], $0x80, s18, s18, $0xb8;
	[tilespmem:$0x1E800] =	vst v63  }
0x44: {  	_ =	swait.ge [sflag:s20], $0x4000  }
0x45: {  	[sflag:s20] =	ssyncset.done $0x0  }
0x46: {  	s28 =	simm.s32 $0x1400;
	[sflag:s20] =	ssyncadd.s32 $0xFFFFC000  }
0x47: {  	[spmem:s1] =	stream.indirect.scatter.add.f32 [tilespmem:s15], [sflag:$0x3], $0x80, s28, s18, $0xb8;
	[tilespmem:$0x1E800] =	vst v63  }
0x48: {  	_ =	swait.ge [sflag:s21], $0x4000  }
0x49: {  	[sflag:s21] =	ssyncset.done $0x0  }
0x4a: {  	s28 =	simm.s32 $0x100;
	[sflag:s21] =	ssyncadd.s32 $0xFFFFC000  }
0x4b: {  	[tilespmem:s15], [sflag:$0x1] =	stream.indirect.gather [hbm4b:s4+s18], $0x80, s28, s18, $0xb8;
	[tilespmem:$0x1E800] =	vst v63  }
0x4c: {  	_ =	swait.ge [sflag:s22], $0x4000  }
0x4d: {  	[sflag:s22] =	ssyncset.done $0x0  }
0x4e: {  	s28 =	simm.s32 $0x1480;
	[sflag:s22] =	ssyncadd.s32 $0xFFFFC000  }
0x4f: {  	[spmem:s1] =	stream.indirect.scatter.add.f32 [tilespmem:s19], [sflag:$0x4], $0x80, s28, s18, $0xb8;
	[tilespmem:$0x1E800] =	vst v63  }
0x50: {  	_ =	swait.ge [sflag:s23], $0x4000  }
0x51: {  	[sflag:s23] =	ssyncset.done $0x0  }
0x52: {  	s29 =	simm.s32 $0x180;
	s28 =	simm.s32 $0x400;
	[sflag:s23] =	ssyncadd.s32 $0xFFFFC000  }
.LBB2_4:
0x53: {  	[tilespmem:s19], [sflag:$0x2] =	stream.indirect.gather [hbm4b:s4+s18], $0x80, s29, s18, $0xb8;
	[tilespmem:$0x1E800] =	vst v63  }
0x54: {  	s29 =	smov.u32 s28  }
0x55: {  	p0 =	sne.s32 s28, $0x4800;
	s28 =	sadd.s32 $0x400, s28;
	_ =	swait.ge [sflag:s20], $0x4000  }
0x56: {  	s29 =	sshra.s32 s29, $0x2;
	[sflag:s20] =	ssyncset.done $0x0  }
0x57: {  	s30 =	sadd.s32 $0x1400, s29;
	[sflag:s20] =	ssyncadd.s32 $0xFFFFC000  }
0x58: {  	[spmem:s1] =	stream.indirect.scatter.add.f32 [tilespmem:s15], [sflag:$0x3], $0x80, s30, s18, $0xb8;
	[tilespmem:$0x1E800] =	vst v63  }
0x59: {  	_ =	swait.ge [sflag:s21], $0x4000  }
0x5a: {  	[sflag:s21] =	ssyncset.done $0x0  }
0x5b: {  	s30 =	sadd.s32 $0x100, s29;
	[sflag:s21] =	ssyncadd.s32 $0xFFFFC000  }
0x5c: {  	[tilespmem:s15], [sflag:$0x1] =	stream.indirect.gather [hbm4b:s4+s18], $0x80, s30, s18, $0xb8;
	[tilespmem:$0x1E800] =	vst v63  }
0x5d: {  	_ =	swait.ge [sflag:s22], $0x4000  }
0x5e: {  	[sflag:s22] =	ssyncset.done $0x0  }
.Ltmp1:
0x5f: {  	s30 =	sadd.s32 $0x1480, s29;
	[sflag:s22] =	ssyncadd.s32 $0xFFFFC000;
	(pc) =	sbr.rel @p0 .LBB2_4-.Ltmp1, $4  }
0x60: {  	[spmem:s1] =	stream.indirect.scatter.add.f32 [tilespmem:s19], [sflag:$0x4], $0x80, s30, s18, $0xb8;
	[tilespmem:$0x1E800] =	vst v63  }
0x61: {  	_ =	swait.ge [sflag:s23], $0x4000  }
0x62: {  	[sflag:s23] =	ssyncset.done $0x0  }
0x63: {  	s29 =	sadd.s32 $0x180, s29;
	[sflag:s23] =	ssyncadd.s32 $0xFFFFC000  }
0x64: {  	[tilespmem:s19], [sflag:$0x2] =	stream.indirect.gather [hbm4b:s4+s18], $0x80, s29, s18, $0xb8;
	[tilespmem:$0x1E800] =	vst v63  }
0x65: {  	_ =	swait.ge [sflag:s20], $0x4000  }
0x66: {  	[sflag:s20] =	ssyncset.done $0x0  }
0x67: {  	[sflag:s20] =	ssyncadd.s32 $0xFFFFC000  }
0x68: {  	[spmem:s1] =	stream.indirect.scatter.add.f32 [tilespmem:s15], [sflag:$0x3], $0x80, s25, s18, $0xb8;
	[tilespmem:$0x1E800] =	vst v63  }
0x69: {  	_ =	swait.ge [sflag:s21], $0x4000  }
0x6a: {  	[sflag:s21] =	ssyncset.done $0x0  }
0x6b: {  	[sflag:s21] =	ssyncadd.s32 $0xFFFFC000  }
0x6c: {  	_ =	swait.ge [sflag:s22], $0x4000  }
0x6d: {  	[sflag:s22] =	ssyncset.done $0x0  }
0x6e: {  	[sflag:s22] =	ssyncadd.s32 $0xFFFFC000  }
0x6f: {  	[spmem:s1] =	stream.indirect.scatter.add.f32 [tilespmem:s19], [sflag:$0x4], $0x80, s26, s18, $0xb8;
	[tilespmem:$0x1E800] =	vst v63  }
0x70: {  	_ =	swait.ge [sflag:s23], $0x4000  }
0x71: {  	[sflag:s23] =	ssyncset.done $0x0  }
0x72: {  	s28 =	simm.s32 $0x0;
	[sflag:s23] =	ssyncadd.s32 $0xFFFFC000  }
0x73: {  	[tilespmem:s28], [sflag:$0x5] =	stream.linear.gather [hbm4b:s13+s28], $0x1400, $0x38;
	[tilespmem:$0x1E800] =	vst v63  }
0x74: {  	_ =	swait.ge [sflag:s16], $0x1400  }
0x75: {  	[sflag:s16] =	ssyncset.done $0x0  }
0x76: {  	[sflag:s16] =	ssyncadd.s32 $0xFFFFEC00  }
0x77: {  	[tilespmem:s17], [sflag:$0x5] =	stream.linear.gather [hbm4b:s14+s28], $0x1400, $0x38;
	[tilespmem:$0x1E800] =	vst v63  }
0x78: {  	_ =	swait.ge [sflag:s16], $0x1400  }
0x79: {  	[sflag:s16] =	ssyncset.done $0x0  }
0x7a: {  	[sflag:s16] =	ssyncadd.s32 $0xFFFFEC00  }
0x7b: {  	[tilespmem:s15], [sflag:$0x1] =	stream.indirect.gather [hbm4b:s4+s18], $0x80, s28, s18, $0xb8;
	[tilespmem:$0x1E800] =	vst v63  }
0x7c: {  	_ = 	snop  }
0x7d: {  	[tilespmem:s19], [sflag:$0x2] =	stream.indirect.gather [hbm4b:s4+s18], $0x80, s18, s18, $0xb8;
	[tilespmem:$0x1E800] =	vst v63  }
0x7e: {  	_ =	swait.ge [sflag:s20], $0x4000  }
0x7f: {  	[sflag:s20] =	ssyncset.done $0x0  }
0x80: {  	s28 =	simm.s32 $0x1400;
	[sflag:s20] =	ssyncadd.s32 $0xFFFFC000  }
0x81: {  	[spmem:s1] =	stream.indirect.scatter.add.f32 [tilespmem:s15], [sflag:$0x3], $0x80, s28, s18, $0xb8;
	[tilespmem:$0x1E800] =	vst v63  }
0x82: {  	_ =	swait.ge [sflag:s21], $0x4000  }
0x83: {  	[sflag:s21] =	ssyncset.done $0x0  }
0x84: {  	s28 =	simm.s32 $0x100;
	[sflag:s21] =	ssyncadd.s32 $0xFFFFC000  }
0x85: {  	[tilespmem:s15], [sflag:$0x1] =	stream.indirect.gather [hbm4b:s4+s18], $0x80, s28, s18, $0xb8;
	[tilespmem:$0x1E800] =	vst v63  }
0x86: {  	_ =	swait.ge [sflag:s22], $0x4000  }
0x87: {  	[sflag:s22] =	ssyncset.done $0x0  }
0x88: {  	s28 =	simm.s32 $0x1480;
	[sflag:s22] =	ssyncadd.s32 $0xFFFFC000  }
0x89: {  	[spmem:s1] =	stream.indirect.scatter.add.f32 [tilespmem:s19], [sflag:$0x4], $0x80, s28, s18, $0xb8;
	[tilespmem:$0x1E800] =	vst v63  }
0x8a: {  	_ =	swait.ge [sflag:s23], $0x4000  }
0x8b: {  	[sflag:s23] =	ssyncset.done $0x0  }
0x8c: {  	s29 =	simm.s32 $0x180;
	s28 =	simm.s32 $0x400;
	[sflag:s23] =	ssyncadd.s32 $0xFFFFC000  }
.LBB2_6:
0x8d: {  	[tilespmem:s19], [sflag:$0x2] =	stream.indirect.gather [hbm4b:s4+s18], $0x80, s29, s18, $0xb8;
	[tilespmem:$0x1E800] =	vst v63  }
0x8e: {  	s29 =	smov.u32 s28  }
0x8f: {  	p0 =	sne.s32 s28, $0x4800;
	s28 =	sadd.s32 $0x400, s28;
	_ =	swait.ge [sflag:s20], $0x4000  }
0x90: {  	s29 =	sshra.s32 s29, $0x2;
	[sflag:s20] =	ssyncset.done $0x0  }
0x91: {  	s30 =	sadd.s32 $0x1400, s29;
	[sflag:s20] =	ssyncadd.s32 $0xFFFFC000  }
0x92: {  	[spmem:s1] =	stream.indirect.scatter.add.f32 [tilespmem:s15], [sflag:$0x3], $0x80, s30, s18, $0xb8;
	[tilespmem:$0x1E800] =	vst v63  }
0x93: {  	_ =	swait.ge [sflag:s21], $0x4000  }
0x94: {  	[sflag:s21] =	ssyncset.done $0x0  }
0x95: {  	s30 =	sadd.s32 $0x100, s29;
	[sflag:s21] =	ssyncadd.s32 $0xFFFFC000  }
0x96: {  	[tilespmem:s15], [sflag:$0x1] =	stream.indirect.gather [hbm4b:s4+s18], $0x80, s30, s18, $0xb8;
	[tilespmem:$0x1E800] =	vst v63  }
0x97: {  	_ =	swait.ge [sflag:s22], $0x4000  }
0x98: {  	[sflag:s22] =	ssyncset.done $0x0  }
.Ltmp2:
0x99: {  	s30 =	sadd.s32 $0x1480, s29;
	[sflag:s22] =	ssyncadd.s32 $0xFFFFC000;
	(pc) =	sbr.rel @p0 .LBB2_6-.Ltmp2, $4  }
0x9a: {  	[spmem:s1] =	stream.indirect.scatter.add.f32 [tilespmem:s19], [sflag:$0x4], $0x80, s30, s18, $0xb8;
	[tilespmem:$0x1E800] =	vst v63  }
0x9b: {  	_ =	swait.ge [sflag:s23], $0x4000  }
0x9c: {  	[sflag:s23] =	ssyncset.done $0x0  }
0x9d: {  	s29 =	sadd.s32 $0x180, s29;
	[sflag:s23] =	ssyncadd.s32 $0xFFFFC000  }
0x9e: {  	[tilespmem:s19], [sflag:$0x2] =	stream.indirect.gather [hbm4b:s4+s18], $0x80, s29, s18, $0xb8;
	[tilespmem:$0x1E800] =	vst v63  }
0x9f: {  	_ =	swait.ge [sflag:s20], $0x4000  }
0xa0: {  	[sflag:s20] =	ssyncset.done $0x0  }
0xa1: {  	[sflag:s20] =	ssyncadd.s32 $0xFFFFC000  }
0xa2: {  	[spmem:s1] =	stream.indirect.scatter.add.f32 [tilespmem:s15], [sflag:$0x3], $0x80, s25, s18, $0xb8;
	[tilespmem:$0x1E800] =	vst v63  }
0xa3: {  	_ =	swait.ge [sflag:s21], $0x4000  }
0xa4: {  	[sflag:s21] =	ssyncset.done $0x0  }
0xa5: {  	[sflag:s21] =	ssyncadd.s32 $0xFFFFC000  }
0xa6: {  	_ =	swait.ge [sflag:s22], $0x4000  }
0xa7: {  	[sflag:s22] =	ssyncset.done $0x0  }
0xa8: {  	[sflag:s22] =	ssyncadd.s32 $0xFFFFC000  }
0xa9: {  	[spmem:s1] =	stream.indirect.scatter.add.f32 [tilespmem:s19], [sflag:$0x4], $0x80, s26, s18, $0xb8;
	[tilespmem:$0x1E800] =	vst v63  }
0xaa: {  	_ =	swait.ge [sflag:s23], $0x4000  }
0xab: {  	s28 =	sshll.u32 s3, $0x6;
	s2 =	sadd.s32 $0x1, s2;
	[sflag:s23] =	ssyncset.done $0x0  }
0xac: {  	s31 =	sshrl.u32 s5, $0x3;
	p0 =	sne.s32 s2, s10;
	[sflag:s23] =	ssyncadd.s32 $0xFFFFC000  }
.Ltmp3:
0xad: {  	s28 =	sor.u32 $0x1C05, s28;
	[bflag:$0x0] =	sbarrier.arrive $0xFFFF;
	(pc) =	sbr.rel @p0 .LBB2_1-.Ltmp3, $4  }
0xae: {  	[hbm:s24], [sflag:s28] =	dma.local [spmem:s31], $0x2800  }
0xaf: {  	_ =	swait.ge [sflag:s16], $0x2800  }
0xb0: {  	[sflag:s16] =	ssyncset.done $0x0  }
0xb1: {  	[sflag:s16] =	ssyncadd.s32 $0xFFFFD800  }
0xb2: {  	_ =	sfence.sel $0x180000  }
0xb3: {  	[bflag:$0x0] =	sbarrier.arrive $0xFFFF  }
0xb4: {  	p0 =	sne.s32 s3, $0x0;
	_ =	strace $0x9000004A  }
0xb5: {  	s0 =	sadd.s32 @!p0 $0x100000, s0;
	[bflag:$0x2] =	sbarrier.arrive $0xFFFF  }
0xb6: {  	[sflag:s0] =	ssyncadd.tile.s32 @!p0 $0x1;
	_ =	shalt  }
.Lfunc_end2:
_tile_overlayer_lowered:
.L_overlay_start_2:
0xb7: {  	(tag) =	ssettag $0x2  }
0xb8: {  	s0 =	rddreg [dreg:$0x0];
	s2 =	stileid.u32  }
0xb9: {  	s1 =	rddreg [dreg:$0x1];
	p0 =	sne.s32 s2, $0x0  }
0xba: {  	s3 =	rddreg [dreg:$0x2];
	[bflag:$0x3] =	sbarrier.arrive $0xFFFF;
	s2 =	simm.s32 @!p0 $0x1C05  }
0xbb: {  	[timem:s3], [sflag:s2] =	dma.local @!p0 [hbm:s0], s1  }
0xbc: {  	s0 =	simm.s32 @!p0 $0x5  }
0xbd: {  	_ =	swait.ge @!p0 [sflag:s0], s1  }
0xbe: {  	s1 =	ssub.s32 @!p0 $0x0, s1;
	[sflag:s0] =	ssyncset.done @!p0 $0x0  }
0xbf: {  	[sflag:s0] =	ssyncadd.s32 @!p0 s1  }
0xc0: {  	[bflag:$0x3] =	sbarrier.arrive $0xFFFF  }
0xc1: {  	_ =	shalt  }

// kernel: kernel.15.cloned.1.call-start
scs
__scs_entry_jumppad:
0x0: {  	(pc) =	sbr.rel $0x88, $3  }
0x1: {  	(tag) =	ssettag $0x0;
	lr =	simm.s32 $0x1  }
0x2: {  	[smem:$0x3F9A] =	sst lr;
	_ =	strace $0xD0000000  }
0x3: {  	_ = 	snop  }
0x4: {  	_ = 	snop  }
0x5: {  	_ = 	snop  }
0x6: {  	_ = 	snop  }
0x7: {  	_ = 	snop  }
__scs_overlays_trampoline_lowered:
0x8: {  	[smem:$0x3FA9] =	sst s0  }
0x9: {  	[smem:$0x3FAA] =	sst s1  }
0xa: {  	[smem:$0x3FAB] =	sst s2  }
0xb: {  	[smem:$0x3FAC] =	sst s3  }
0xc: {  	[smem:$0x3FAD] =	sst s4  }
0xd: {  	[smem:$0x3FAE] =	sst s5  }
0xe: {  	[smem:$0x3FAF] =	sst s6  }
0xf: {  	[smem:$0x3FB0] =	sst s7  }
0x10: {  	[smem:$0x3FB1] =	sst s8  }
0x11: {  	[smem:$0x3FB2] =	sst s9;
	s0 =	simm.s32 @!p0 $0x0  }
0x12: {  	s1 =	sld [smem:$0x3F98];
	s0 =	simm.s32 @p0 $0x1  }
0x13: {  	[smem:$0x3FB3] =	sst s0;
	s0 =	simm.s32 @!p1 $0x0  }
0x14: {  	s2 =	sld [smem:$0x3F97];
	s0 =	simm.s32 @p1 $0x1  }
0x15: {  	[smem:$0x3FB4] =	sst s0;
	s0 =	simm.s32 @!p2 $0x0  }
0x16: {  	s3 =	sld [smem:$0x3FDB];
	s0 =	simm.s32 @p2 $0x1  }
0x17: {  	s4 =	simm.s32 $0x1BF5;
	[smem:$0x3FB6] =	sst s0  }
0x18: {  	s0 =	sld [smem:$0x3F99];
	_ =	swait.ge [sflag:s4], $0x0  }
0x19: {  	s7 =	sld [smem:$0x3F9A]  }
0x1a: {  	s8 =	sadd.s32 $0xFFFFE003, lr  }
0x1b: {  	s9 =	sadd.s32 $0xFFFFFEF7, lr;
	s5 =	simm.s32 $0xFFFFFFFF;
	p2 =	slt.u32 s8, $0xFFFFF086  }
0x1c: {  	p1 =	slt.u32 s9, $0xF7A;
	s5 =	simm.s32 @!p2 $0x0  }
0x1d: {  	s5 =	simm.s32 @p1 $0x1;
	p0 =	seq.s32 s7, s2  }
0x1e: {  	s7 =	smul.u32 @!p0 $0xF7A, s2;
	p2 =	seq.s32 @!p0 s5, $0x0  }
0x1f: {  	s9 =	smul.u32 $0xF7A, s1;
	s8 =	simm.s32 @!p0 $0x1BF5;
	p2 =	por !p2, p0  }
0x20: {  	[sflag:s8] =	ssyncset.s32 @!p0 $0xFFFFF086;
	s6 =	sadd.s32 @!p0 s3, s7;
	s7 =	simm.s32 @!p0 $0x108  }
0x21: {  	s3 =	sadd.s32 s3, s9;
	s6 =	sadd.s32 @!p0 $0x88, s6;
	s7 =	simm.s32 @p2 $0x1082  }
0x22: {  	[simem:s7], [sflag:s8] =	dma.local @!p0 [hbm:s6], $0xF7A  }
0x23: {  	s9 =	sor.u32 $0xD0000000, s2;
	s6 =	simm.s32 $0x108;
	_ =	swait.ge @!p0 [sflag:s8], $0x0  }
0x24: {  	s3 =	sadd.s32 $0x88, s3;
	s6 =	simm.s32 @!p1 $0x1082;
	[sflag:s4] =	ssyncset.s32 $0xFFFFF086  }
0x25: {  	[simem:s6], [sflag:s4] =	dma.local [hbm:s3], $0xF7A  }
0x26: {  	[smem:$0x3F9A] =	sst s1;
	(tag) =	ssettag s2;
	_ =	strace s9  }
0x27: {  	s1 =	sld [smem:$0x3FAA]  }
0x28: {  	s2 =	sld [smem:$0x3FAB]  }
0x29: {  	s4 =	sld [smem:$0x3FAD]  }
0x2a: {  	p0 =	seq.s32 s5, $0x0;
	s5 =	sld [smem:$0x3FAE]  }
0x2b: {  	s6 =	sld [smem:$0x3FAF]  }
0x2c: {  	s7 =	sld [smem:$0x3FB0]  }
0x2d: {  	s3 =	simm.s32 $0x108;
	s8 =	sld [smem:$0x3FB1]  }
0x2e: {  	s3 =	simm.s32 @!p0 $0x1082;
	s9 =	sld [smem:$0x3FB2]  }
0x2f: {  	lr =	sadd.s32 s0, s3;
	s0 =	sld [smem:$0x3FA9]  }
0x30: {  	s3 =	sld [smem:$0x3FAC]  }
0x31: {  	[smem:$0x3FB5] =	sst s10  }
0x32: {  	s10 =	sld [smem:$0x3FB3];
	_ =	sdelay $0x3  }
0x33: {  	p0 =	seq.s32 s10, $0x1;
	s10 =	sld [smem:$0x3FB5];
	_ =	sdelay $0x3  }
0x34: {  	[smem:$0x3FB5] =	sst s10  }
0x35: {  	s10 =	sld [smem:$0x3FB4];
	_ =	sdelay $0x3  }
0x36: {  	p1 =	seq.s32 s10, $0x1;
	s10 =	sld [smem:$0x3FB5];
	_ =	sdelay $0x3  }
0x37: {  	[smem:$0x3FB5] =	sst s10  }
0x38: {  	s10 =	sld [smem:$0x3FB6]  }
0x39: {  	_ = 	snop;
	(pc) =	sbr.ind lr, $3  }
0x3a: {  	_ = 	snop  }
0x3b: {  	_ = 	snop  }
0x3c: {  	p2 =	seq.s32 s10, $0x1;
	s10 =	sld [smem:$0x3FB5]  }
0x3d: {  	_ =	shalt  }
0x3e: {  	_ =	shalt  }
0x3f: {  	_ =	shalt  }
0x40: {  	_ =	shalt  }
0x41: {  	_ =	shalt  }
0x42: {  	_ =	shalt  }
0x43: {  	_ =	shalt  }
0x44: {  	_ =	shalt  }
0x45: {  	_ =	shalt  }
0x46: {  	_ =	shalt  }
0x47: {  	_ =	shalt  }
0x48: {  	_ =	shalt  }
0x49: {  	_ =	shalt  }
0x4a: {  	_ =	shalt  }
0x4b: {  	_ =	shalt  }
0x4c: {  	_ =	shalt  }
0x4d: {  	_ =	shalt  }
0x4e: {  	_ =	shalt  }
0x4f: {  	_ =	shalt  }
0x50: {  	_ =	shalt  }
0x51: {  	_ =	shalt  }
0x52: {  	_ =	shalt  }
0x53: {  	_ =	shalt  }
0x54: {  	_ =	shalt  }
0x55: {  	_ =	shalt  }
0x56: {  	_ =	shalt  }
0x57: {  	_ =	shalt  }
0x58: {  	_ =	shalt  }
0x59: {  	_ =	shalt  }
0x5a: {  	_ =	shalt  }
0x5b: {  	_ =	shalt  }
0x5c: {  	_ =	shalt  }
0x5d: {  	_ =	shalt  }
0x5e: {  	_ =	shalt  }
0x5f: {  	_ =	shalt  }
0x60: {  	_ =	shalt  }
0x61: {  	_ =	shalt  }
0x62: {  	_ =	shalt  }
0x63: {  	_ =	shalt  }
0x64: {  	_ =	shalt  }
0x65: {  	_ =	shalt  }
0x66: {  	_ =	shalt  }
0x67: {  	_ =	shalt  }
0x68: {  	_ =	shalt  }
0x69: {  	_ =	shalt  }
0x6a: {  	_ =	shalt  }
0x6b: {  	_ =	shalt  }
0x6c: {  	_ =	shalt  }
0x6d: {  	_ =	shalt  }
0x6e: {  	_ =	shalt  }
0x6f: {  	_ =	shalt  }
0x70: {  	_ =	shalt  }
0x71: {  	_ =	shalt  }
0x72: {  	_ =	shalt  }
0x73: {  	_ =	shalt  }
0x74: {  	_ =	shalt  }
0x75: {  	_ =	shalt  }
0x76: {  	_ =	shalt  }
0x77: {  	_ =	shalt  }
0x78: {  	_ =	shalt  }
0x79: {  	_ =	shalt  }
0x7a: {  	_ =	shalt  }
0x7b: {  	_ =	shalt  }
0x7c: {  	_ =	shalt  }
0x7d: {  	_ =	shalt  }
0x7e: {  	_ =	shalt  }
0x7f: {  	_ =	shalt  }
0x80: {  	_ =	shalt  }
0x81: {  	_ =	shalt  }
0x82: {  	_ =	shalt  }
0x83: {  	_ =	shalt  }
0x84: {  	_ =	shalt  }
0x85: {  	_ =	shalt  }
0x86: {  	_ =	shalt  }
0x87: {  	_ =	shalt  }
.Lfunc_end0:
.L_simem_size_0:
called_computation.2_lowered:
.L_overlay_start_0:
0x88: {  	s2 =	sld [smem:$0x3FD9]  }
0x89: {  	s3 =	sld [smem:$0x3FFE];
	_ =	sdelay $0x1  }
0x8a: {  	s1 =	srdreg.scid  }
0x8b: {  	s0 =	sand.u32 $0x1, s1  }
0x8c: {  	s17 =	sshll.u32 s0, $0xA;
	s2 =	sadd.s32 s3, s2  }
0x8d: {  	s2 =	sadd.s32 s2, s17  }
0x8e: {  	[smem:$0x3FC1] =	sst s2  }
0x8f: {  	_ = 	snop  }
0x90: {  	s2 =	sld [smem:$0x3FD0];
	(tm) =	ssettm $0x1  }
0x91: {  	s18 =	sld [smem:$0x3FFB];
	_ =	sdelay $0x3  }
0x92: {  	_ =	strace s18  }
0x93: {  	s3 =	sld [smem:$0x3FFC];
	_ =	sdelay $0x3  }
0x94: {  	_ =	strace s3  }
0x95: {  	s3 =	sld [smem:$0x3FFD];
	_ =	sdelay $0x3  }
0x96: {  	_ =	strace s3  }
0x97: {  	_ =	strace $0x8FFFFFFF  }
0x98: {  	s19 =	sld [smem:$0x3FDB];
	_ =	sdelay $0x1  }
0x99: {  	s4 =	simm.s32 $_scs_section_size  }
0x9a: {  	s5 =	simm.s32 $_size__tile_overlayer_lowered;
	s6 =	simm.s32 $_tile_overlayer_lowered  }
0x9b: {  	s22 =	simm.s32 $0x1BFF;
	s21 =	sshll.u32 s6, $0x1;
	s3 =	sadd.s32 s4, s19  }
0x9c: {  	s7 =	simm.s32 $0x0;
	s20 =	sshll.u32 s5, $0x1;
	s5 =	sadd.s32 s21, s3  }
0x9d: {  	[timem:s7], [sflag:s22] =	dma.local [hbm:s5], s20  }
0x9e: {  	_ =	swait.ge [sflag:s22], s20  }
0x9f: {  	s4 =	ssub.s32 $0x0, s20;
	[sflag:s22] =	ssyncset.done $0x0  }
0xa0: {  	[sflag:s22] =	ssyncadd.s32 s4;
	_ =	sdelay $0x1  }
0xa1: {  	s23 =	simm.s32 $0x1B8B  }
0xa2: {  	_ =	swait.ge [sflag:s23], $0x1  }
0xa3: {  	[sflag:s23] =	ssyncset.done $0x0  }
0xa4: {  	s25 =	simm.s32 $0x1B8E;
	s24 =	sld [smem:$0x3FFE];
	[sflag:s23] =	ssyncadd.s32 $0xFFFFFFFF  }
0xa5: {  	s26 =	simm.s32 $execute0_lowered;
	[smem:$0x3FD2] =	sst s25  }
0xa6: {  	s5 =	sshll.u32 s26, $0x1;
	_ =	strace $0x8000004C;
	[dreg:$0x1] =	wrdreg $0xFFFFFFFF  }
0xa7: {  	s28 =	simm.s32 $_size_execute0_lowered;
	s3 =	sadd.s32 s3, s5;
	[dreg:$0x0] =	wrdreg $0x0  }
0xa8: {  	s5 =	sshll.u32 s28, $0x1;
	[dreg:$0x2] =	wrdreg s3  }
0xa9: {  	[dreg:$0x3] =	wrdreg s5  }
0xaa: {  	[dreg:$0x4] =	wrdreg $0xC0  }
0xab: {  	_ =	task [dreg:s7], $0x5FFFF  }
0xac: {  	[dreg:$0x1] =	wrdreg $0xFFFFFFFF  }
0xad: {  	[dreg:$0x0] =	wrdreg $0x60  }
0xae: {  	[dreg:$0x2] =	wrdreg s24  }
0xaf: {  	[dreg:$0x3] =	wrdreg s2  }
0xb0: {  	[dreg:$0x4] =	wrdreg $0xA8000  }
0xb1: {  	[dreg:$0x5] =	wrdreg $0x9  }
0xb2: {  	_ =	task.clear_ibuf [dreg:s7], $0x6FFFF;
	_ =	strace $0x9000004C  }
0xb3: {  	s29 =	simm.s32 $0x9;
	_ =	strace $0x8000004E  }
0xb4: {  	_ =	swait.ge [sflag:s29], $0x1  }
0xb5: {  	[sflag:s29] =	ssyncadd.s32 $0xFFFFFFFF  }
0xb6: {  	_ =	strace $0x9000004E  }
0xb7: {  	_ =	sfence  }
0xb8: {  	s30 =	sld [smem:$0x0];
	_ =	sdelay $0x2  }
0xb9: {  	s31 =	sshll.u32 s1, $0xD;
	s1 =	sshrl.u32 s1, $0x2  }
0xba: {  	s3 =	sand.u32 $0x4000, s31;
	s1 =	sadd.s32 s1, s30  }
0xbb: {  	s0 =	sor.u32 s3, s0;
	s1 =	sshll.u32 s1, $0x11  }
0xbc: {  	s0 =	sor.u32 s1, s0  }
0xbd: {  	s0 =	sadd.s32 $0x8F2B, s0  }
0xbe: {  	[sflag:s0] =	ssyncadd.remote.s32 $0x1  }
0xbf: {  	_ =	sfence.sel $0xFFFF  }
0xc0: {  	[dreg:$0x0] =	wrdreg $0xFFFFFFFF;
	(pc) =	sbr.abs _section_cstart, $3  }
0xc1: {  	[dreg:$0x1] =	wrdreg $0xFFFFFFFF  }
0xc2: {  	_ =	task.clear_ibuf [dreg:s7], $0x2FFFF;
	_ =	strace $0x9FFFFFFF  }
0xc3: {  	(tm) =	ssettm $0x7FFFFFFF  }
tec
execute0_lowered:
.L_overlay_start_1:
0x0: {  	(tag) =	ssettag $0x1  }
0x1: {  	s5 =	rddreg [dreg:$0x0]  }
0x2: {  	s13 =	rddreg [dreg:$0x1]  }
0x3: {  	s1 =	rddreg [dreg:$0x2]  }
0x4: {  	s0 =	rddreg [dreg:$0x3];
	s2 =	simm.s32 $0x0;
	s3 =	srdreg.scid  }
0x5: {  	s17 =	simm.s32 $0x1400;
	s18 =	simm.s32 $0x80;
	s19 =	simm.s32 $0x6800  }
0x6: {  	s20 =	simm.s32 $0x1;
	s21 =	simm.s32 $0x3;
	s22 =	simm.s32 $0x2  }
0x7: {  	s23 =	simm.s32 $0x4;
	[smem:$0x7FF] =	sst s2;
	s10 =	sand.u32 $0x1, s3  }
0x8: {  	s26 =	simm.s32 $0x2780;
	s3 =	stileid.u32;
	s6 =	smul.u32 $0x28000, s10  }
0x9: {  	s4 =	sadd.s32 $0xBE00, s5;
	s14 =	sadd.s32 $0x1E00, s5;
	s7 =	smul.u32 $0x50000, s3  }
0xa: {  	_ =	strace $0x8000004D;
	s8 =	ssub.s32 $0x2, s10;
	s15 =	smul.u32 $0x500, s3  }
0xb: {  	p0 =	seq.s32 s10, $0x0;
	s25 =	smul.u32 $0x2800, s3;
	s30 =	sshrl.u32 s8, $0x1  }
0xc: {  	s11 =	sadd.s32 s6, s5;
	s31 =	sshrl.u32 s7, $0x2;
	s12 =	ssub.s32 s8, s30  }
0xd: {  	s16 =	sadd.s32 $0x5000, s15;
	s5 =	sadd.s32 s31, s1;
	s24 =	sadd.s32 $0x33E00, s11  }
0xe: {  	s16 =	smov.u32 @p0 s15;
	s10 =	smax.u32 s12, $0x1;
	s6 =	sadd.s32 $0x4000, s5  }
0xf: {  	s7 =	sadd.s32 $0x8000, s5;
	s8 =	sadd.s32 $0xC000, s5;
	s9 =	sadd.s32 $0x10000, s5  }
0x10: {  	s11 =	sadd.s32 s13, s16;
	s15 =	sadd.s32 $0x280, s16;
	s12 =	sadd.s32 s14, s16  }
0x11: {  	s16 =	simm.s32 $0x5;
	s24 =	sadd.s32 s25, s24;
	s25 =	simm.s32 $0x2700  }
0x12: {  	v0 =	vimm.f32 $0.0e+00;
	s13 =	sadd.s32 s13, s15;
	s14 =	sadd.s32 s14, s15;
	s15 =	simm.s32 $0x2800  }
.LBB2_1:
0x13: {  	s28 =	simm.s32 $0x0;
	s29 =	simm.s32 $0x200  }
.LBB2_2:
0x14: {  	p0 =	sne.s32 s29, $0xFE00;
	[tilespmem:s28+$0x2870] =	vst v0  }
0x15: {  	[tilespmem:s28+$0x2800] =	vst v0  }
0x16: {  	[tilespmem:s28+$0x2810] =	vst v0  }
.Ltmp0:
0x17: {  	[tilespmem:s28+$0x2820] =	vst v0;
	(pc) =	sbr.rel @p0 .LBB2_2-.Ltmp0, $4  }
0x18: {  	[tilespmem:s28+$0x2830] =	vst v0  }
0x19: {  	[tilespmem:s28+$0x2840] =	vst v0  }
0x1a: {  	[tilespmem:s28+$0x2850] =	vst v0  }
0x1b: {  	[tilespmem:s28+$0x2860] =	vst v0;
	s28 =	sshra.s32 s29, $0x2;
	s29 =	sadd.s32 $0x200, s29  }
0x1c: {  	[tilespmem:s28+$0x2870] =	vst v0  }
0x1d: {  	[tilespmem:s28+$0x2800] =	vst v0  }
0x1e: {  	[tilespmem:s28+$0x2810] =	vst v0  }
0x1f: {  	[tilespmem:s28+$0x2820] =	vst v0  }
0x20: {  	[tilespmem:s28+$0x2830] =	vst v0  }
0x21: {  	[tilespmem:s28+$0x2840] =	vst v0  }
0x22: {  	[tilespmem:s28+$0x2850] =	vst v0  }
0x23: {  	[tilespmem:s28+$0x2860] =	vst v0  }
0x24: {  	[spmem:s5] =	stream.linear.scatter [tilespmem:s15], [sflag:$0x5], $0x4000, $0x38;
	[tilespmem:$0x1E800] =	vst v63  }
0x25: {  	_ =	swait.ge [sflag:s16], $0x4000  }
0x26: {  	[sflag:s16] =	ssyncset.done $0x0  }
0x27: {  	[sflag:s16] =	ssyncadd.s32 $0xFFFFC000  }
0x28: {  	[spmem:s6] =	stream.linear.scatter [tilespmem:s15], [sflag:$0x5], $0x4000, $0x38;
	[tilespmem:$0x1E800] =	vst v63  }
0x29: {  	_ =	swait.ge [sflag:s16], $0x4000  }
0x2a: {  	[sflag:s16] =	ssyncset.done $0x0  }
0x2b: {  	[sflag:s16] =	ssyncadd.s32 $0xFFFFC000  }
0x2c: {  	[spmem:s7] =	stream.linear.scatter [tilespmem:s15], [sflag:$0x5], $0x4000, $0x38;
	[tilespmem:$0x1E800] =	vst v63  }
0x2d: {  	_ =	swait.ge [sflag:s16], $0x4000  }
0x2e: {  	[sflag:s16] =	ssyncset.done $0x0  }
0x2f: {  	[sflag:s16] =	ssyncadd.s32 $0xFFFFC000  }
0x30: {  	[spmem:s8] =	stream.linear.scatter [tilespmem:s15], [sflag:$0x5], $0x4000, $0x38;
	[tilespmem:$0x1E800] =	vst v63  }
0x31: {  	_ =	swait.ge [sflag:s16], $0x4000  }
0x32: {  	[sflag:s16] =	ssyncset.done $0x0  }
0x33: {  	[sflag:s16] =	ssyncadd.s32 $0xFFFFC000  }
0x34: {  	[spmem:s9] =	stream.linear.scatter [tilespmem:s15], [sflag:$0x5], $0x4000, $0x38;
	[tilespmem:$0x1E800] =	vst v63  }
0x35: {  	_ =	swait.ge [sflag:s16], $0x4000  }
0x36: {  	[sflag:s16] =	ssyncset.done $0x0  }
0x37: {  	[sflag:s16] =	ssyncadd.s32 $0xFFFFC000  }
0x38: {  	s28 =	simm.s32 $0x0;
	[bflag:$0x0] =	sbarrier.arrive $0xFFFF  }
0x39: {  	[tilespmem:s28], [sflag:$0x5] =	stream.linear.gather [hbm4b:s11+s28], $0x1400, $0x38;
	[tilespmem:$0x1E800] =	vst v63  }
0x3a: {  	_ =	swait.ge [sflag:s16], $0x1400  }
0x3b: {  	[sflag:s16] =	ssyncset.done $0x0  }
0x3c: {  	[sflag:s16] =	ssyncadd.s32 $0xFFFFEC00  }
0x3d: {  	[tilespmem:s17], [sflag:$0x5] =	stream.linear.gather [hbm4b:s12+s28], $0x1400, $0x38;
	[tilespmem:$0x1E800] =	vst v63  }
0x3e: {  	_ =	swait.ge [sflag:s16], $0x1400  }
0x3f: {  	[sflag:s16] =	ssyncset.done $0x0  }
0x40: {  	[sflag:s16] =	ssyncadd.s32 $0xFFFFEC00  }
0x41: {  	[tilespmem:s15], [sflag:$0x1] =	stream.indirect.gather [hbm4b:s4+s18], $0x80, s28, s18, $0xb8;
	[tilespmem:$0x1E800] =	vst v63  }
0x42: {  	_ = 	snop  }
0x43: {  	[tilespmem:s19], [sflag:$0x2] =	stream.indirect.gather [hbm4b:s4+s18], $0x80, s18, s18, $0xb8;
	[tilespmem:$0x1E800] =	vst v63  }
0x44: {  	_ =	swait.ge [sflag:s20], $0x4000  }
0x45: {  	[sflag:s20] =	ssyncset.done $0x0  }
0x46: {  	s28 =	simm.s32 $0x1400;
	[sflag:s20] =	ssyncadd.s32 $0xFFFFC000  }
0x47: {  	[spmem:s1] =	stream.indirect.scatter.add.f32 [tilespmem:s15], [sflag:$0x3], $0x80, s28, s18, $0xb8;
	[tilespmem:$0x1E800] =	vst v63  }
0x48: {  	_ =	swait.ge [sflag:s21], $0x4000  }
0x49: {  	[sflag:s21] =	ssyncset.done $0x0  }
0x4a: {  	s28 =	simm.s32 $0x100;
	[sflag:s21] =	ssyncadd.s32 $0xFFFFC000  }
0x4b: {  	[tilespmem:s15], [sflag:$0x1] =	stream.indirect.gather [hbm4b:s4+s18], $0x80, s28, s18, $0xb8;
	[tilespmem:$0x1E800] =	vst v63  }
0x4c: {  	_ =	swait.ge [sflag:s22], $0x4000  }
0x4d: {  	[sflag:s22] =	ssyncset.done $0x0  }
0x4e: {  	s28 =	simm.s32 $0x1480;
	[sflag:s22] =	ssyncadd.s32 $0xFFFFC000  }
0x4f: {  	[spmem:s1] =	stream.indirect.scatter.add.f32 [tilespmem:s19], [sflag:$0x4], $0x80, s28, s18, $0xb8;
	[tilespmem:$0x1E800] =	vst v63  }
0x50: {  	_ =	swait.ge [sflag:s23], $0x4000  }
0x51: {  	[sflag:s23] =	ssyncset.done $0x0  }
0x52: {  	s29 =	simm.s32 $0x180;
	s28 =	simm.s32 $0x400;
	[sflag:s23] =	ssyncadd.s32 $0xFFFFC000  }
.LBB2_4:
0x53: {  	[tilespmem:s19], [sflag:$0x2] =	stream.indirect.gather [hbm4b:s4+s18], $0x80, s29, s18, $0xb8;
	[tilespmem:$0x1E800] =	vst v63  }
0x54: {  	s29 =	smov.u32 s28  }
0x55: {  	p0 =	sne.s32 s28, $0x4800;
	s28 =	sadd.s32 $0x400, s28;
	_ =	swait.ge [sflag:s20], $0x4000  }
0x56: {  	s29 =	sshra.s32 s29, $0x2;
	[sflag:s20] =	ssyncset.done $0x0  }
0x57: {  	s30 =	sadd.s32 $0x1400, s29;
	[sflag:s20] =	ssyncadd.s32 $0xFFFFC000  }
0x58: {  	[spmem:s1] =	stream.indirect.scatter.add.f32 [tilespmem:s15], [sflag:$0x3], $0x80, s30, s18, $0xb8;
	[tilespmem:$0x1E800] =	vst v63  }
0x59: {  	_ =	swait.ge [sflag:s21], $0x4000  }
0x5a: {  	[sflag:s21] =	ssyncset.done $0x0  }
0x5b: {  	s30 =	sadd.s32 $0x100, s29;
	[sflag:s21] =	ssyncadd.s32 $0xFFFFC000  }
0x5c: {  	[tilespmem:s15], [sflag:$0x1] =	stream.indirect.gather [hbm4b:s4+s18], $0x80, s30, s18, $0xb8;
	[tilespmem:$0x1E800] =	vst v63  }
0x5d: {  	_ =	swait.ge [sflag:s22], $0x4000  }
0x5e: {  	[sflag:s22] =	ssyncset.done $0x0  }
.Ltmp1:
0x5f: {  	s30 =	sadd.s32 $0x1480, s29;
	[sflag:s22] =	ssyncadd.s32 $0xFFFFC000;
	(pc) =	sbr.rel @p0 .LBB2_4-.Ltmp1, $4  }
0x60: {  	[spmem:s1] =	stream.indirect.scatter.add.f32 [tilespmem:s19], [sflag:$0x4], $0x80, s30, s18, $0xb8;
	[tilespmem:$0x1E800] =	vst v63  }
0x61: {  	_ =	swait.ge [sflag:s23], $0x4000  }
0x62: {  	[sflag:s23] =	ssyncset.done $0x0  }
0x63: {  	s29 =	sadd.s32 $0x180, s29;
	[sflag:s23] =	ssyncadd.s32 $0xFFFFC000  }
0x64: {  	[tilespmem:s19], [sflag:$0x2] =	stream.indirect.gather [hbm4b:s4+s18], $0x80, s29, s18, $0xb8;
	[tilespmem:$0x1E800] =	vst v63  }
0x65: {  	_ =	swait.ge [sflag:s20], $0x4000  }
0x66: {  	[sflag:s20] =	ssyncset.done $0x0  }
0x67: {  	[sflag:s20] =	ssyncadd.s32 $0xFFFFC000  }
0x68: {  	[spmem:s1] =	stream.indirect.scatter.add.f32 [tilespmem:s15], [sflag:$0x3], $0x80, s25, s18, $0xb8;
	[tilespmem:$0x1E800] =	vst v63  }
0x69: {  	_ =	swait.ge [sflag:s21], $0x4000  }
0x6a: {  	[sflag:s21] =	ssyncset.done $0x0  }
0x6b: {  	[sflag:s21] =	ssyncadd.s32 $0xFFFFC000  }
0x6c: {  	_ =	swait.ge [sflag:s22], $0x4000  }
0x6d: {  	[sflag:s22] =	ssyncset.done $0x0  }
0x6e: {  	[sflag:s22] =	ssyncadd.s32 $0xFFFFC000  }
0x6f: {  	[spmem:s1] =	stream.indirect.scatter.add.f32 [tilespmem:s19], [sflag:$0x4], $0x80, s26, s18, $0xb8;
	[tilespmem:$0x1E800] =	vst v63  }
0x70: {  	_ =	swait.ge [sflag:s23], $0x4000  }
0x71: {  	[sflag:s23] =	ssyncset.done $0x0  }
0x72: {  	s28 =	simm.s32 $0x0;
	[sflag:s23] =	ssyncadd.s32 $0xFFFFC000  }
0x73: {  	[tilespmem:s28], [sflag:$0x5] =	stream.linear.gather [hbm4b:s13+s28], $0x1400, $0x38;
	[tilespmem:$0x1E800] =	vst v63  }
0x74: {  	_ =	swait.ge [sflag:s16], $0x1400  }
0x75: {  	[sflag:s16] =	ssyncset.done $0x0  }
0x76: {  	[sflag:s16] =	ssyncadd.s32 $0xFFFFEC00  }
0x77: {  	[tilespmem:s17], [sflag:$0x5] =	stream.linear.gather [hbm4b:s14+s28], $0x1400, $0x38;
	[tilespmem:$0x1E800] =	vst v63  }
0x78: {  	_ =	swait.ge [sflag:s16], $0x1400  }
0x79: {  	[sflag:s16] =	ssyncset.done $0x0  }
0x7a: {  	[sflag:s16] =	ssyncadd.s32 $0xFFFFEC00  }
0x7b: {  	[tilespmem:s15], [sflag:$0x1] =	stream.indirect.gather [hbm4b:s4+s18], $0x80, s28, s18, $0xb8;
	[tilespmem:$0x1E800] =	vst v63  }
0x7c: {  	_ = 	snop  }
0x7d: {  	[tilespmem:s19], [sflag:$0x2] =	stream.indirect.gather [hbm4b:s4+s18], $0x80, s18, s18, $0xb8;
	[tilespmem:$0x1E800] =	vst v63  }
0x7e: {  	_ =	swait.ge [sflag:s20], $0x4000  }
0x7f: {  	[sflag:s20] =	ssyncset.done $0x0  }
0x80: {  	s28 =	simm.s32 $0x1400;
	[sflag:s20] =	ssyncadd.s32 $0xFFFFC000  }
0x81: {  	[spmem:s1] =	stream.indirect.scatter.add.f32 [tilespmem:s15], [sflag:$0x3], $0x80, s28, s18, $0xb8;
	[tilespmem:$0x1E800] =	vst v63  }
0x82: {  	_ =	swait.ge [sflag:s21], $0x4000  }
0x83: {  	[sflag:s21] =	ssyncset.done $0x0  }
0x84: {  	s28 =	simm.s32 $0x100;
	[sflag:s21] =	ssyncadd.s32 $0xFFFFC000  }
0x85: {  	[tilespmem:s15], [sflag:$0x1] =	stream.indirect.gather [hbm4b:s4+s18], $0x80, s28, s18, $0xb8;
	[tilespmem:$0x1E800] =	vst v63  }
0x86: {  	_ =	swait.ge [sflag:s22], $0x4000  }
0x87: {  	[sflag:s22] =	ssyncset.done $0x0  }
0x88: {  	s28 =	simm.s32 $0x1480;
	[sflag:s22] =	ssyncadd.s32 $0xFFFFC000  }
0x89: {  	[spmem:s1] =	stream.indirect.scatter.add.f32 [tilespmem:s19], [sflag:$0x4], $0x80, s28, s18, $0xb8;
	[tilespmem:$0x1E800] =	vst v63  }
0x8a: {  	_ =	swait.ge [sflag:s23], $0x4000  }
0x8b: {  	[sflag:s23] =	ssyncset.done $0x0  }
0x8c: {  	s29 =	simm.s32 $0x180;
	s28 =	simm.s32 $0x400;
	[sflag:s23] =	ssyncadd.s32 $0xFFFFC000  }
.LBB2_6:
0x8d: {  	[tilespmem:s19], [sflag:$0x2] =	stream.indirect.gather [hbm4b:s4+s18], $0x80, s29, s18, $0xb8;
	[tilespmem:$0x1E800] =	vst v63  }
0x8e: {  	s29 =	smov.u32 s28  }
0x8f: {  	p0 =	sne.s32 s28, $0x4800;
	s28 =	sadd.s32 $0x400, s28;
	_ =	swait.ge [sflag:s20], $0x4000  }
0x90: {  	s29 =	sshra.s32 s29, $0x2;
	[sflag:s20] =	ssyncset.done $0x0  }
0x91: {  	s30 =	sadd.s32 $0x1400, s29;
	[sflag:s20] =	ssyncadd.s32 $0xFFFFC000  }
0x92: {  	[spmem:s1] =	stream.indirect.scatter.add.f32 [tilespmem:s15], [sflag:$0x3], $0x80, s30, s18, $0xb8;
	[tilespmem:$0x1E800] =	vst v63  }
0x93: {  	_ =	swait.ge [sflag:s21], $0x4000  }
0x94: {  	[sflag:s21] =	ssyncset.done $0x0  }
0x95: {  	s30 =	sadd.s32 $0x100, s29;
	[sflag:s21] =	ssyncadd.s32 $0xFFFFC000  }
0x96: {  	[tilespmem:s15], [sflag:$0x1] =	stream.indirect.gather [hbm4b:s4+s18], $0x80, s30, s18, $0xb8;
	[tilespmem:$0x1E800] =	vst v63  }
0x97: {  	_ =	swait.ge [sflag:s22], $0x4000  }
0x98: {  	[sflag:s22] =	ssyncset.done $0x0  }
.Ltmp2:
0x99: {  	s30 =	sadd.s32 $0x1480, s29;
	[sflag:s22] =	ssyncadd.s32 $0xFFFFC000;
	(pc) =	sbr.rel @p0 .LBB2_6-.Ltmp2, $4  }
0x9a: {  	[spmem:s1] =	stream.indirect.scatter.add.f32 [tilespmem:s19], [sflag:$0x4], $0x80, s30, s18, $0xb8;
	[tilespmem:$0x1E800] =	vst v63  }
0x9b: {  	_ =	swait.ge [sflag:s23], $0x4000  }
0x9c: {  	[sflag:s23] =	ssyncset.done $0x0  }
0x9d: {  	s29 =	sadd.s32 $0x180, s29;
	[sflag:s23] =	ssyncadd.s32 $0xFFFFC000  }
0x9e: {  	[tilespmem:s19], [sflag:$0x2] =	stream.indirect.gather [hbm4b:s4+s18], $0x80, s29, s18, $0xb8;
	[tilespmem:$0x1E800] =	vst v63  }
0x9f: {  	_ =	swait.ge [sflag:s20], $0x4000  }
0xa0: {  	[sflag:s20] =	ssyncset.done $0x0  }
0xa1: {  	[sflag:s20] =	ssyncadd.s32 $0xFFFFC000  }
0xa2: {  	[spmem:s1] =	stream.indirect.scatter.add.f32 [tilespmem:s15], [sflag:$0x3], $0x80, s25, s18, $0xb8;
	[tilespmem:$0x1E800] =	vst v63  }
0xa3: {  	_ =	swait.ge [sflag:s21], $0x4000  }
0xa4: {  	[sflag:s21] =	ssyncset.done $0x0  }
0xa5: {  	[sflag:s21] =	ssyncadd.s32 $0xFFFFC000  }
0xa6: {  	_ =	swait.ge [sflag:s22], $0x4000  }
0xa7: {  	[sflag:s22] =	ssyncset.done $0x0  }
0xa8: {  	[sflag:s22] =	ssyncadd.s32 $0xFFFFC000  }
0xa9: {  	[spmem:s1] =	stream.indirect.scatter.add.f32 [tilespmem:s19], [sflag:$0x4], $0x80, s26, s18, $0xb8;
	[tilespmem:$0x1E800] =	vst v63  }
0xaa: {  	_ =	swait.ge [sflag:s23], $0x4000  }
0xab: {  	s28 =	sshll.u32 s3, $0x6;
	s2 =	sadd.s32 $0x1, s2;
	[sflag:s23] =	ssyncset.done $0x0  }
0xac: {  	s31 =	sshrl.u32 s5, $0x3;
	p0 =	sne.s32 s2, s10;
	[sflag:s23] =	ssyncadd.s32 $0xFFFFC000  }
.Ltmp3:
0xad: {  	s28 =	sor.u32 $0x1C05, s28;
	[bflag:$0x0] =	sbarrier.arrive $0xFFFF;
	(pc) =	sbr.rel @p0 .LBB2_1-.Ltmp3, $4  }
0xae: {  	[hbm:s24], [sflag:s28] =	dma.local [spmem:s31], $0x2800  }
0xaf: {  	_ =	swait.ge [sflag:s16], $0x2800  }
0xb0: {  	[sflag:s16] =	ssyncset.done $0x0  }
0xb1: {  	[sflag:s16] =	ssyncadd.s32 $0xFFFFD800  }
0xb2: {  	_ =	sfence.sel $0x180000  }
0xb3: {  	[bflag:$0x0] =	sbarrier.arrive $0xFFFF  }
0xb4: {  	p0 =	sne.s32 s3, $0x0;
	_ =	strace $0x9000004D  }
0xb5: {  	s0 =	sadd.s32 @!p0 $0x100000, s0;
	[bflag:$0x2] =	sbarrier.arrive $0xFFFF  }
0xb6: {  	[sflag:s0] =	ssyncadd.tile.s32 @!p0 $0x1;
	_ =	shalt  }
.Lfunc_end2:
_tile_overlayer_lowered:
.L_overlay_start_2:
0xb7: {  	(tag) =	ssettag $0x2  }
0xb8: {  	s0 =	rddreg [dreg:$0x0];
	s2 =	stileid.u32  }
0xb9: {  	s1 =	rddreg [dreg:$0x1];
	p0 =	sne.s32 s2, $0x0  }
0xba: {  	s3 =	rddreg [dreg:$0x2];
	[bflag:$0x3] =	sbarrier.arrive $0xFFFF;
	s2 =	simm.s32 @!p0 $0x1C05  }
0xbb: {  	[timem:s3], [sflag:s2] =	dma.local @!p0 [hbm:s0], s1  }
0xbc: {  	s0 =	simm.s32 @!p0 $0x5  }
0xbd: {  	_ =	swait.ge @!p0 [sflag:s0], s1  }
0xbe: {  	s1 =	ssub.s32 @!p0 $0x0, s1;
	[sflag:s0] =	ssyncset.done @!p0 $0x0  }
0xbf: {  	[sflag:s0] =	ssyncadd.s32 @!p0 s1  }
0xc0: {  	[bflag:$0x3] =	sbarrier.arrive $0xFFFF  }
0xc1: {  	_ =	shalt  }

// kernel: kernel.9.cloned.1.call-start
scs
__scs_entry_jumppad:
0x0: {  	(pc) =	sbr.rel $0x88, $3  }
0x1: {  	(tag) =	ssettag $0x0;
	lr =	simm.s32 $0x1  }
0x2: {  	[smem:$0x3F9A] =	sst lr;
	_ =	strace $0xD0000000  }
0x3: {  	_ = 	snop  }
0x4: {  	_ = 	snop  }
0x5: {  	_ = 	snop  }
0x6: {  	_ = 	snop  }
0x7: {  	_ = 	snop  }
__scs_overlays_trampoline_lowered:
0x8: {  	[smem:$0x3FA9] =	sst s0  }
0x9: {  	[smem:$0x3FAA] =	sst s1  }
0xa: {  	[smem:$0x3FAB] =	sst s2  }
0xb: {  	[smem:$0x3FAC] =	sst s3  }
0xc: {  	[smem:$0x3FAD] =	sst s4  }
0xd: {  	[smem:$0x3FAE] =	sst s5  }
0xe: {  	[smem:$0x3FAF] =	sst s6  }
0xf: {  	[smem:$0x3FB0] =	sst s7  }
0x10: {  	[smem:$0x3FB1] =	sst s8  }
0x11: {  	[smem:$0x3FB2] =	sst s9;
	s0 =	simm.s32 @!p0 $0x0  }
0x12: {  	s1 =	sld [smem:$0x3F98];
	s0 =	simm.s32 @p0 $0x1  }
0x13: {  	[smem:$0x3FB3] =	sst s0;
	s0 =	simm.s32 @!p1 $0x0  }
0x14: {  	s2 =	sld [smem:$0x3F97];
	s0 =	simm.s32 @p1 $0x1  }
0x15: {  	[smem:$0x3FB4] =	sst s0;
	s0 =	simm.s32 @!p2 $0x0  }
0x16: {  	s3 =	sld [smem:$0x3FDB];
	s0 =	simm.s32 @p2 $0x1  }
0x17: {  	s4 =	simm.s32 $0x1BF5;
	[smem:$0x3FB6] =	sst s0  }
0x18: {  	s0 =	sld [smem:$0x3F99];
	_ =	swait.ge [sflag:s4], $0x0  }
0x19: {  	s7 =	sld [smem:$0x3F9A]  }
0x1a: {  	s8 =	sadd.s32 $0xFFFFE003, lr  }
0x1b: {  	s9 =	sadd.s32 $0xFFFFFEF7, lr;
	s5 =	simm.s32 $0xFFFFFFFF;
	p2 =	slt.u32 s8, $0xFFFFF086  }
0x1c: {  	p1 =	slt.u32 s9, $0xF7A;
	s5 =	simm.s32 @!p2 $0x0  }
0x1d: {  	s5 =	simm.s32 @p1 $0x1;
	p0 =	seq.s32 s7, s2  }
0x1e: {  	s7 =	smul.u32 @!p0 $0xF7A, s2;
	p2 =	seq.s32 @!p0 s5, $0x0  }
0x1f: {  	s9 =	smul.u32 $0xF7A, s1;
	s8 =	simm.s32 @!p0 $0x1BF5;
	p2 =	por !p2, p0  }
0x20: {  	[sflag:s8] =	ssyncset.s32 @!p0 $0xFFFFF086;
	s6 =	sadd.s32 @!p0 s3, s7;
	s7 =	simm.s32 @!p0 $0x108  }
0x21: {  	s3 =	sadd.s32 s3, s9;
	s6 =	sadd.s32 @!p0 $0x88, s6;
	s7 =	simm.s32 @p2 $0x1082  }
0x22: {  	[simem:s7], [sflag:s8] =	dma.local @!p0 [hbm:s6], $0xF7A  }
0x23: {  	s9 =	sor.u32 $0xD0000000, s2;
	s6 =	simm.s32 $0x108;
	_ =	swait.ge @!p0 [sflag:s8], $0x0  }
0x24: {  	s3 =	sadd.s32 $0x88, s3;
	s6 =	simm.s32 @!p1 $0x1082;
	[sflag:s4] =	ssyncset.s32 $0xFFFFF086  }
0x25: {  	[simem:s6], [sflag:s4] =	dma.local [hbm:s3], $0xF7A  }
0x26: {  	[smem:$0x3F9A] =	sst s1;
	(tag) =	ssettag s2;
	_ =	strace s9  }
0x27: {  	s1 =	sld [smem:$0x3FAA]  }
0x28: {  	s2 =	sld [smem:$0x3FAB]  }
0x29: {  	s4 =	sld [smem:$0x3FAD]  }
0x2a: {  	p0 =	seq.s32 s5, $0x0;
	s5 =	sld [smem:$0x3FAE]  }
0x2b: {  	s6 =	sld [smem:$0x3FAF]  }
0x2c: {  	s7 =	sld [smem:$0x3FB0]  }
0x2d: {  	s3 =	simm.s32 $0x108;
	s8 =	sld [smem:$0x3FB1]  }
0x2e: {  	s3 =	simm.s32 @!p0 $0x1082;
	s9 =	sld [smem:$0x3FB2]  }
0x2f: {  	lr =	sadd.s32 s0, s3;
	s0 =	sld [smem:$0x3FA9]  }
0x30: {  	s3 =	sld [smem:$0x3FAC]  }
0x31: {  	[smem:$0x3FB5] =	sst s10  }
0x32: {  	s10 =	sld [smem:$0x3FB3];
	_ =	sdelay $0x3  }
0x33: {  	p0 =	seq.s32 s10, $0x1;
	s10 =	sld [smem:$0x3FB5];
	_ =	sdelay $0x3  }
0x34: {  	[smem:$0x3FB5] =	sst s10  }
0x35: {  	s10 =	sld [smem:$0x3FB4];
	_ =	sdelay $0x3  }
0x36: {  	p1 =	seq.s32 s10, $0x1;
	s10 =	sld [smem:$0x3FB5];
	_ =	sdelay $0x3  }
0x37: {  	[smem:$0x3FB5] =	sst s10  }
0x38: {  	s10 =	sld [smem:$0x3FB6]  }
0x39: {  	_ = 	snop;
	(pc) =	sbr.ind lr, $3  }
0x3a: {  	_ = 	snop  }
0x3b: {  	_ = 	snop  }
0x3c: {  	p2 =	seq.s32 s10, $0x1;
	s10 =	sld [smem:$0x3FB5]  }
0x3d: {  	_ =	shalt  }
0x3e: {  	_ =	shalt  }
0x3f: {  	_ =	shalt  }
0x40: {  	_ =	shalt  }
0x41: {  	_ =	shalt  }
0x42: {  	_ =	shalt  }
0x43: {  	_ =	shalt  }
0x44: {  	_ =	shalt  }
0x45: {  	_ =	shalt  }
0x46: {  	_ =	shalt  }
0x47: {  	_ =	shalt  }
0x48: {  	_ =	shalt  }
0x49: {  	_ =	shalt  }
0x4a: {  	_ =	shalt  }
0x4b: {  	_ =	shalt  }
0x4c: {  	_ =	shalt  }
0x4d: {  	_ =	shalt  }
0x4e: {  	_ =	shalt  }
0x4f: {  	_ =	shalt  }
0x50: {  	_ =	shalt  }
0x51: {  	_ =	shalt  }
0x52: {  	_ =	shalt  }
0x53: {  	_ =	shalt  }
0x54: {  	_ =	shalt  }
0x55: {  	_ =	shalt  }
0x56: {  	_ =	shalt  }
0x57: {  	_ =	shalt  }
0x58: {  	_ =	shalt  }
0x59: {  	_ =	shalt  }
0x5a: {  	_ =	shalt  }
0x5b: {  	_ =	shalt  }
0x5c: {  	_ =	shalt  }
0x5d: {  	_ =	shalt  }
0x5e: {  	_ =	shalt  }
0x5f: {  	_ =	shalt  }
0x60: {  	_ =	shalt  }
0x61: {  	_ =	shalt  }
0x62: {  	_ =	shalt  }
0x63: {  	_ =	shalt  }
0x64: {  	_ =	shalt  }
0x65: {  	_ =	shalt  }
0x66: {  	_ =	shalt  }
0x67: {  	_ =	shalt  }
0x68: {  	_ =	shalt  }
0x69: {  	_ =	shalt  }
0x6a: {  	_ =	shalt  }
0x6b: {  	_ =	shalt  }
0x6c: {  	_ =	shalt  }
0x6d: {  	_ =	shalt  }
0x6e: {  	_ =	shalt  }
0x6f: {  	_ =	shalt  }
0x70: {  	_ =	shalt  }
0x71: {  	_ =	shalt  }
0x72: {  	_ =	shalt  }
0x73: {  	_ =	shalt  }
0x74: {  	_ =	shalt  }
0x75: {  	_ =	shalt  }
0x76: {  	_ =	shalt  }
0x77: {  	_ =	shalt  }
0x78: {  	_ =	shalt  }
0x79: {  	_ =	shalt  }
0x7a: {  	_ =	shalt  }
0x7b: {  	_ =	shalt  }
0x7c: {  	_ =	shalt  }
0x7d: {  	_ =	shalt  }
0x7e: {  	_ =	shalt  }
0x7f: {  	_ =	shalt  }
0x80: {  	_ =	shalt  }
0x81: {  	_ =	shalt  }
0x82: {  	_ =	shalt  }
0x83: {  	_ =	shalt  }
0x84: {  	_ =	shalt  }
0x85: {  	_ =	shalt  }
0x86: {  	_ =	shalt  }
0x87: {  	_ =	shalt  }
.Lfunc_end0:
.L_simem_size_0:
called_computation_lowered:
.L_overlay_start_0:
0x88: {  	s2 =	sld [smem:$0x3FD9]  }
0x89: {  	s3 =	sld [smem:$0x3FFE];
	_ =	sdelay $0x1  }
0x8a: {  	s1 =	srdreg.scid  }
0x8b: {  	s0 =	sand.u32 $0x1, s1  }
0x8c: {  	s16 =	sshll.u32 s0, $0xA;
	s2 =	sadd.s32 s3, s2  }
0x8d: {  	s2 =	sadd.s32 s2, s16  }
0x8e: {  	[smem:$0x3FC1] =	sst s2  }
0x8f: {  	_ = 	snop  }
0x90: {  	(tm) =	ssettm $0x1  }
0x91: {  	s17 =	sld [smem:$0x3FFB];
	_ =	sdelay $0x3  }
0x92: {  	_ =	strace s17  }
0x93: {  	s2 =	sld [smem:$0x3FFC];
	_ =	sdelay $0x3  }
0x94: {  	_ =	strace s2  }
0x95: {  	s2 =	sld [smem:$0x3FFD];
	_ =	sdelay $0x3  }
0x96: {  	_ =	strace s2  }
0x97: {  	_ =	strace $0x8FFFFFFF  }
0x98: {  	s18 =	sld [smem:$0x3FDB];
	_ =	sdelay $0x1  }
0x99: {  	s19 =	simm.s32 $_scs_section_size  }
0x9a: {  	s4 =	simm.s32 $_size__tile_overlayer_lowered;
	s5 =	simm.s32 $_tile_overlayer_lowered  }
0x9b: {  	s22 =	simm.s32 $0x1BFF;
	s21 =	sshll.u32 s5, $0x1;
	s2 =	sadd.s32 s19, s18  }
0x9c: {  	s6 =	simm.s32 $0x0;
	s20 =	sshll.u32 s4, $0x1;
	s4 =	sadd.s32 s21, s2  }
0x9d: {  	[timem:s6], [sflag:s22] =	dma.local [hbm:s4], s20  }
0x9e: {  	_ =	swait.ge [sflag:s22], s20  }
0x9f: {  	s3 =	ssub.s32 $0x0, s20;
	[sflag:s22] =	ssyncset.done $0x0  }
0xa0: {  	[sflag:s22] =	ssyncadd.s32 s3;
	_ =	sdelay $0x1  }
0xa1: {  	s23 =	simm.s32 $0x1B8B  }
0xa2: {  	_ =	swait.ge [sflag:s23], $0x1  }
0xa3: {  	[sflag:s23] =	ssyncset.done $0x0  }
0xa4: {  	s25 =	simm.s32 $0x1B8E;
	s24 =	sld [smem:$0x3FFE];
	[sflag:s23] =	ssyncadd.s32 $0xFFFFFFFF  }
0xa5: {  	s26 =	simm.s32 $execute0_lowered;
	[smem:$0x3FD2] =	sst s25  }
0xa6: {  	s4 =	sshll.u32 s26, $0x1;
	_ =	strace $0x80000046;
	[dreg:$0x1] =	wrdreg $0xFFFFFFFF  }
0xa7: {  	s28 =	simm.s32 $_size_execute0_lowered;
	s2 =	sadd.s32 s2, s4;
	[dreg:$0x0] =	wrdreg $0x0  }
0xa8: {  	s4 =	sshll.u32 s28, $0x1;
	[dreg:$0x2] =	wrdreg s2  }
0xa9: {  	[dreg:$0x3] =	wrdreg s4  }
0xaa: {  	[dreg:$0x4] =	wrdreg $0xC0  }
0xab: {  	_ =	task [dreg:s6], $0x5FFFF  }
0xac: {  	[dreg:$0x1] =	wrdreg $0xFFFFFFFF  }
0xad: {  	[dreg:$0x0] =	wrdreg $0x60  }
0xae: {  	[dreg:$0x2] =	wrdreg s24  }
0xaf: {  	[dreg:$0x3] =	wrdreg $0x28800  }
0xb0: {  	[dreg:$0x4] =	wrdreg $0x9  }
0xb1: {  	_ =	task.clear_ibuf [dreg:s6], $0x5FFFF;
	_ =	strace $0x90000046  }
0xb2: {  	s29 =	simm.s32 $0x9;
	_ =	strace $0x80000048  }
0xb3: {  	_ =	swait.ge [sflag:s29], $0x1  }
0xb4: {  	[sflag:s29] =	ssyncadd.s32 $0xFFFFFFFF  }
0xb5: {  	_ =	strace $0x90000048  }
0xb6: {  	_ =	sfence  }
0xb7: {  	s30 =	sld [smem:$0x0];
	_ =	sdelay $0x2  }
0xb8: {  	s31 =	sshll.u32 s1, $0xD;
	s1 =	sshrl.u32 s1, $0x2  }
0xb9: {  	s3 =	sand.u32 $0x4000, s31;
	s1 =	sadd.s32 s1, s30  }
0xba: {  	s0 =	sor.u32 s3, s0;
	s1 =	sshll.u32 s1, $0x11  }
0xbb: {  	s0 =	sor.u32 s1, s0  }
0xbc: {  	s0 =	sadd.s32 $0x8F2B, s0  }
0xbd: {  	[sflag:s0] =	ssyncadd.remote.s32 $0x1  }
0xbe: {  	_ =	sfence.sel $0xFFFF  }
0xbf: {  	[dreg:$0x0] =	wrdreg $0xFFFFFFFF;
	(pc) =	sbr.abs _section_cstart, $3  }
0xc0: {  	[dreg:$0x1] =	wrdreg $0xFFFFFFFF  }
0xc1: {  	_ =	task.clear_ibuf [dreg:s6], $0x2FFFF;
	_ =	strace $0x9FFFFFFF  }
0xc2: {  	(tm) =	ssettm $0x7FFFFFFF  }
0xc3: {  	_ =	shalt  }
tec
execute0_lowered:
.L_overlay_start_1:
0x0: {  	(tag) =	ssettag $0x1  }
0x1: {  	s6 =	rddreg [dreg:$0x0]  }
0x2: {  	s0 =	srdreg.scid;
	s2 =	rddreg [dreg:$0x1]  }
0x3: {  	s1 =	stileid.u32;
	s3 =	simm.s32 $0x0;
	s15 =	simm.s32 $0x10  }
0x4: {  	s16 =	simm.s32 $0x0;
	s7 =	sand.u32 $0x1, s0;
	s0 =	rddreg [dreg:$0x2]  }
0x5: {  	[smem:$0x7FF] =	sst s3;
	s10 =	smul.u32 $0xA00, s1;
	s5 =	sadd.s32 $0xC000, s6  }
0x6: {  	s11 =	sshll.u32 s1, $0x6;
	s14 =	smul.u32 $0xA0, s1;
	s8 =	sshll.u32 s7, $0x4  }
0x7: {  	_ =	strace $0x80000047;
	s31 =	ssub.s32 $0x2, s7;
	s4 =	sor.u32 s1, s8  }
0x8: {  	s8 =	sadd.s32 s8, s6;
	s7 =	sshrl.u32 s31, $0x1;
	s10 =	sshrl.u32 s10, $0x2  }
0x9: {  	s4 =	smul.u32 $0x500, s4;
	s12 =	ssub.s32 s31, s7;
	s10 =	sadd.s32 s10, s2  }
0xa: {  	s13 =	sadd.s32 $0xC200, s8;
	s8 =	smax.u32 s12, $0x1;
	s12 =	simm.s32 $0x80  }
0xb: {  	s13 =	sadd.s32 s14, s13;
	s14 =	simm.s32 $0x20;
	s9 =	sadd.s32 s4, s6  }
0xc: {  	s4 =	sadd.s32 $0xBE00, s6;
	s6 =	sor.u32 $0x1C01, s11;
	s11 =	simm.s32 $0x2800  }
0xd: {  	s7 =	sadd.s32 $0x1E00, s9;
	s9 =	sshrl.u32 s10, $0x3;
	s10 =	simm.s32 $0x1  }
.LBB2_1:
0xe: {  	[spmem:s9], [sflag:s6] =	dma.local [hbm:s5], $0x50  }
0xf: {  	_ =	swait.ge [sflag:s10], $0x50  }
0x10: {  	[sflag:s10] =	ssyncset.done $0x0  }
0x11: {  	[sflag:s10] =	ssyncadd.s32 $0xFFFFFFB0  }
0x12: {  	[tilespmem:s11], [sflag:$0x1] =	stream.linear.gather [hbm4b:s4+s3], $0x80, $0x38;
	[tilespmem:$0x2B00] =	vst v63  }
0x13: {  	_ =	swait.ge [sflag:s10], $0x80  }
0x14: {  	[sflag:s10] =	ssyncset.done $0x0  }
0x15: {  	[sflag:s10] =	ssyncadd.s32 $0xFFFFFF80  }
0x16: {  	[tilespmem:s3], [sflag:$0x1] =	stream.linear.gather [hbm4b:s7+s3], $0x2800, $0x38;
	[tilespmem:$0x2B00] =	vst v63  }
0x17: {  	_ =	swait.ge [sflag:s10], $0x2800  }
0x18: {  	[sflag:s10] =	ssyncset.done $0x0  }
0x19: {  	[sflag:s10] =	ssyncadd.s32 $0xFFFFD800  }
0x1a: {  	s17 =	simm.s32 $0x0;
	[bflag:$0x0] =	sbarrier.arrive $0xFFFF  }
0x1b: {  	[spmem:s2] =	stream.indirect.scatter.add.f32 [tilespmem:s11], [sflag:$0x1], $0x1, s17, s12, $0xb8;
	[tilespmem:$0x2B00] =	vst v63  }
0x1c: {  	_ =	swait.ge [sflag:s10], $0x80  }
0x1d: {  	s17 =	simm.s32 $0x200;
	[sflag:s10] =	ssyncset.done $0x0  }
.LBB2_2:
0x1e: {  	s18 =	sshra.s32 s17, $0x2;
	[sflag:s10] =	ssyncadd.s32 $0xFFFFFF80;
	p0 =	sne.s32 s17, $0x9E00  }
0x1f: {  	[spmem:s2] =	stream.indirect.scatter.add.f32 [tilespmem:s11], [sflag:$0x1], $0x1, s18, s12, $0xb8;
	[tilespmem:$0x2B00] =	vst v63  }
.Ltmp0:
0x20: {  	_ = 	snop;
	(pc) =	sbr.rel @p0 .LBB2_2-.Ltmp0, $4  }
0x21: {  	_ = 	snop  }
0x22: {  	s17 =	sadd.s32 $0x200, s17  }
0x23: {  	_ =	swait.ge [sflag:s10], $0x80  }
0x24: {  	[sflag:s10] =	ssyncset.done $0x0  }
0x25: {  	s16 =	sadd.s32 $0x1, s16  }
0x26: {  	[sflag:s10] =	ssyncadd.s32 $0xFFFFFF80;
	p0 =	sne.s32 s16, s8  }
.Ltmp1:
0x27: {  	[bflag:$0x0] =	sbarrier.arrive $0xFFFF;
	(pc) =	sbr.rel @p0 .LBB2_1-.Ltmp1, $4  }
0x28: {  	[hbm:s13@s14], [sflag:s6] =	dma.strided [spmem:s9@s15], $0x50, s10, $0x10   }
0x29: {  	_ =	swait.ge [sflag:s10], $0x50  }
0x2a: {  	[sflag:s10] =	ssyncset.done $0x0  }
0x2b: {  	[sflag:s10] =	ssyncadd.s32 $0xFFFFFFB0  }
0x2c: {  	_ =	sfence.sel $0x180000  }
0x2d: {  	[bflag:$0x0] =	sbarrier.arrive $0xFFFF  }
0x2e: {  	p0 =	sne.s32 s1, $0x0;
	_ =	strace $0x90000047  }
0x2f: {  	s0 =	sadd.s32 @!p0 $0x100000, s0;
	[bflag:$0x2] =	sbarrier.arrive $0xFFFF  }
0x30: {  	[sflag:s0] =	ssyncadd.tile.s32 @!p0 $0x1;
	_ =	shalt  }
.Lfunc_end2:
_tile_overlayer_lowered:
.L_overlay_start_2:
0x31: {  	(tag) =	ssettag $0x2  }
0x32: {  	s0 =	rddreg [dreg:$0x0];
	s2 =	stileid.u32  }
0x33: {  	s1 =	rddreg [dreg:$0x1];
	p0 =	sne.s32 s2, $0x0  }
0x34: {  	s3 =	rddreg [dreg:$0x2];
	[bflag:$0x3] =	sbarrier.arrive $0xFFFF;
	s2 =	simm.s32 @!p0 $0x1C01  }
0x35: {  	[timem:s3], [sflag:s2] =	dma.local @!p0 [hbm:s0], s1  }
0x36: {  	s0 =	simm.s32 @!p0 $0x1  }
0x37: {  	_ =	swait.ge @!p0 [sflag:s0], s1  }
0x38: {  	s1 =	ssub.s32 @!p0 $0x0, s1;
	[sflag:s0] =	ssyncset.done @!p0 $0x0  }
0x39: {  	[sflag:s0] =	ssyncadd.s32 @!p0 s1  }
0x3a: {  	[bflag:$0x3] =	sbarrier.arrive $0xFFFF  }
0x3b: {  	_ =	shalt  }

</sc_bundles>
